<compile_context>
chip_gen: v7x
topology: tpu7x:2x2x1
jax: 0.10.2.dev20260603
libtpu: 0.0.44.dev20260713+nightly
codegen_flags: <defaults>
</compile_context>

<pallas_src>
import functools
import jax
import jax.numpy as jnp
from jax import lax
from jax.experimental import pallas as pl
from jax.experimental.pallas import tpu as pltpu
from jax.experimental.pallas import tpu_sc as plsc

S = 200
B = 4096
E = 64
NPOS = 201
NW = 32
BW = B // NW
LANES = 16
NBUF = 10
LA = 8
RUNROLL = 4


def _make_kernel():
    mesh = plsc.VectorSubcoreMesh(core_axis_name="c", subcore_axis_name="s")

    @functools.partial(
        pl.kernel,
        mesh=mesh,
        out_type=jax.ShapeDtypeStruct((S * B, E), jnp.float32),
        compiler_params=pltpu.CompilerParams(use_tc_tiling_on_sc=False),
        scratch_types=[
            pltpu.VMEM((S, BW), jnp.int32),
            pltpu.VMEM((NPOS * E,), jnp.float32),
        ]
        + [pltpu.VMEM((BW, E), jnp.float32) for _ in range(NBUF)]
        + [pltpu.SemaphoreType.DMA for _ in range(2 * NBUF)],
    )
    def k(idx_hbm, table_hbm, pos_hbm, out_hbm, idx_v, pos_v, *bufsem):
        bufs = bufsem[:NBUF]
        gsems = bufsem[NBUF:2 * NBUF]
        wsems = bufsem[2 * NBUF:]
        nc = lax.axis_index("c")
        ns = lax.axis_index("s")
        wid = ns * 2 + nc

        pltpu.sync_copy(pos_hbm, pos_v)
        pltpu.sync_copy(idx_hbm.at[wid], idx_v)

        def gather_start(s, kb):
            pltpu.make_async_copy(
                table_hbm.at[idx_v.at[s]], bufs[kb], gsems[kb]).start()

        def gather_wait(kb):
            pltpu.make_async_copy(
                table_hbm.at[idx_v.at[0]], bufs[kb], gsems[kb]).wait()

        def wb_start(s, kb):
            pltpu.make_async_copy(
                bufs[kb], out_hbm.at[pl.ds(s * B + wid * BW, BW)],
                wsems[kb]).start()

        def wb_wait(kb):
            pltpu.make_async_copy(
                bufs[kb], out_hbm.at[pl.ds(wid * BW, BW)], wsems[kb]).wait()

        for s0 in range(LA):
            gather_start(s0, s0)

        def g_body(g, _):
            for kb in range(NBUF):
                s = NBUF * g + kb
                gather_wait(kb)

                p = [pos_v[pl.ds(s * E + j * LANES, LANES)]
                     for j in range(E // LANES)]

                buf = bufs[kb]

                def r_body(r, _):
                    for rr in range(RUNROLL):
                        row = RUNROLL * r + rr
                        for j in range(E // LANES):
                            plsc.addupdate(
                                buf.at[row, pl.ds(j * LANES, LANES)], p[j])
                    return 0

                lax.fori_loop(0, BW // RUNROLL, r_body, 0)

                wb_start(s, kb)

                k2 = (kb + LA) % NBUF
                s2 = s + LA

                @pl.when(s2 < S)
                def _():
                    @pl.when(s2 >= NBUF)
                    def _():
                        wb_wait(k2)
                    gather_start(s2, k2)
            return 0

        lax.fori_loop(0, S // NBUF, g_body, 0)
        for kb in range(NBUF):
            wb_wait(kb)

    return k


_sc_kernel = _make_kernel()


def kernel(word_seq, word_emb, pos_table, word_pos):
    idx = jnp.transpose(word_seq.reshape(S, NW, BW), (1, 0, 2))
    pos_flat = pos_table.reshape(NPOS * E)
    out = _sc_kernel(idx, word_emb, pos_flat)
    return out.reshape(S, B, E)

# --- scband reference (transcript-rebuilt; emitter-appended) ---
"""Pipeline reference for scband-positional-encoder-84636625535410 (READ-ONLY COPY).

The authoritative reference and input builder live on the scoring server;
editing this copy changes nothing except your own understanding.
"""

import jax, jax.numpy as jnp
import numpy as np

VOCAB = 1000000
EMB = 64
MAX_LEN = 200
BATCH = 4096
NPOS = MAX_LEN + 1


def position_encoding_init(n_position, emb_dim):
    position_enc = np.array([[pos / np.power(10000, 2 * (j // 2) / emb_dim) for j in range(emb_dim)] if pos != 0 else np.zeros(emb_dim) for pos in range(n_position)])
    position_enc[1:, 0::2] = np.sin(position_enc[1:, 0::2])
    position_enc[1:, 1::2] = np.cos(position_enc[1:, 1::2])
    return jnp.asarray(position_enc, dtype=jnp.float32)


def setup_inputs(seed: int = 0) -> dict:
    key = jax.random.key(seed)
    k1, k2 = jax.random.split(key)
    word_seq = jax.random.randint(k1, (MAX_LEN, BATCH), 0, VOCAB, dtype=jnp.int32)
    # trainable word embedding table; padding_idx=0 row zeroed (nn.Embedding padding_idx)
    word_emb = (jax.random.normal(k2, (VOCAB, EMB), dtype=jnp.float32) * 0.02).at[0].set(0.0)
    # trainable positional table initialized with sinusoids
    pos_table = position_encoding_init(NPOS, EMB)
    # fixed word_pos buffer: arange(NPOS) stacked batch_size times, shape [B, NPOS]
    word_pos = jnp.broadcast_to(jnp.arange(NPOS, dtype=jnp.int32)[None, :], (BATCH, NPOS))
    return {"word_seq": word_seq, "word_emb": word_emb, "pos_table": pos_table, "word_pos": word_pos}


def reference(word_seq, word_emb, pos_table, word_pos):
    # word_embeddings = self.src_word_emb(word_seq)
    word_embeddings = jnp.take(word_emb, word_seq, axis=0)  # [S, B, E]
    seq_len = word_seq.shape[0]
    # self.position_enc(self.word_pos).permute(1, 0, 2)[0:seq_len]
    pos_emb = jnp.take(pos_table, word_pos, axis=0)  # [B, NPOS, E]
    pos_emb = jnp.transpose(pos_emb, (1, 0, 2))[0:seq_len]  # [S, B, E]
    return word_embeddings + pos_emb

if __name__ == "__main__":
    import jax
    _d = setup_inputs()
    print(jax.jit(kernel)(*tuple(_d.values())))

</pallas_src>

<mosaic_0001>
#map = affine_map<(d0, d1) -> (0, 0, 0)>
#map1 = affine_map<(d0, d1) -> (0, 0)>
#map2 = affine_map<(d0, d1) -> (0)>
module attributes {stable_mosaic.version = 14 : i64} {
  func.func @k(%arg0: i32, %arg1: i32, %arg2: memref<32x200x128xi32, #tpu.memory_space<hbm>>, %arg3: memref<1000000x64xf32, #tpu.memory_space<hbm>>, %arg4: memref<12864xf32, #tpu.memory_space<hbm>>, %arg5: memref<819200x64xf32, #tpu.memory_space<hbm>>, %arg6: memref<200x128xi32, #tpu.memory_space<vmem>>, %arg7: memref<12864xf32, #tpu.memory_space<vmem>>, %arg8: memref<128x64xf32, #tpu.memory_space<vmem>>, %arg9: memref<128x64xf32, #tpu.memory_space<vmem>>, %arg10: memref<128x64xf32, #tpu.memory_space<vmem>>, %arg11: memref<128x64xf32, #tpu.memory_space<vmem>>, %arg12: memref<128x64xf32, #tpu.memory_space<vmem>>, %arg13: memref<128x64xf32, #tpu.memory_space<vmem>>, %arg14: memref<128x64xf32, #tpu.memory_space<vmem>>, %arg15: memref<128x64xf32, #tpu.memory_space<vmem>>, %arg16: memref<128x64xf32, #tpu.memory_space<vmem>>, %arg17: memref<128x64xf32, #tpu.memory_space<vmem>>, %arg18: memref<!tpu.dma_semaphore, #tpu.memory_space<semaphore_mem>>, %arg19: memref<!tpu.dma_semaphore, #tpu.memory_space<semaphore_mem>>, %arg20: memref<!tpu.dma_semaphore, #tpu.memory_space<semaphore_mem>>, %arg21: memref<!tpu.dma_semaphore, #tpu.memory_space<semaphore_mem>>, %arg22: memref<!tpu.dma_semaphore, #tpu.memory_space<semaphore_mem>>, %arg23: memref<!tpu.dma_semaphore, #tpu.memory_space<semaphore_mem>>, %arg24: memref<!tpu.dma_semaphore, #tpu.memory_space<semaphore_mem>>, %arg25: memref<!tpu.dma_semaphore, #tpu.memory_space<semaphore_mem>>, %arg26: memref<!tpu.dma_semaphore, #tpu.memory_space<semaphore_mem>>, %arg27: memref<!tpu.dma_semaphore, #tpu.memory_space<semaphore_mem>>, %arg28: memref<!tpu.dma_semaphore, #tpu.memory_space<semaphore_mem>>, %arg29: memref<!tpu.dma_semaphore, #tpu.memory_space<semaphore_mem>>, %arg30: memref<!tpu.dma_semaphore, #tpu.memory_space<semaphore_mem>>, %arg31: memref<!tpu.dma_semaphore, #tpu.memory_space<semaphore_mem>>, %arg32: memref<!tpu.dma_semaphore, #tpu.memory_space<semaphore_mem>>, %arg33: memref<!tpu.dma_semaphore, #tpu.memory_space<semaphore_mem>>, %arg34: memref<!tpu.dma_semaphore, #tpu.memory_space<semaphore_mem>>, %arg35: memref<!tpu.dma_semaphore, #tpu.memory_space<semaphore_mem>>, %arg36: memref<!tpu.dma_semaphore, #tpu.memory_space<semaphore_mem>>, %arg37: memref<!tpu.dma_semaphore, #tpu.memory_space<semaphore_mem>>) attributes {dimension_semantics = [#tpu.dimension_semantics<core_parallel>, #tpu.dimension_semantics<subcore_parallel>], iteration_bounds = array<i64: 2, 16>, scalar_prefetch = 0 : i64, scratch_operands = 32 : i64, tpu.core_type = #tpu.core_type<sc_vector_subcore>, window_params = [{transform_indices = #map}, {transform_indices = #map1}, {transform_indices = #map2}, {transform_indices = #map1}]} {
    %mul3A = arith.constant 2 : i32
    %mul3A_0 = arith.muli %arg1, %mul3A : i32
    %add3A = arith.addi %mul3A_0, %arg0 : i32
    "tpu.region"() ({
      %run_scoped3A = tpu.sem_alloc : memref<!tpu.dma_semaphore, #tpu.memory_space<semaphore_mem>>
      tpu.enqueue_dma source(%arg4 : memref<12864xf32, #tpu.memory_space<hbm>>) target(%arg7 : memref<12864xf32, #tpu.memory_space<vmem>>) target_semaphore(%run_scoped3A : memref<!tpu.dma_semaphore, #tpu.memory_space<semaphore_mem>>)
      tpu.wait_dma2 semaphore(%run_scoped3A : memref<!tpu.dma_semaphore, #tpu.memory_space<semaphore_mem>>) src(%arg4 : memref<12864xf32, #tpu.memory_space<hbm>>) dst(%arg7 : memref<12864xf32, #tpu.memory_space<vmem>>)
      tpu.yield
    }) : () -> ()
    "tpu.region"() ({
      %run_scoped3A = tpu.sem_alloc : memref<!tpu.dma_semaphore, #tpu.memory_space<semaphore_mem>>
      %dma_start3A_121 = arith.constant 0 : i32
      %dma_start3A_122 = arith.constant 0 : i32
      %dma_start3A_123 = tpu.memref_slice %arg2[%add3A, %dma_start3A_121, %dma_start3A_122] : memref<32x200x128xi32, #tpu.memory_space<hbm>> -> memref<1x200x128xi32, #tpu.memory_space<hbm>>
      %dma_start3A_124 = tpu.memref_squeeze %dma_start3A_123 : memref<1x200x128xi32, #tpu.memory_space<hbm>> -> memref<200x128xi32, #tpu.memory_space<hbm>>
      %dma_start3A_125 = arith.constant 0 : i32
      %dma_start3A_126 = arith.constant 0 : i32
      %dma_start3A_127 = tpu.memref_slice %arg2[%add3A, %dma_start3A_125, %dma_start3A_126] : memref<32x200x128xi32, #tpu.memory_space<hbm>> -> memref<1x200x128xi32, #tpu.memory_space<hbm>>
      %dma_start3A_128 = tpu.memref_squeeze %dma_start3A_127 : memref<1x200x128xi32, #tpu.memory_space<hbm>> -> memref<200x128xi32, #tpu.memory_space<hbm>>
      tpu.enqueue_dma source(%dma_start3A_128 : memref<200x128xi32, #tpu.memory_space<hbm>>) target(%arg6 : memref<200x128xi32, #tpu.memory_space<vmem>>) target_semaphore(%run_scoped3A : memref<!tpu.dma_semaphore, #tpu.memory_space<semaphore_mem>>)
      %dma_wait3A_129 = arith.constant 0 : i32
      %dma_wait3A_130 = arith.constant 0 : i32
      %dma_wait3A_131 = tpu.memref_slice %arg2[%add3A, %dma_wait3A_129, %dma_wait3A_130] : memref<32x200x128xi32, #tpu.memory_space<hbm>> -> memref<1x200x128xi32, #tpu.memory_space<hbm>>
      %dma_wait3A_132 = tpu.memref_squeeze %dma_wait3A_131 : memref<1x200x128xi32, #tpu.memory_space<hbm>> -> memref<200x128xi32, #tpu.memory_space<hbm>>
      %dma_wait3A_133 = arith.constant 0 : i32
      %dma_wait3A_134 = arith.constant 0 : i32
      %dma_wait3A_135 = tpu.memref_slice %arg2[%add3A, %dma_wait3A_133, %dma_wait3A_134] : memref<32x200x128xi32, #tpu.memory_space<hbm>> -> memref<1x200x128xi32, #tpu.memory_space<hbm>>
      %dma_wait3A_136 = tpu.memref_squeeze %dma_wait3A_135 : memref<1x200x128xi32, #tpu.memory_space<hbm>> -> memref<200x128xi32, #tpu.memory_space<hbm>>
      tpu.wait_dma2 semaphore(%run_scoped3A : memref<!tpu.dma_semaphore, #tpu.memory_space<semaphore_mem>>) src(%dma_wait3A_136 : memref<200x128xi32, #tpu.memory_space<hbm>>) dst(%arg6 : memref<200x128xi32, #tpu.memory_space<vmem>>)
      tpu.yield
    }) : () -> ()
    %dma_start3A = arith.constant 0 : i32
    %dma_start3A_1 = arith.constant 0 : i32
    %dma_start3A_2 = tpu.memref_slice %arg6[%dma_start3A, %dma_start3A_1] : memref<200x128xi32, #tpu.memory_space<vmem>> -> memref<1x128xi32, #tpu.memory_space<vmem>>
    %dma_start3A_3 = tpu.memref_squeeze %dma_start3A_2 : memref<1x128xi32, #tpu.memory_space<vmem>> -> memref<128xi32, #tpu.memory_space<vmem>>
    %dma_start3A_4 = arith.constant 0 : i32
    %dma_start3A_5 = arith.constant 0 : i32
    %dma_start3A_6 = tpu.memref_slice %arg3[%dma_start3A_4, %dma_start3A_5] : memref<1000000x64xf32, #tpu.memory_space<hbm>> -> memref<1000000x64xf32, #tpu.memory_space<hbm>>
    tpu.enqueue_indirect_dma source(%dma_start3A_6 : memref<1000000x64xf32, #tpu.memory_space<hbm>>) target(%arg8 : memref<128x64xf32, #tpu.memory_space<vmem>>) offsets(%dma_start3A_3 : memref<128xi32, #tpu.memory_space<vmem>>) semaphore(%arg18 : memref<!tpu.dma_semaphore, #tpu.memory_space<semaphore_mem>>)
    %dma_start3A_7 = arith.constant 1 : i32
    %dma_start3A_8 = arith.constant 0 : i32
    %dma_start3A_9 = tpu.memref_slice %arg6[%dma_start3A_7, %dma_start3A_8] : memref<200x128xi32, #tpu.memory_space<vmem>> -> memref<1x128xi32, #tpu.memory_space<vmem>>
    %dma_start3A_10 = tpu.memref_squeeze %dma_start3A_9 : memref<1x128xi32, #tpu.memory_space<vmem>> -> memref<128xi32, #tpu.memory_space<vmem>>
    %dma_start3A_11 = arith.constant 0 : i32
    %dma_start3A_12 = arith.constant 0 : i32
    %dma_start3A_13 = tpu.memref_slice %arg3[%dma_start3A_11, %dma_start3A_12] : memref<1000000x64xf32, #tpu.memory_space<hbm>> -> memref<1000000x64xf32, #tpu.memory_space<hbm>>
    tpu.enqueue_indirect_dma source(%dma_start3A_13 : memref<1000000x64xf32, #tpu.memory_space<hbm>>) target(%arg9 : memref<128x64xf32, #tpu.memory_space<vmem>>) offsets(%dma_start3A_10 : memref<128xi32, #tpu.memory_space<vmem>>) semaphore(%arg19 : memref<!tpu.dma_semaphore, #tpu.memory_space<semaphore_mem>>)
    %dma_start3A_14 = arith.constant 2 : i32
    %dma_start3A_15 = arith.constant 0 : i32
    %dma_start3A_16 = tpu.memref_slice %arg6[%dma_start3A_14, %dma_start3A_15] : memref<200x128xi32, #tpu.memory_space<vmem>> -> memref<1x128xi32, #tpu.memory_space<vmem>>
    %dma_start3A_17 = tpu.memref_squeeze %dma_start3A_16 : memref<1x128xi32, #tpu.memory_space<vmem>> -> memref<128xi32, #tpu.memory_space<vmem>>
    %dma_start3A_18 = arith.constant 0 : i32
    %dma_start3A_19 = arith.constant 0 : i32
    %dma_start3A_20 = tpu.memref_slice %arg3[%dma_start3A_18, %dma_start3A_19] : memref<1000000x64xf32, #tpu.memory_space<hbm>> -> memref<1000000x64xf32, #tpu.memory_space<hbm>>
    tpu.enqueue_indirect_dma source(%dma_start3A_20 : memref<1000000x64xf32, #tpu.memory_space<hbm>>) target(%arg10 : memref<128x64xf32, #tpu.memory_space<vmem>>) offsets(%dma_start3A_17 : memref<128xi32, #tpu.memory_space<vmem>>) semaphore(%arg20 : memref<!tpu.dma_semaphore, #tpu.memory_space<semaphore_mem>>)
    %dma_start3A_21 = arith.constant 3 : i32
    %dma_start3A_22 = arith.constant 0 : i32
    %dma_start3A_23 = tpu.memref_slice %arg6[%dma_start3A_21, %dma_start3A_22] : memref<200x128xi32, #tpu.memory_space<vmem>> -> memref<1x128xi32, #tpu.memory_space<vmem>>
    %dma_start3A_24 = tpu.memref_squeeze %dma_start3A_23 : memref<1x128xi32, #tpu.memory_space<vmem>> -> memref<128xi32, #tpu.memory_space<vmem>>
    %dma_start3A_25 = arith.constant 0 : i32
    %dma_start3A_26 = arith.constant 0 : i32
    %dma_start3A_27 = tpu.memref_slice %arg3[%dma_start3A_25, %dma_start3A_26] : memref<1000000x64xf32, #tpu.memory_space<hbm>> -> memref<1000000x64xf32, #tpu.memory_space<hbm>>
    tpu.enqueue_indirect_dma source(%dma_start3A_27 : memref<1000000x64xf32, #tpu.memory_space<hbm>>) target(%arg11 : memref<128x64xf32, #tpu.memory_space<vmem>>) offsets(%dma_start3A_24 : memref<128xi32, #tpu.memory_space<vmem>>) semaphore(%arg21 : memref<!tpu.dma_semaphore, #tpu.memory_space<semaphore_mem>>)
    %dma_start3A_28 = arith.constant 4 : i32
    %dma_start3A_29 = arith.constant 0 : i32
    %dma_start3A_30 = tpu.memref_slice %arg6[%dma_start3A_28, %dma_start3A_29] : memref<200x128xi32, #tpu.memory_space<vmem>> -> memref<1x128xi32, #tpu.memory_space<vmem>>
    %dma_start3A_31 = tpu.memref_squeeze %dma_start3A_30 : memref<1x128xi32, #tpu.memory_space<vmem>> -> memref<128xi32, #tpu.memory_space<vmem>>
    %dma_start3A_32 = arith.constant 0 : i32
    %dma_start3A_33 = arith.constant 0 : i32
    %dma_start3A_34 = tpu.memref_slice %arg3[%dma_start3A_32, %dma_start3A_33] : memref<1000000x64xf32, #tpu.memory_space<hbm>> -> memref<1000000x64xf32, #tpu.memory_space<hbm>>
    tpu.enqueue_indirect_dma source(%dma_start3A_34 : memref<1000000x64xf32, #tpu.memory_space<hbm>>) target(%arg12 : memref<128x64xf32, #tpu.memory_space<vmem>>) offsets(%dma_start3A_31 : memref<128xi32, #tpu.memory_space<vmem>>) semaphore(%arg22 : memref<!tpu.dma_semaphore, #tpu.memory_space<semaphore_mem>>)
    %dma_start3A_35 = arith.constant 5 : i32
    %dma_start3A_36 = arith.constant 0 : i32
    %dma_start3A_37 = tpu.memref_slice %arg6[%dma_start3A_35, %dma_start3A_36] : memref<200x128xi32, #tpu.memory_space<vmem>> -> memref<1x128xi32, #tpu.memory_space<vmem>>
    %dma_start3A_38 = tpu.memref_squeeze %dma_start3A_37 : memref<1x128xi32, #tpu.memory_space<vmem>> -> memref<128xi32, #tpu.memory_space<vmem>>
    %dma_start3A_39 = arith.constant 0 : i32
    %dma_start3A_40 = arith.constant 0 : i32
    %dma_start3A_41 = tpu.memref_slice %arg3[%dma_start3A_39, %dma_start3A_40] : memref<1000000x64xf32, #tpu.memory_space<hbm>> -> memref<1000000x64xf32, #tpu.memory_space<hbm>>
    tpu.enqueue_indirect_dma source(%dma_start3A_41 : memref<1000000x64xf32, #tpu.memory_space<hbm>>) target(%arg13 : memref<128x64xf32, #tpu.memory_space<vmem>>) offsets(%dma_start3A_38 : memref<128xi32, #tpu.memory_space<vmem>>) semaphore(%arg23 : memref<!tpu.dma_semaphore, #tpu.memory_space<semaphore_mem>>)
    %dma_start3A_42 = arith.constant 6 : i32
    %dma_start3A_43 = arith.constant 0 : i32
    %dma_start3A_44 = tpu.memref_slice %arg6[%dma_start3A_42, %dma_start3A_43] : memref<200x128xi32, #tpu.memory_space<vmem>> -> memref<1x128xi32, #tpu.memory_space<vmem>>
    %dma_start3A_45 = tpu.memref_squeeze %dma_start3A_44 : memref<1x128xi32, #tpu.memory_space<vmem>> -> memref<128xi32, #tpu.memory_space<vmem>>
    %dma_start3A_46 = arith.constant 0 : i32
    %dma_start3A_47 = arith.constant 0 : i32
    %dma_start3A_48 = tpu.memref_slice %arg3[%dma_start3A_46, %dma_start3A_47] : memref<1000000x64xf32, #tpu.memory_space<hbm>> -> memref<1000000x64xf32, #tpu.memory_space<hbm>>
    tpu.enqueue_indirect_dma source(%dma_start3A_48 : memref<1000000x64xf32, #tpu.memory_space<hbm>>) target(%arg14 : memref<128x64xf32, #tpu.memory_space<vmem>>) offsets(%dma_start3A_45 : memref<128xi32, #tpu.memory_space<vmem>>) semaphore(%arg24 : memref<!tpu.dma_semaphore, #tpu.memory_space<semaphore_mem>>)
    %dma_start3A_49 = arith.constant 7 : i32
    %dma_start3A_50 = arith.constant 0 : i32
    %dma_start3A_51 = tpu.memref_slice %arg6[%dma_start3A_49, %dma_start3A_50] : memref<200x128xi32, #tpu.memory_space<vmem>> -> memref<1x128xi32, #tpu.memory_space<vmem>>
    %dma_start3A_52 = tpu.memref_squeeze %dma_start3A_51 : memref<1x128xi32, #tpu.memory_space<vmem>> -> memref<128xi32, #tpu.memory_space<vmem>>
    %dma_start3A_53 = arith.constant 0 : i32
    %dma_start3A_54 = arith.constant 0 : i32
    %dma_start3A_55 = tpu.memref_slice %arg3[%dma_start3A_53, %dma_start3A_54] : memref<1000000x64xf32, #tpu.memory_space<hbm>> -> memref<1000000x64xf32, #tpu.memory_space<hbm>>
    tpu.enqueue_indirect_dma source(%dma_start3A_55 : memref<1000000x64xf32, #tpu.memory_space<hbm>>) target(%arg15 : memref<128x64xf32, #tpu.memory_space<vmem>>) offsets(%dma_start3A_52 : memref<128xi32, #tpu.memory_space<vmem>>) semaphore(%arg25 : memref<!tpu.dma_semaphore, #tpu.memory_space<semaphore_mem>>)
    %scan3A = arith.constant 0 : i32
    %scan3A_56 = arith.constant 0 : i32
    %scan3A_57 = arith.constant 20 : i32
    %scan3A_58 = arith.addi %scan3A_56, %scan3A_57 : i32
    %scan3A_59 = arith.constant 1 : i32
    %scan3A_60 = scf.for %scan3A_121 = %scan3A_56 to %scan3A_58 step %scan3A_59 iter_args(%scan3A_122 = %scan3A) -> (i32)  : i32 {
      %mul3A_123 = arith.constant 10 : i32
      %mul3A_124 = arith.muli %mul3A_123, %scan3A_121 : i32
      %add3A_125 = arith.constant 0 : i32
      %add3A_126 = arith.addi %mul3A_124, %add3A_125 : i32
      %dma_wait3A_127 = arith.constant 0 : i32
      %dma_wait3A_128 = arith.constant 0 : i32
      %dma_wait3A_129 = tpu.memref_slice %arg6[%dma_wait3A_127, %dma_wait3A_128] : memref<200x128xi32, #tpu.memory_space<vmem>> -> memref<1x128xi32, #tpu.memory_space<vmem>>
      %dma_wait3A_130 = tpu.memref_squeeze %dma_wait3A_129 : memref<1x128xi32, #tpu.memory_space<vmem>> -> memref<128xi32, #tpu.memory_space<vmem>>
      %dma_wait3A_131 = arith.constant 0 : i32
      %dma_wait3A_132 = arith.constant 0 : i32
      %dma_wait3A_133 = tpu.memref_slice %arg3[%dma_wait3A_131, %dma_wait3A_132] : memref<1000000x64xf32, #tpu.memory_space<hbm>> -> memref<1000000x64xf32, #tpu.memory_space<hbm>>
      tpu.wait_indirect_dma semaphore(%arg18 : memref<!tpu.dma_semaphore, #tpu.memory_space<semaphore_mem>>) src(%dma_wait3A_133 : memref<1000000x64xf32, #tpu.memory_space<hbm>>) dst(%arg8 : memref<128x64xf32, #tpu.memory_space<vmem>>)
      %mul3A_134 = arith.constant 64 : i32
      %mul3A_135 = arith.muli %add3A_126, %mul3A_134 : i32
      %add3A_136 = arith.constant 0 : i32
      %add3A_137 = arith.addi %mul3A_135, %add3A_136 : i32
      %get3A = arith.index_cast %add3A_137 : i32 to index
      %get3A_138 = tpu.vector_load %arg7[%get3A] {strides = array<i32>} : memref<12864xf32, #tpu.memory_space<vmem>>, vector<16xf32>,
      %get3A_139 = vector.shape_cast %get3A_138 : vector<16xf32> to vector<16xf32>
      %mul3A_140 = arith.constant 64 : i32
      %mul3A_141 = arith.muli %add3A_126, %mul3A_140 : i32
      %add3A_142 = arith.constant 16 : i32
      %add3A_143 = arith.addi %mul3A_141, %add3A_142 : i32
      %get3A_144 = arith.index_cast %add3A_143 : i32 to index
      %get3A_145 = tpu.vector_load %arg7[%get3A_144] {strides = array<i32>} : memref<12864xf32, #tpu.memory_space<vmem>>, vector<16xf32>,
      %get3A_146 = vector.shape_cast %get3A_145 : vector<16xf32> to vector<16xf32>
      %mul3A_147 = arith.constant 64 : i32
      %mul3A_148 = arith.muli %add3A_126, %mul3A_147 : i32
      %add3A_149 = arith.constant 32 : i32
      %add3A_150 = arith.addi %mul3A_148, %add3A_149 : i32
      %get3A_151 = arith.index_cast %add3A_150 : i32 to index
      %get3A_152 = tpu.vector_load %arg7[%get3A_151] {strides = array<i32>} : memref<12864xf32, #tpu.memory_space<vmem>>, vector<16xf32>,
      %get3A_153 = vector.shape_cast %get3A_152 : vector<16xf32> to vector<16xf32>
      %mul3A_154 = arith.constant 64 : i32
      %mul3A_155 = arith.muli %add3A_126, %mul3A_154 : i32
      %add3A_156 = arith.constant 48 : i32
      %add3A_157 = arith.addi %mul3A_155, %add3A_156 : i32
      %get3A_158 = arith.index_cast %add3A_157 : i32 to index
      %get3A_159 = tpu.vector_load %arg7[%get3A_158] {strides = array<i32>} : memref<12864xf32, #tpu.memory_space<vmem>>, vector<16xf32>,
      %get3A_160 = vector.shape_cast %get3A_159 : vector<16xf32> to vector<16xf32>
      %scan3A_161 = arith.constant 0 : i32
      %scan3A_162 = arith.constant 0 : i32
      %scan3A_163 = arith.constant 32 : i32
      %scan3A_164 = arith.addi %scan3A_162, %scan3A_163 : i32
      %scan3A_165 = arith.constant 1 : i32
      %scan3A_166 = scf.for %scan3A_740 = %scan3A_162 to %scan3A_164 step %scan3A_165 iter_args(%scan3A_741 = %scan3A_161) -> (i32)  : i32 {
        %mul3A_742 = arith.constant 4 : i32
        %mul3A_743 = arith.muli %mul3A_742, %scan3A_740 : i32
        %add3A_744 = arith.constant 0 : i32
        %add3A_745 = arith.addi %mul3A_743, %add3A_744 : i32
        %swap3A = arith.index_cast %add3A_745 : i32 to index
        %swap3A_746 = arith.constant 0 : index
        %swap3A_747 = tpu.vector_load %arg8[%swap3A, %swap3A_746] {strides = array<i32>} : memref<128x64xf32, #tpu.memory_space<vmem>>, vector<1x16xf32>,
        %swap3A_748 = vector.shape_cast %swap3A_747 : vector<1x16xf32> to vector<16xf32>
        %swap3A_749 = vector.shape_cast %get3A_139 : vector<16xf32> to vector<1x16xf32>
        tpu.vector_store %arg8[%swap3A, %swap3A_746], %swap3A_749 {add = true, strides = array<i32>} : memref<128x64xf32, #tpu.memory_space<vmem>>, vector<1x16xf32>,
        %swap3A_750 = arith.index_cast %add3A_745 : i32 to index
        %swap3A_751 = arith.constant 16 : index
        %swap3A_752 = tpu.vector_load %arg8[%swap3A_750, %swap3A_751] {strides = array<i32>} : memref<128x64xf32, #tpu.memory_space<vmem>>, vector<1x16xf32>,
        %swap3A_753 = vector.shape_cast %swap3A_752 : vector<1x16xf32> to vector<16xf32>
        %swap3A_754 = vector.shape_cast %get3A_146 : vector<16xf32> to vector<1x16xf32>
        tpu.vector_store %arg8[%swap3A_750, %swap3A_751], %swap3A_754 {add = true, strides = array<i32>} : memref<128x64xf32, #tpu.memory_space<vmem>>, vector<1x16xf32>,
        %swap3A_755 = arith.index_cast %add3A_745 : i32 to index
        %swap3A_756 = arith.constant 32 : index
        %swap3A_757 = tpu.vector_load %arg8[%swap3A_755, %swap3A_756] {strides = array<i32>} : memref<128x64xf32, #tpu.memory_space<vmem>>, vector<1x16xf32>,
        %swap3A_758 = vector.shape_cast %swap3A_757 : vector<1x16xf32> to vector<16xf32>
        %swap3A_759 = vector.shape_cast %get3A_153 : vector<16xf32> to vector<1x16xf32>
        tpu.vector_store %arg8[%swap3A_755, %swap3A_756], %swap3A_759 {add = true, strides = array<i32>} : memref<128x64xf32, #tpu.memory_space<vmem>>, vector<1x16xf32>,
        %swap3A_760 = arith.index_cast %add3A_745 : i32 to index
        %swap3A_761 = arith.constant 48 : index
        %swap3A_762 = tpu.vector_load %arg8[%swap3A_760, %swap3A_761] {strides = array<i32>} : memref<128x64xf32, #tpu.memory_space<vmem>>, vector<1x16xf32>,
        %swap3A_763 = vector.shape_cast %swap3A_762 : vector<1x16xf32> to vector<16xf32>
        %swap3A_764 = vector.shape_cast %get3A_160 : vector<16xf32> to vector<1x16xf32>
        tpu.vector_store %arg8[%swap3A_760, %swap3A_761], %swap3A_764 {add = true, strides = array<i32>} : memref<128x64xf32, #tpu.memory_space<vmem>>, vector<1x16xf32>,
        %mul3A_765 = arith.constant 4 : i32
        %mul3A_766 = arith.muli %mul3A_765, %scan3A_740 : i32
        %add3A_767 = arith.constant 1 : i32
        %add3A_768 = arith.addi %mul3A_766, %add3A_767 : i32
        %swap3A_769 = arith.index_cast %add3A_768 : i32 to index
        %swap3A_770 = arith.constant 0 : index
        %swap3A_771 = tpu.vector_load %arg8[%swap3A_769, %swap3A_770] {strides = array<i32>} : memref<128x64xf32, #tpu.memory_space<vmem>>, vector<1x16xf32>,
        %swap3A_772 = vector.shape_cast %swap3A_771 : vector<1x16xf32> to vector<16xf32>
        %swap3A_773 = vector.shape_cast %get3A_139 : vector<16xf32> to vector<1x16xf32>
        tpu.vector_store %arg8[%swap3A_769, %swap3A_770], %swap3A_773 {add = true, strides = array<i32>} : memref<128x64xf32, #tpu.memory_space<vmem>>, vector<1x16xf32>,
        %swap3A_774 = arith.index_cast %add3A_768 : i32 to index
        %swap3A_775 = arith.constant 16 : index
        %swap3A_776 = tpu.vector_load %arg8[%swap3A_774, %swap3A_775] {strides = array<i32>} : memref<128x64xf32, #tpu.memory_space<vmem>>, vector<1x16xf32>,
        %swap3A_777 = vector.shape_cast %swap3A_776 : vector<1x16xf32> to vector<16xf32>
        %swap3A_778 = vector.shape_cast %get3A_146 : vector<16xf32> to vector<1x16xf32>
        tpu.vector_store %arg8[%swap3A_774, %swap3A_775], %swap3A_778 {add = true, strides = array<i32>} : memref<128x64xf32, #tpu.memory_space<vmem>>, vector<1x16xf32>,
        %swap3A_779 = arith.index_cast %add3A_768 : i32 to index
        %swap3A_780 = arith.constant 32 : index
        %swap3A_781 = tpu.vector_load %arg8[%swap3A_779, %swap3A_780] {strides = array<i32>} : memref<128x64xf32, #tpu.memory_space<vmem>>, vector<1x16xf32>,
        %swap3A_782 = vector.shape_cast %swap3A_781 : vector<1x16xf32> to vector<16xf32>
        %swap3A_783 = vector.shape_cast %get3A_153 : vector<16xf32> to vector<1x16xf32>
        tpu.vector_store %arg8[%swap3A_779, %swap3A_780], %swap3A_783 {add = true, strides = array<i32>} : memref<128x64xf32, #tpu.memory_space<vmem>>, vector<1x16xf32>,
        %swap3A_784 = arith.index_cast %add3A_768 : i32 to index
        %swap3A_785 = arith.constant 48 : index
        %swap3A_786 = tpu.vector_load %arg8[%swap3A_784, %swap3A_785] {strides = array<i32>} : memref<128x64xf32, #tpu.memory_space<vmem>>, vector<1x16xf32>,
        %swap3A_787 = vector.shape_cast %swap3A_786 : vector<1x16xf32> to vector<16xf32>
        %swap3A_788 = vector.shape_cast %get3A_160 : vector<16xf32> to vector<1x16xf32>
        tpu.vector_store %arg8[%swap3A_784, %swap3A_785], %swap3A_788 {add = true, strides = array<i32>} : memref<128x64xf32, #tpu.memory_space<vmem>>, vector<1x16xf32>,
        %mul3A_789 = arith.constant 4 : i32
        %mul3A_790 = arith.muli %mul3A_789, %scan3A_740 : i32
        %add3A_791 = arith.constant 2 : i32
        %add3A_792 = arith.addi %mul3A_790, %add3A_791 : i32
        %swap3A_793 = arith.index_cast %add3A_792 : i32 to index
        %swap3A_794 = arith.constant 0 : index
        %swap3A_795 = tpu.vector_load %arg8[%swap3A_793, %swap3A_794] {strides = array<i32>} : memref<128x64xf32, #tpu.memory_space<vmem>>, vector<1x16xf32>,
        %swap3A_796 = vector.shape_cast %swap3A_795 : vector<1x16xf32> to vector<16xf32>
        %swap3A_797 = vector.shape_cast %get3A_139 : vector<16xf32> to vector<1x16xf32>
        tpu.vector_store %arg8[%swap3A_793, %swap3A_794], %swap3A_797 {add = true, strides = array<i32>} : memref<128x64xf32, #tpu.memory_space<vmem>>, vector<1x16xf32>,
        %swap3A_798 = arith.index_cast %add3A_792 : i32 to index
        %swap3A_799 = arith.constant 16 : index
        %swap3A_800 = tpu.vector_load %arg8[%swap3A_798, %swap3A_799] {strides = array<i32>} : memref<128x64xf32, #tpu.memory_space<vmem>>, vector<1x16xf32>,
        %swap3A_801 = vector.shape_cast %swap3A_800 : vector<1x16xf32> to vector<16xf32>
        %swap3A_802 = vector.shape_cast %get3A_146 : vector<16xf32> to vector<1x16xf32>
        tpu.vector_store %arg8[%swap3A_798, %swap3A_799], %swap3A_802 {add = true, strides = array<i32>} : memref<128x64xf32, #tpu.memory_space<vmem>>, vector<1x16xf32>,
        %swap3A_803 = arith.index_cast %add3A_792 : i32 to index
        %swap3A_804 = arith.constant 32 : index
        %swap3A_805 = tpu.vector_load %arg8[%swap3A_803, %swap3A_804] {strides = array<i32>} : memref<128x64xf32, #tpu.memory_space<vmem>>, vector<1x16xf32>,
        %swap3A_806 = vector.shape_cast %swap3A_805 : vector<1x16xf32> to vector<16xf32>
        %swap3A_807 = vector.shape_cast %get3A_153 : vector<16xf32> to vector<1x16xf32>
        tpu.vector_store %arg8[%swap3A_803, %swap3A_804], %swap3A_807 {add = true, strides = array<i32>} : memref<128x64xf32, #tpu.memory_space<vmem>>, vector<1x16xf32>,
        %swap3A_808 = arith.index_cast %add3A_792 : i32 to index
        %swap3A_809 = arith.constant 48 : index
        %swap3A_810 = tpu.vector_load %arg8[%swap3A_808, %swap3A_809] {strides = array<i32>} : memref<128x64xf32, #tpu.memory_space<vmem>>, vector<1x16xf32>,
        %swap3A_811 = vector.shape_cast %swap3A_810 : vector<1x16xf32> to vector<16xf32>
        %swap3A_812 = vector.shape_cast %get3A_160 : vector<16xf32> to vector<1x16xf32>
        tpu.vector_store %arg8[%swap3A_808, %swap3A_809], %swap3A_812 {add = true, strides = array<i32>} : memref<128x64xf32, #tpu.memory_space<vmem>>, vector<1x16xf32>,
        %mul3A_813 = arith.constant 4 : i32
        %mul3A_814 = arith.muli %mul3A_813, %scan3A_740 : i32
        %add3A_815 = arith.constant 3 : i32
        %add3A_816 = arith.addi %mul3A_814, %add3A_815 : i32
        %swap3A_817 = arith.index_cast %add3A_816 : i32 to index
        %swap3A_818 = arith.constant 0 : index
        %swap3A_819 = tpu.vector_load %arg8[%swap3A_817, %swap3A_818] {strides = array<i32>} : memref<128x64xf32, #tpu.memory_space<vmem>>, vector<1x16xf32>,
        %swap3A_820 = vector.shape_cast %swap3A_819 : vector<1x16xf32> to vector<16xf32>
        %swap3A_821 = vector.shape_cast %get3A_139 : vector<16xf32> to vector<1x16xf32>
        tpu.vector_store %arg8[%swap3A_817, %swap3A_818], %swap3A_821 {add = true, strides = array<i32>} : memref<128x64xf32, #tpu.memory_space<vmem>>, vector<1x16xf32>,
        %swap3A_822 = arith.index_cast %add3A_816 : i32 to index
        %swap3A_823 = arith.constant 16 : index
        %swap3A_824 = tpu.vector_load %arg8[%swap3A_822, %swap3A_823] {strides = array<i32>} : memref<128x64xf32, #tpu.memory_space<vmem>>, vector<1x16xf32>,
        %swap3A_825 = vector.shape_cast %swap3A_824 : vector<1x16xf32> to vector<16xf32>
        %swap3A_826 = vector.shape_cast %get3A_146 : vector<16xf32> to vector<1x16xf32>
        tpu.vector_store %arg8[%swap3A_822, %swap3A_823], %swap3A_826 {add = true, strides = array<i32>} : memref<128x64xf32, #tpu.memory_space<vmem>>, vector<1x16xf32>,
        %swap3A_827 = arith.index_cast %add3A_816 : i32 to index
        %swap3A_828 = arith.constant 32 : index
        %swap3A_829 = tpu.vector_load %arg8[%swap3A_827, %swap3A_828] {strides = array<i32>} : memref<128x64xf32, #tpu.memory_space<vmem>>, vector<1x16xf32>,
        %swap3A_830 = vector.shape_cast %swap3A_829 : vector<1x16xf32> to vector<16xf32>
        %swap3A_831 = vector.shape_cast %get3A_153 : vector<16xf32> to vector<1x16xf32>
        tpu.vector_store %arg8[%swap3A_827, %swap3A_828], %swap3A_831 {add = true, strides = array<i32>} : memref<128x64xf32, #tpu.memory_space<vmem>>, vector<1x16xf32>,
        %swap3A_832 = arith.index_cast %add3A_816 : i32 to index
        %swap3A_833 = arith.constant 48 : index
        %swap3A_834 = tpu.vector_load %arg8[%swap3A_832, %swap3A_833] {strides = array<i32>} : memref<128x64xf32, #tpu.memory_space<vmem>>, vector<1x16xf32>,
        %swap3A_835 = vector.shape_cast %swap3A_834 : vector<1x16xf32> to vector<16xf32>
        %swap3A_836 = vector.shape_cast %get3A_160 : vector<16xf32> to vector<1x16xf32>
        tpu.vector_store %arg8[%swap3A_832, %swap3A_833], %swap3A_836 {add = true, strides = array<i32>} : memref<128x64xf32, #tpu.memory_space<vmem>>, vector<1x16xf32>,
        %scan3A_837 = arith.constant 0 : i32
        scf.yield %scan3A_837 : i32
      }
      %scan3A_167 = arith.constant 32 : i32
      %mul3A_168 = arith.constant 4096 : i32
      %mul3A_169 = arith.muli %add3A_126, %mul3A_168 : i32
      %mul3A_170 = arith.constant 128 : i32
      %mul3A_171 = arith.muli %add3A, %mul3A_170 : i32
      %add3A_172 = arith.addi %mul3A_169, %mul3A_171 : i32
      %dma_start3A_173 = arith.constant 0 : i32
      %dma_start3A_174 = tpu.memref_slice %arg5[%add3A_172, %dma_start3A_173] : memref<819200x64xf32, #tpu.memory_space<hbm>> -> memref<128x64xf32, #tpu.memory_space<hbm>>
      %dma_start3A_175 = arith.constant 0 : i32
      %dma_start3A_176 = tpu.memref_slice %arg5[%add3A_172, %dma_start3A_175] : memref<819200x64xf32, #tpu.memory_space<hbm>> -> memref<128x64xf32, #tpu.memory_space<hbm>>
      tpu.enqueue_dma source(%arg8 : memref<128x64xf32, #tpu.memory_space<vmem>>) target(%dma_start3A_176 : memref<128x64xf32, #tpu.memory_space<hbm>>) target_semaphore(%arg28 : memref<!tpu.dma_semaphore, #tpu.memory_space<semaphore_mem>>)
      %add3A_177 = arith.constant 8 : i32
      %add3A_178 = arith.addi %add3A_126, %add3A_177 : i32
      %lt3A = arith.constant 200 : i32
      %lt3A_179 = arith.cmpi slt, %add3A_178, %lt3A : i32
      %convert_element_type3A = arith.extui %lt3A_179 : i1 to i32
      %cond3A = arith.constant 0 : i32
      %cond3A_180 = arith.cmpi ne, %convert_element_type3A, %cond3A : i32
      scf.if %cond3A_180 {
        %ge3A = arith.constant 10 : i32
        %ge3A_740 = arith.cmpi sge, %add3A_178, %ge3A : i32
        %convert_element_type3A_741 = arith.extui %ge3A_740 : i1 to i32
        %cond3A_742 = arith.constant 0 : i32
        %cond3A_743 = arith.cmpi ne, %convert_element_type3A_741, %cond3A_742 : i32
        scf.if %cond3A_743 {
          %mul3A_750 = arith.constant 128 : i32
          %mul3A_751 = arith.muli %add3A, %mul3A_750 : i32
          %dma_wait3A_752 = arith.constant 0 : i32
          %dma_wait3A_753 = tpu.memref_slice %arg5[%mul3A_751, %dma_wait3A_752] : memref<819200x64xf32, #tpu.memory_space<hbm>> -> memref<128x64xf32, #tpu.memory_space<hbm>>
          %dma_wait3A_754 = arith.constant 0 : i32
          %dma_wait3A_755 = tpu.memref_slice %arg5[%mul3A_751, %dma_wait3A_754] : memref<819200x64xf32, #tpu.memory_space<hbm>> -> memref<128x64xf32, #tpu.memory_space<hbm>>
          tpu.wait_dma2 semaphore(%arg36 : memref<!tpu.dma_semaphore, #tpu.memory_space<semaphore_mem>>) src(%arg16 : memref<128x64xf32, #tpu.memory_space<vmem>>) dst(%dma_wait3A_755 : memref<128x64xf32, #tpu.memory_space<hbm>>)
        } else {
        }
        %dma_start3A_744 = arith.constant 0 : i32
        %dma_start3A_745 = tpu.memref_slice %arg6[%add3A_178, %dma_start3A_744] : memref<200x128xi32, #tpu.memory_space<vmem>> -> memref<1x128xi32, #tpu.memory_space<vmem>>
        %dma_start3A_746 = tpu.memref_squeeze %dma_start3A_745 : memref<1x128xi32, #tpu.memory_space<vmem>> -> memref<128xi32, #tpu.memory_space<vmem>>
        %dma_start3A_747 = arith.constant 0 : i32
        %dma_start3A_748 = arith.constant 0 : i32
        %dma_start3A_749 = tpu.memref_slice %arg3[%dma_start3A_747, %dma_start3A_748] : memref<1000000x64xf32, #tpu.memory_space<hbm>> -> memref<1000000x64xf32, #tpu.memory_space<hbm>>
        tpu.enqueue_indirect_dma source(%dma_start3A_749 : memref<1000000x64xf32, #tpu.memory_space<hbm>>) target(%arg16 : memref<128x64xf32, #tpu.memory_space<vmem>>) offsets(%dma_start3A_746 : memref<128xi32, #tpu.memory_space<vmem>>) semaphore(%arg26 : memref<!tpu.dma_semaphore, #tpu.memory_space<semaphore_mem>>)
      } else {
      }
      %mul3A_181 = arith.constant 10 : i32
      %mul3A_182 = arith.muli %mul3A_181, %scan3A_121 : i32
      %add3A_183 = arith.constant 1 : i32
      %add3A_184 = arith.addi %mul3A_182, %add3A_183 : i32
      %dma_wait3A_185 = arith.constant 0 : i32
      %dma_wait3A_186 = arith.constant 0 : i32
      %dma_wait3A_187 = tpu.memref_slice %arg6[%dma_wait3A_185, %dma_wait3A_186] : memref<200x128xi32, #tpu.memory_space<vmem>> -> memref<1x128xi32, #tpu.memory_space<vmem>>
      %dma_wait3A_188 = tpu.memref_squeeze %dma_wait3A_187 : memref<1x128xi32, #tpu.memory_space<vmem>> -> memref<128xi32, #tpu.memory_space<vmem>>
      %dma_wait3A_189 = arith.constant 0 : i32
      %dma_wait3A_190 = arith.constant 0 : i32
      %dma_wait3A_191 = tpu.memref_slice %arg3[%dma_wait3A_189, %dma_wait3A_190] : memref<1000000x64xf32, #tpu.memory_space<hbm>> -> memref<1000000x64xf32, #tpu.memory_space<hbm>>
      tpu.wait_indirect_dma semaphore(%arg19 : memref<!tpu.dma_semaphore, #tpu.memory_space<semaphore_mem>>) src(%dma_wait3A_191 : memref<1000000x64xf32, #tpu.memory_space<hbm>>) dst(%arg9 : memref<128x64xf32, #tpu.memory_space<vmem>>)
      %mul3A_192 = arith.constant 64 : i32
      %mul3A_193 = arith.muli %add3A_184, %mul3A_192 : i32
      %add3A_194 = arith.constant 0 : i32
      %add3A_195 = arith.addi %mul3A_193, %add3A_194 : i32
      %get3A_196 = arith.index_cast %add3A_195 : i32 to index
      %get3A_197 = tpu.vector_load %arg7[%get3A_196] {strides = array<i32>} : memref<12864xf32, #tpu.memory_space<vmem>>, vector<16xf32>,
      %get3A_198 = vector.shape_cast %get3A_197 : vector<16xf32> to vector<16xf32>
      %mul3A_199 = arith.constant 64 : i32
      %mul3A_200 = arith.muli %add3A_184, %mul3A_199 : i32
      %add3A_201 = arith.constant 16 : i32
      %add3A_202 = arith.addi %mul3A_200, %add3A_201 : i32
      %get3A_203 = arith.index_cast %add3A_202 : i32 to index
      %get3A_204 = tpu.vector_load %arg7[%get3A_203] {strides = array<i32>} : memref<12864xf32, #tpu.memory_space<vmem>>, vector<16xf32>,
      %get3A_205 = vector.shape_cast %get3A_204 : vector<16xf32> to vector<16xf32>
      %mul3A_206 = arith.constant 64 : i32
      %mul3A_207 = arith.muli %add3A_184, %mul3A_206 : i32
      %add3A_208 = arith.constant 32 : i32
      %add3A_209 = arith.addi %mul3A_207, %add3A_208 : i32
      %get3A_210 = arith.index_cast %add3A_209 : i32 to index
      %get3A_211 = tpu.vector_load %arg7[%get3A_210] {strides = array<i32>} : memref<12864xf32, #tpu.memory_space<vmem>>, vector<16xf32>,
      %get3A_212 = vector.shape_cast %get3A_211 : vector<16xf32> to vector<16xf32>
      %mul3A_213 = arith.constant 64 : i32
      %mul3A_214 = arith.muli %add3A_184, %mul3A_213 : i32
      %add3A_215 = arith.constant 48 : i32
      %add3A_216 = arith.addi %mul3A_214, %add3A_215 : i32
      %get3A_217 = arith.index_cast %add3A_216 : i32 to index
      %get3A_218 = tpu.vector_load %arg7[%get3A_217] {strides = array<i32>} : memref<12864xf32, #tpu.memory_space<vmem>>, vector<16xf32>,
      %get3A_219 = vector.shape_cast %get3A_218 : vector<16xf32> to vector<16xf32>
      %scan3A_220 = arith.constant 0 : i32
      %scan3A_221 = arith.constant 0 : i32
      %scan3A_222 = arith.constant 32 : i32
      %scan3A_223 = arith.addi %scan3A_221, %scan3A_222 : i32
      %scan3A_224 = arith.constant 1 : i32
      %scan3A_225 = scf.for %scan3A_740 = %scan3A_221 to %scan3A_223 step %scan3A_224 iter_args(%scan3A_741 = %scan3A_220) -> (i32)  : i32 {
        %mul3A_742 = arith.constant 4 : i32
        %mul3A_743 = arith.muli %mul3A_742, %scan3A_740 : i32
        %add3A_744 = arith.constant 0 : i32
        %add3A_745 = arith.addi %mul3A_743, %add3A_744 : i32
        %swap3A = arith.index_cast %add3A_745 : i32 to index
        %swap3A_746 = arith.constant 0 : index
        %swap3A_747 = tpu.vector_load %arg9[%swap3A, %swap3A_746] {strides = array<i32>} : memref<128x64xf32, #tpu.memory_space<vmem>>, vector<1x16xf32>,
        %swap3A_748 = vector.shape_cast %swap3A_747 : vector<1x16xf32> to vector<16xf32>
        %swap3A_749 = vector.shape_cast %get3A_198 : vector<16xf32> to vector<1x16xf32>
        tpu.vector_store %arg9[%swap3A, %swap3A_746], %swap3A_749 {add = true, strides = array<i32>} : memref<128x64xf32, #tpu.memory_space<vmem>>, vector<1x16xf32>,
        %swap3A_750 = arith.index_cast %add3A_745 : i32 to index
        %swap3A_751 = arith.constant 16 : index
        %swap3A_752 = tpu.vector_load %arg9[%swap3A_750, %swap3A_751] {strides = array<i32>} : memref<128x64xf32, #tpu.memory_space<vmem>>, vector<1x16xf32>,
        %swap3A_753 = vector.shape_cast %swap3A_752 : vector<1x16xf32> to vector<16xf32>
        %swap3A_754 = vector.shape_cast %get3A_205 : vector<16xf32> to vector<1x16xf32>
        tpu.vector_store %arg9[%swap3A_750, %swap3A_751], %swap3A_754 {add = true, strides = array<i32>} : memref<128x64xf32, #tpu.memory_space<vmem>>, vector<1x16xf32>,
        %swap3A_755 = arith.index_cast %add3A_745 : i32 to index
        %swap3A_756 = arith.constant 32 : index
        %swap3A_757 = tpu.vector_load %arg9[%swap3A_755, %swap3A_756] {strides = array<i32>} : memref<128x64xf32, #tpu.memory_space<vmem>>, vector<1x16xf32>,
        %swap3A_758 = vector.shape_cast %swap3A_757 : vector<1x16xf32> to vector<16xf32>
        %swap3A_759 = vector.shape_cast %get3A_212 : vector<16xf32> to vector<1x16xf32>
        tpu.vector_store %arg9[%swap3A_755, %swap3A_756], %swap3A_759 {add = true, strides = array<i32>} : memref<128x64xf32, #tpu.memory_space<vmem>>, vector<1x16xf32>,
        %swap3A_760 = arith.index_cast %add3A_745 : i32 to index
        %swap3A_761 = arith.constant 48 : index
        %swap3A_762 = tpu.vector_load %arg9[%swap3A_760, %swap3A_761] {strides = array<i32>} : memref<128x64xf32, #tpu.memory_space<vmem>>, vector<1x16xf32>,
        %swap3A_763 = vector.shape_cast %swap3A_762 : vector<1x16xf32> to vector<16xf32>
        %swap3A_764 = vector.shape_cast %get3A_219 : vector<16xf32> to vector<1x16xf32>
        tpu.vector_store %arg9[%swap3A_760, %swap3A_761], %swap3A_764 {add = true, strides = array<i32>} : memref<128x64xf32, #tpu.memory_space<vmem>>, vector<1x16xf32>,
        %mul3A_765 = arith.constant 4 : i32
        %mul3A_766 = arith.muli %mul3A_765, %scan3A_740 : i32
        %add3A_767 = arith.constant 1 : i32
        %add3A_768 = arith.addi %mul3A_766, %add3A_767 : i32
        %swap3A_769 = arith.index_cast %add3A_768 : i32 to index
        %swap3A_770 = arith.constant 0 : index
        %swap3A_771 = tpu.vector_load %arg9[%swap3A_769, %swap3A_770] {strides = array<i32>} : memref<128x64xf32, #tpu.memory_space<vmem>>, vector<1x16xf32>,
        %swap3A_772 = vector.shape_cast %swap3A_771 : vector<1x16xf32> to vector<16xf32>
        %swap3A_773 = vector.shape_cast %get3A_198 : vector<16xf32> to vector<1x16xf32>
        tpu.vector_store %arg9[%swap3A_769, %swap3A_770], %swap3A_773 {add = true, strides = array<i32>} : memref<128x64xf32, #tpu.memory_space<vmem>>, vector<1x16xf32>,
        %swap3A_774 = arith.index_cast %add3A_768 : i32 to index
        %swap3A_775 = arith.constant 16 : index
        %swap3A_776 = tpu.vector_load %arg9[%swap3A_774, %swap3A_775] {strides = array<i32>} : memref<128x64xf32, #tpu.memory_space<vmem>>, vector<1x16xf32>,
        %swap3A_777 = vector.shape_cast %swap3A_776 : vector<1x16xf32> to vector<16xf32>
        %swap3A_778 = vector.shape_cast %get3A_205 : vector<16xf32> to vector<1x16xf32>
        tpu.vector_store %arg9[%swap3A_774, %swap3A_775], %swap3A_778 {add = true, strides = array<i32>} : memref<128x64xf32, #tpu.memory_space<vmem>>, vector<1x16xf32>,
        %swap3A_779 = arith.index_cast %add3A_768 : i32 to index
        %swap3A_780 = arith.constant 32 : index
        %swap3A_781 = tpu.vector_load %arg9[%swap3A_779, %swap3A_780] {strides = array<i32>} : memref<128x64xf32, #tpu.memory_space<vmem>>, vector<1x16xf32>,
        %swap3A_782 = vector.shape_cast %swap3A_781 : vector<1x16xf32> to vector<16xf32>
        %swap3A_783 = vector.shape_cast %get3A_212 : vector<16xf32> to vector<1x16xf32>
        tpu.vector_store %arg9[%swap3A_779, %swap3A_780], %swap3A_783 {add = true, strides = array<i32>} : memref<128x64xf32, #tpu.memory_space<vmem>>, vector<1x16xf32>,
        %swap3A_784 = arith.index_cast %add3A_768 : i32 to index
        %swap3A_785 = arith.constant 48 : index
        %swap3A_786 = tpu.vector_load %arg9[%swap3A_784, %swap3A_785] {strides = array<i32>} : memref<128x64xf32, #tpu.memory_space<vmem>>, vector<1x16xf32>,
        %swap3A_787 = vector.shape_cast %swap3A_786 : vector<1x16xf32> to vector<16xf32>
        %swap3A_788 = vector.shape_cast %get3A_219 : vector<16xf32> to vector<1x16xf32>
        tpu.vector_store %arg9[%swap3A_784, %swap3A_785], %swap3A_788 {add = true, strides = array<i32>} : memref<128x64xf32, #tpu.memory_space<vmem>>, vector<1x16xf32>,
        %mul3A_789 = arith.constant 4 : i32
        %mul3A_790 = arith.muli %mul3A_789, %scan3A_740 : i32
        %add3A_791 = arith.constant 2 : i32
        %add3A_792 = arith.addi %mul3A_790, %add3A_791 : i32
        %swap3A_793 = arith.index_cast %add3A_792 : i32 to index
        %swap3A_794 = arith.constant 0 : index
        %swap3A_795 = tpu.vector_load %arg9[%swap3A_793, %swap3A_794] {strides = array<i32>} : memref<128x64xf32, #tpu.memory_space<vmem>>, vector<1x16xf32>,
        %swap3A_796 = vector.shape_cast %swap3A_795 : vector<1x16xf32> to vector<16xf32>
        %swap3A_797 = vector.shape_cast %get3A_198 : vector<16xf32> to vector<1x16xf32>
        tpu.vector_store %arg9[%swap3A_793, %swap3A_794], %swap3A_797 {add = true, strides = array<i32>} : memref<128x64xf32, #tpu.memory_space<vmem>>, vector<1x16xf32>,
        %swap3A_798 = arith.index_cast %add3A_792 : i32 to index
        %swap3A_799 = arith.constant 16 : index
        %swap3A_800 = tpu.vector_load %arg9[%swap3A_798, %swap3A_799] {strides = array<i32>} : memref<128x64xf32, #tpu.memory_space<vmem>>, vector<1x16xf32>,
        %swap3A_801 = vector.shape_cast %swap3A_800 : vector<1x16xf32> to vector<16xf32>
        %swap3A_802 = vector.shape_cast %get3A_205 : vector<16xf32> to vector<1x16xf32>
        tpu.vector_store %arg9[%swap3A_798, %swap3A_799], %swap3A_802 {add = true, strides = array<i32>} : memref<128x64xf32, #tpu.memory_space<vmem>>, vector<1x16xf32>,
        %swap3A_803 = arith.index_cast %add3A_792 : i32 to index
        %swap3A_804 = arith.constant 32 : index
        %swap3A_805 = tpu.vector_load %arg9[%swap3A_803, %swap3A_804] {strides = array<i32>} : memref<128x64xf32, #tpu.memory_space<vmem>>, vector<1x16xf32>,
        %swap3A_806 = vector.shape_cast %swap3A_805 : vector<1x16xf32> to vector<16xf32>
        %swap3A_807 = vector.shape_cast %get3A_212 : vector<16xf32> to vector<1x16xf32>
        tpu.vector_store %arg9[%swap3A_803, %swap3A_804], %swap3A_807 {add = true, strides = array<i32>} : memref<128x64xf32, #tpu.memory_space<vmem>>, vector<1x16xf32>,
        %swap3A_808 = arith.index_cast %add3A_792 : i32 to index
        %swap3A_809 = arith.constant 48 : index
        %swap3A_810 = tpu.vector_load %arg9[%swap3A_808, %swap3A_809] {strides = array<i32>} : memref<128x64xf32, #tpu.memory_space<vmem>>, vector<1x16xf32>,
        %swap3A_811 = vector.shape_cast %swap3A_810 : vector<1x16xf32> to vector<16xf32>
        %swap3A_812 = vector.shape_cast %get3A_219 : vector<16xf32> to vector<1x16xf32>
        tpu.vector_store %arg9[%swap3A_808, %swap3A_809], %swap3A_812 {add = true, strides = array<i32>} : memref<128x64xf32, #tpu.memory_space<vmem>>, vector<1x16xf32>,
        %mul3A_813 = arith.constant 4 : i32
        %mul3A_814 = arith.muli %mul3A_813, %scan3A_740 : i32
        %add3A_815 = arith.constant 3 : i32
        %add3A_816 = arith.addi %mul3A_814, %add3A_815 : i32
        %swap3A_817 = arith.index_cast %add3A_816 : i32 to index
        %swap3A_818 = arith.constant 0 : index
        %swap3A_819 = tpu.vector_load %arg9[%swap3A_817, %swap3A_818] {strides = array<i32>} : memref<128x64xf32, #tpu.memory_space<vmem>>, vector<1x16xf32>,
        %swap3A_820 = vector.shape_cast %swap3A_819 : vector<1x16xf32> to vector<16xf32>
        %swap3A_821 = vector.shape_cast %get3A_198 : vector<16xf32> to vector<1x16xf32>
        tpu.vector_store %arg9[%swap3A_817, %swap3A_818], %swap3A_821 {add = true, strides = array<i32>} : memref<128x64xf32, #tpu.memory_space<vmem>>, vector<1x16xf32>,
        %swap3A_822 = arith.index_cast %add3A_816 : i32 to index
        %swap3A_823 = arith.constant 16 : index
        %swap3A_824 = tpu.vector_load %arg9[%swap3A_822, %swap3A_823] {strides = array<i32>} : memref<128x64xf32, #tpu.memory_space<vmem>>, vector<1x16xf32>,
        %swap3A_825 = vector.shape_cast %swap3A_824 : vector<1x16xf32> to vector<16xf32>
        %swap3A_826 = vector.shape_cast %get3A_205 : vector<16xf32> to vector<1x16xf32>
        tpu.vector_store %arg9[%swap3A_822, %swap3A_823], %swap3A_826 {add = true, strides = array<i32>} : memref<128x64xf32, #tpu.memory_space<vmem>>, vector<1x16xf32>,
        %swap3A_827 = arith.index_cast %add3A_816 : i32 to index
        %swap3A_828 = arith.constant 32 : index
        %swap3A_829 = tpu.vector_load %arg9[%swap3A_827, %swap3A_828] {strides = array<i32>} : memref<128x64xf32, #tpu.memory_space<vmem>>, vector<1x16xf32>,
        %swap3A_830 = vector.shape_cast %swap3A_829 : vector<1x16xf32> to vector<16xf32>
        %swap3A_831 = vector.shape_cast %get3A_212 : vector<16xf32> to vector<1x16xf32>
        tpu.vector_store %arg9[%swap3A_827, %swap3A_828], %swap3A_831 {add = true, strides = array<i32>} : memref<128x64xf32, #tpu.memory_space<vmem>>, vector<1x16xf32>,
        %swap3A_832 = arith.index_cast %add3A_816 : i32 to index
        %swap3A_833 = arith.constant 48 : index
        %swap3A_834 = tpu.vector_load %arg9[%swap3A_832, %swap3A_833] {strides = array<i32>} : memref<128x64xf32, #tpu.memory_space<vmem>>, vector<1x16xf32>,
        %swap3A_835 = vector.shape_cast %swap3A_834 : vector<1x16xf32> to vector<16xf32>
        %swap3A_836 = vector.shape_cast %get3A_219 : vector<16xf32> to vector<1x16xf32>
        tpu.vector_store %arg9[%swap3A_832, %swap3A_833], %swap3A_836 {add = true, strides = array<i32>} : memref<128x64xf32, #tpu.memory_space<vmem>>, vector<1x16xf32>,
        %scan3A_837 = arith.constant 0 : i32
        scf.yield %scan3A_837 : i32
      }
      %scan3A_226 = arith.constant 32 : i32
      %mul3A_227 = arith.constant 4096 : i32
      %mul3A_228 = arith.muli %add3A_184, %mul3A_227 : i32
      %mul3A_229 = arith.constant 128 : i32
      %mul3A_230 = arith.muli %add3A, %mul3A_229 : i32
      %add3A_231 = arith.addi %mul3A_228, %mul3A_230 : i32
      %dma_start3A_232 = arith.constant 0 : i32
      %dma_start3A_233 = tpu.memref_slice %arg5[%add3A_231, %dma_start3A_232] : memref<819200x64xf32, #tpu.memory_space<hbm>> -> memref<128x64xf32, #tpu.memory_space<hbm>>
      %dma_start3A_234 = arith.constant 0 : i32
      %dma_start3A_235 = tpu.memref_slice %arg5[%add3A_231, %dma_start3A_234] : memref<819200x64xf32, #tpu.memory_space<hbm>> -> memref<128x64xf32, #tpu.memory_space<hbm>>
      tpu.enqueue_dma source(%arg9 : memref<128x64xf32, #tpu.memory_space<vmem>>) target(%dma_start3A_235 : memref<128x64xf32, #tpu.memory_space<hbm>>) target_semaphore(%arg29 : memref<!tpu.dma_semaphore, #tpu.memory_space<semaphore_mem>>)
      %add3A_236 = arith.constant 8 : i32
      %add3A_237 = arith.addi %add3A_184, %add3A_236 : i32
      %lt3A_238 = arith.constant 200 : i32
      %lt3A_239 = arith.cmpi slt, %add3A_237, %lt3A_238 : i32
      %convert_element_type3A_240 = arith.extui %lt3A_239 : i1 to i32
      %cond3A_241 = arith.constant 0 : i32
      %cond3A_242 = arith.cmpi ne, %convert_element_type3A_240, %cond3A_241 : i32
      scf.if %cond3A_242 {
        %ge3A = arith.constant 10 : i32
        %ge3A_740 = arith.cmpi sge, %add3A_237, %ge3A : i32
        %convert_element_type3A_741 = arith.extui %ge3A_740 : i1 to i32
        %cond3A_742 = arith.constant 0 : i32
        %cond3A_743 = arith.cmpi ne, %convert_element_type3A_741, %cond3A_742 : i32
        scf.if %cond3A_743 {
          %mul3A_750 = arith.constant 128 : i32
          %mul3A_751 = arith.muli %add3A, %mul3A_750 : i32
          %dma_wait3A_752 = arith.constant 0 : i32
          %dma_wait3A_753 = tpu.memref_slice %arg5[%mul3A_751, %dma_wait3A_752] : memref<819200x64xf32, #tpu.memory_space<hbm>> -> memref<128x64xf32, #tpu.memory_space<hbm>>
          %dma_wait3A_754 = arith.constant 0 : i32
          %dma_wait3A_755 = tpu.memref_slice %arg5[%mul3A_751, %dma_wait3A_754] : memref<819200x64xf32, #tpu.memory_space<hbm>> -> memref<128x64xf32, #tpu.memory_space<hbm>>
          tpu.wait_dma2 semaphore(%arg37 : memref<!tpu.dma_semaphore, #tpu.memory_space<semaphore_mem>>) src(%arg17 : memref<128x64xf32, #tpu.memory_space<vmem>>) dst(%dma_wait3A_755 : memref<128x64xf32, #tpu.memory_space<hbm>>)
        } else {
        }
        %dma_start3A_744 = arith.constant 0 : i32
        %dma_start3A_745 = tpu.memref_slice %arg6[%add3A_237, %dma_start3A_744] : memref<200x128xi32, #tpu.memory_space<vmem>> -> memref<1x128xi32, #tpu.memory_space<vmem>>
        %dma_start3A_746 = tpu.memref_squeeze %dma_start3A_745 : memref<1x128xi32, #tpu.memory_space<vmem>> -> memref<128xi32, #tpu.memory_space<vmem>>
        %dma_start3A_747 = arith.constant 0 : i32
        %dma_start3A_748 = arith.constant 0 : i32
        %dma_start3A_749 = tpu.memref_slice %arg3[%dma_start3A_747, %dma_start3A_748] : memref<1000000x64xf32, #tpu.memory_space<hbm>> -> memref<1000000x64xf32, #tpu.memory_space<hbm>>
        tpu.enqueue_indirect_dma source(%dma_start3A_749 : memref<1000000x64xf32, #tpu.memory_space<hbm>>) target(%arg17 : memref<128x64xf32, #tpu.memory_space<vmem>>) offsets(%dma_start3A_746 : memref<128xi32, #tpu.memory_space<vmem>>) semaphore(%arg27 : memref<!tpu.dma_semaphore, #tpu.memory_space<semaphore_mem>>)
      } else {
      }
      %mul3A_243 = arith.constant 10 : i32
      %mul3A_244 = arith.muli %mul3A_243, %scan3A_121 : i32
      %add3A_245 = arith.constant 2 : i32
      %add3A_246 = arith.addi %mul3A_244, %add3A_245 : i32
      %dma_wait3A_247 = arith.constant 0 : i32
      %dma_wait3A_248 = arith.constant 0 : i32
      %dma_wait3A_249 = tpu.memref_slice %arg6[%dma_wait3A_247, %dma_wait3A_248] : memref<200x128xi32, #tpu.memory_space<vmem>> -> memref<1x128xi32, #tpu.memory_space<vmem>>
      %dma_wait3A_250 = tpu.memref_squeeze %dma_wait3A_249 : memref<1x128xi32, #tpu.memory_space<vmem>> -> memref<128xi32, #tpu.memory_space<vmem>>
      %dma_wait3A_251 = arith.constant 0 : i32
      %dma_wait3A_252 = arith.constant 0 : i32
      %dma_wait3A_253 = tpu.memref_slice %arg3[%dma_wait3A_251, %dma_wait3A_252] : memref<1000000x64xf32, #tpu.memory_space<hbm>> -> memref<1000000x64xf32, #tpu.memory_space<hbm>>
      tpu.wait_indirect_dma semaphore(%arg20 : memref<!tpu.dma_semaphore, #tpu.memory_space<semaphore_mem>>) src(%dma_wait3A_253 : memref<1000000x64xf32, #tpu.memory_space<hbm>>) dst(%arg10 : memref<128x64xf32, #tpu.memory_space<vmem>>)
      %mul3A_254 = arith.constant 64 : i32
      %mul3A_255 = arith.muli %add3A_246, %mul3A_254 : i32
      %add3A_256 = arith.constant 0 : i32
      %add3A_257 = arith.addi %mul3A_255, %add3A_256 : i32
      %get3A_258 = arith.index_cast %add3A_257 : i32 to index
      %get3A_259 = tpu.vector_load %arg7[%get3A_258] {strides = array<i32>} : memref<12864xf32, #tpu.memory_space<vmem>>, vector<16xf32>,
      %get3A_260 = vector.shape_cast %get3A_259 : vector<16xf32> to vector<16xf32>
      %mul3A_261 = arith.constant 64 : i32
      %mul3A_262 = arith.muli %add3A_246, %mul3A_261 : i32
      %add3A_263 = arith.constant 16 : i32
      %add3A_264 = arith.addi %mul3A_262, %add3A_263 : i32
      %get3A_265 = arith.index_cast %add3A_264 : i32 to index
      %get3A_266 = tpu.vector_load %arg7[%get3A_265] {strides = array<i32>} : memref<12864xf32, #tpu.memory_space<vmem>>, vector<16xf32>,
      %get3A_267 = vector.shape_cast %get3A_266 : vector<16xf32> to vector<16xf32>
      %mul3A_268 = arith.constant 64 : i32
      %mul3A_269 = arith.muli %add3A_246, %mul3A_268 : i32
      %add3A_270 = arith.constant 32 : i32
      %add3A_271 = arith.addi %mul3A_269, %add3A_270 : i32
      %get3A_272 = arith.index_cast %add3A_271 : i32 to index
      %get3A_273 = tpu.vector_load %arg7[%get3A_272] {strides = array<i32>} : memref<12864xf32, #tpu.memory_space<vmem>>, vector<16xf32>,
      %get3A_274 = vector.shape_cast %get3A_273 : vector<16xf32> to vector<16xf32>
      %mul3A_275 = arith.constant 64 : i32
      %mul3A_276 = arith.muli %add3A_246, %mul3A_275 : i32
      %add3A_277 = arith.constant 48 : i32
      %add3A_278 = arith.addi %mul3A_276, %add3A_277 : i32
      %get3A_279 = arith.index_cast %add3A_278 : i32 to index
      %get3A_280 = tpu.vector_load %arg7[%get3A_279] {strides = array<i32>} : memref<12864xf32, #tpu.memory_space<vmem>>, vector<16xf32>,
      %get3A_281 = vector.shape_cast %get3A_280 : vector<16xf32> to vector<16xf32>
      %scan3A_282 = arith.constant 0 : i32
      %scan3A_283 = arith.constant 0 : i32
      %scan3A_284 = arith.constant 32 : i32
      %scan3A_285 = arith.addi %scan3A_283, %scan3A_284 : i32
      %scan3A_286 = arith.constant 1 : i32
      %scan3A_287 = scf.for %scan3A_740 = %scan3A_283 to %scan3A_285 step %scan3A_286 iter_args(%scan3A_741 = %scan3A_282) -> (i32)  : i32 {
        %mul3A_742 = arith.constant 4 : i32
        %mul3A_743 = arith.muli %mul3A_742, %scan3A_740 : i32
        %add3A_744 = arith.constant 0 : i32
        %add3A_745 = arith.addi %mul3A_743, %add3A_744 : i32
        %swap3A = arith.index_cast %add3A_745 : i32 to index
        %swap3A_746 = arith.constant 0 : index
        %swap3A_747 = tpu.vector_load %arg10[%swap3A, %swap3A_746] {strides = array<i32>} : memref<128x64xf32, #tpu.memory_space<vmem>>, vector<1x16xf32>,
        %swap3A_748 = vector.shape_cast %swap3A_747 : vector<1x16xf32> to vector<16xf32>
        %swap3A_749 = vector.shape_cast %get3A_260 : vector<16xf32> to vector<1x16xf32>
        tpu.vector_store %arg10[%swap3A, %swap3A_746], %swap3A_749 {add = true, strides = array<i32>} : memref<128x64xf32, #tpu.memory_space<vmem>>, vector<1x16xf32>,
        %swap3A_750 = arith.index_cast %add3A_745 : i32 to index
        %swap3A_751 = arith.constant 16 : index
        %swap3A_752 = tpu.vector_load %arg10[%swap3A_750, %swap3A_751] {strides = array<i32>} : memref<128x64xf32, #tpu.memory_space<vmem>>, vector<1x16xf32>,
        %swap3A_753 = vector.shape_cast %swap3A_752 : vector<1x16xf32> to vector<16xf32>
        %swap3A_754 = vector.shape_cast %get3A_267 : vector<16xf32> to vector<1x16xf32>
        tpu.vector_store %arg10[%swap3A_750, %swap3A_751], %swap3A_754 {add = true, strides = array<i32>} : memref<128x64xf32, #tpu.memory_space<vmem>>, vector<1x16xf32>,
        %swap3A_755 = arith.index_cast %add3A_745 : i32 to index
        %swap3A_756 = arith.constant 32 : index
        %swap3A_757 = tpu.vector_load %arg10[%swap3A_755, %swap3A_756] {strides = array<i32>} : memref<128x64xf32, #tpu.memory_space<vmem>>, vector<1x16xf32>,
        %swap3A_758 = vector.shape_cast %swap3A_757 : vector<1x16xf32> to vector<16xf32>
        %swap3A_759 = vector.shape_cast %get3A_274 : vector<16xf32> to vector<1x16xf32>
        tpu.vector_store %arg10[%swap3A_755, %swap3A_756], %swap3A_759 {add = true, strides = array<i32>} : memref<128x64xf32, #tpu.memory_space<vmem>>, vector<1x16xf32>,
        %swap3A_760 = arith.index_cast %add3A_745 : i32 to index
        %swap3A_761 = arith.constant 48 : index
        %swap3A_762 = tpu.vector_load %arg10[%swap3A_760, %swap3A_761] {strides = array<i32>} : memref<128x64xf32, #tpu.memory_space<vmem>>, vector<1x16xf32>,
        %swap3A_763 = vector.shape_cast %swap3A_762 : vector<1x16xf32> to vector<16xf32>
        %swap3A_764 = vector.shape_cast %get3A_281 : vector<16xf32> to vector<1x16xf32>
        tpu.vector_store %arg10[%swap3A_760, %swap3A_761], %swap3A_764 {add = true, strides = array<i32>} : memref<128x64xf32, #tpu.memory_space<vmem>>, vector<1x16xf32>,
        %mul3A_765 = arith.constant 4 : i32
        %mul3A_766 = arith.muli %mul3A_765, %scan3A_740 : i32
        %add3A_767 = arith.constant 1 : i32
        %add3A_768 = arith.addi %mul3A_766, %add3A_767 : i32
        %swap3A_769 = arith.index_cast %add3A_768 : i32 to index
        %swap3A_770 = arith.constant 0 : index
        %swap3A_771 = tpu.vector_load %arg10[%swap3A_769, %swap3A_770] {strides = array<i32>} : memref<128x64xf32, #tpu.memory_space<vmem>>, vector<1x16xf32>,
        %swap3A_772 = vector.shape_cast %swap3A_771 : vector<1x16xf32> to vector<16xf32>
        %swap3A_773 = vector.shape_cast %get3A_260 : vector<16xf32> to vector<1x16xf32>
        tpu.vector_store %arg10[%swap3A_769, %swap3A_770], %swap3A_773 {add = true, strides = array<i32>} : memref<128x64xf32, #tpu.memory_space<vmem>>, vector<1x16xf32>,
        %swap3A_774 = arith.index_cast %add3A_768 : i32 to index
        %swap3A_775 = arith.constant 16 : index
        %swap3A_776 = tpu.vector_load %arg10[%swap3A_774, %swap3A_775] {strides = array<i32>} : memref<128x64xf32, #tpu.memory_space<vmem>>, vector<1x16xf32>,
        %swap3A_777 = vector.shape_cast %swap3A_776 : vector<1x16xf32> to vector<16xf32>
        %swap3A_778 = vector.shape_cast %get3A_267 : vector<16xf32> to vector<1x16xf32>
        tpu.vector_store %arg10[%swap3A_774, %swap3A_775], %swap3A_778 {add = true, strides = array<i32>} : memref<128x64xf32, #tpu.memory_space<vmem>>, vector<1x16xf32>,
        %swap3A_779 = arith.index_cast %add3A_768 : i32 to index
        %swap3A_780 = arith.constant 32 : index
        %swap3A_781 = tpu.vector_load %arg10[%swap3A_779, %swap3A_780] {strides = array<i32>} : memref<128x64xf32, #tpu.memory_space<vmem>>, vector<1x16xf32>,
        %swap3A_782 = vector.shape_cast %swap3A_781 : vector<1x16xf32> to vector<16xf32>
        %swap3A_783 = vector.shape_cast %get3A_274 : vector<16xf32> to vector<1x16xf32>
        tpu.vector_store %arg10[%swap3A_779, %swap3A_780], %swap3A_783 {add = true, strides = array<i32>} : memref<128x64xf32, #tpu.memory_space<vmem>>, vector<1x16xf32>,
        %swap3A_784 = arith.index_cast %add3A_768 : i32 to index
        %swap3A_785 = arith.constant 48 : index
        %swap3A_786 = tpu.vector_load %arg10[%swap3A_784, %swap3A_785] {strides = array<i32>} : memref<128x64xf32, #tpu.memory_space<vmem>>, vector<1x16xf32>,
        %swap3A_787 = vector.shape_cast %swap3A_786 : vector<1x16xf32> to vector<16xf32>
        %swap3A_788 = vector.shape_cast %get3A_281 : vector<16xf32> to vector<1x16xf32>
        tpu.vector_store %arg10[%swap3A_784, %swap3A_785], %swap3A_788 {add = true, strides = array<i32>} : memref<128x64xf32, #tpu.memory_space<vmem>>, vector<1x16xf32>,
        %mul3A_789 = arith.constant 4 : i32
        %mul3A_790 = arith.muli %mul3A_789, %scan3A_740 : i32
        %add3A_791 = arith.constant 2 : i32
        %add3A_792 = arith.addi %mul3A_790, %add3A_791 : i32
        %swap3A_793 = arith.index_cast %add3A_792 : i32 to index
        %swap3A_794 = arith.constant 0 : index
        %swap3A_795 = tpu.vector_load %arg10[%swap3A_793, %swap3A_794] {strides = array<i32>} : memref<128x64xf32, #tpu.memory_space<vmem>>, vector<1x16xf32>,
        %swap3A_796 = vector.shape_cast %swap3A_795 : vector<1x16xf32> to vector<16xf32>
        %swap3A_797 = vector.shape_cast %get3A_260 : vector<16xf32> to vector<1x16xf32>
        tpu.vector_store %arg10[%swap3A_793, %swap3A_794], %swap3A_797 {add = true, strides = array<i32>} : memref<128x64xf32, #tpu.memory_space<vmem>>, vector<1x16xf32>,
        %swap3A_798 = arith.index_cast %add3A_792 : i32 to index
        %swap3A_799 = arith.constant 16 : index
        %swap3A_800 = tpu.vector_load %arg10[%swap3A_798, %swap3A_799] {strides = array<i32>} : memref<128x64xf32, #tpu.memory_space<vmem>>, vector<1x16xf32>,
        %swap3A_801 = vector.shape_cast %swap3A_800 : vector<1x16xf32> to vector<16xf32>
        %swap3A_802 = vector.shape_cast %get3A_267 : vector<16xf32> to vector<1x16xf32>
        tpu.vector_store %arg10[%swap3A_798, %swap3A_799], %swap3A_802 {add = true, strides = array<i32>} : memref<128x64xf32, #tpu.memory_space<vmem>>, vector<1x16xf32>,
        %swap3A_803 = arith.index_cast %add3A_792 : i32 to index
        %swap3A_804 = arith.constant 32 : index
        %swap3A_805 = tpu.vector_load %arg10[%swap3A_803, %swap3A_804] {strides = array<i32>} : memref<128x64xf32, #tpu.memory_space<vmem>>, vector<1x16xf32>,
        %swap3A_806 = vector.shape_cast %swap3A_805 : vector<1x16xf32> to vector<16xf32>
        %swap3A_807 = vector.shape_cast %get3A_274 : vector<16xf32> to vector<1x16xf32>
        tpu.vector_store %arg10[%swap3A_803, %swap3A_804], %swap3A_807 {add = true, strides = array<i32>} : memref<128x64xf32, #tpu.memory_space<vmem>>, vector<1x16xf32>,
        %swap3A_808 = arith.index_cast %add3A_792 : i32 to index
        %swap3A_809 = arith.constant 48 : index
        %swap3A_810 = tpu.vector_load %arg10[%swap3A_808, %swap3A_809] {strides = array<i32>} : memref<128x64xf32, #tpu.memory_space<vmem>>, vector<1x16xf32>,
        %swap3A_811 = vector.shape_cast %swap3A_810 : vector<1x16xf32> to vector<16xf32>
        %swap3A_812 = vector.shape_cast %get3A_281 : vector<16xf32> to vector<1x16xf32>
        tpu.vector_store %arg10[%swap3A_808, %swap3A_809], %swap3A_812 {add = true, strides = array<i32>} : memref<128x64xf32, #tpu.memory_space<vmem>>, vector<1x16xf32>,
        %mul3A_813 = arith.constant 4 : i32
        %mul3A_814 = arith.muli %mul3A_813, %scan3A_740 : i32
        %add3A_815 = arith.constant 3 : i32
        %add3A_816 = arith.addi %mul3A_814, %add3A_815 : i32
        %swap3A_817 = arith.index_cast %add3A_816 : i32 to index
        %swap3A_818 = arith.constant 0 : index
        %swap3A_819 = tpu.vector_load %arg10[%swap3A_817, %swap3A_818] {strides = array<i32>} : memref<128x64xf32, #tpu.memory_space<vmem>>, vector<1x16xf32>,
        %swap3A_820 = vector.shape_cast %swap3A_819 : vector<1x16xf32> to vector<16xf32>
        %swap3A_821 = vector.shape_cast %get3A_260 : vector<16xf32> to vector<1x16xf32>
        tpu.vector_store %arg10[%swap3A_817, %swap3A_818], %swap3A_821 {add = true, strides = array<i32>} : memref<128x64xf32, #tpu.memory_space<vmem>>, vector<1x16xf32>,
        %swap3A_822 = arith.index_cast %add3A_816 : i32 to index
        %swap3A_823 = arith.constant 16 : index
        %swap3A_824 = tpu.vector_load %arg10[%swap3A_822, %swap3A_823] {strides = array<i32>} : memref<128x64xf32, #tpu.memory_space<vmem>>, vector<1x16xf32>,
        %swap3A_825 = vector.shape_cast %swap3A_824 : vector<1x16xf32> to vector<16xf32>
        %swap3A_826 = vector.shape_cast %get3A_267 : vector<16xf32> to vector<1x16xf32>
        tpu.vector_store %arg10[%swap3A_822, %swap3A_823], %swap3A_826 {add = true, strides = array<i32>} : memref<128x64xf32, #tpu.memory_space<vmem>>, vector<1x16xf32>,
        %swap3A_827 = arith.index_cast %add3A_816 : i32 to index
        %swap3A_828 = arith.constant 32 : index
        %swap3A_829 = tpu.vector_load %arg10[%swap3A_827, %swap3A_828] {strides = array<i32>} : memref<128x64xf32, #tpu.memory_space<vmem>>, vector<1x16xf32>,
        %swap3A_830 = vector.shape_cast %swap3A_829 : vector<1x16xf32> to vector<16xf32>
        %swap3A_831 = vector.shape_cast %get3A_274 : vector<16xf32> to vector<1x16xf32>
        tpu.vector_store %arg10[%swap3A_827, %swap3A_828], %swap3A_831 {add = true, strides = array<i32>} : memref<128x64xf32, #tpu.memory_space<vmem>>, vector<1x16xf32>,
        %swap3A_832 = arith.index_cast %add3A_816 : i32 to index
        %swap3A_833 = arith.constant 48 : index
        %swap3A_834 = tpu.vector_load %arg10[%swap3A_832, %swap3A_833] {strides = array<i32>} : memref<128x64xf32, #tpu.memory_space<vmem>>, vector<1x16xf32>,
        %swap3A_835 = vector.shape_cast %swap3A_834 : vector<1x16xf32> to vector<16xf32>
        %swap3A_836 = vector.shape_cast %get3A_281 : vector<16xf32> to vector<1x16xf32>
        tpu.vector_store %arg10[%swap3A_832, %swap3A_833], %swap3A_836 {add = true, strides = array<i32>} : memref<128x64xf32, #tpu.memory_space<vmem>>, vector<1x16xf32>,
        %scan3A_837 = arith.constant 0 : i32
        scf.yield %scan3A_837 : i32
      }
      %scan3A_288 = arith.constant 32 : i32
      %mul3A_289 = arith.constant 4096 : i32
      %mul3A_290 = arith.muli %add3A_246, %mul3A_289 : i32
      %mul3A_291 = arith.constant 128 : i32
      %mul3A_292 = arith.muli %add3A, %mul3A_291 : i32
      %add3A_293 = arith.addi %mul3A_290, %mul3A_292 : i32
      %dma_start3A_294 = arith.constant 0 : i32
      %dma_start3A_295 = tpu.memref_slice %arg5[%add3A_293, %dma_start3A_294] : memref<819200x64xf32, #tpu.memory_space<hbm>> -> memref<128x64xf32, #tpu.memory_space<hbm>>
      %dma_start3A_296 = arith.constant 0 : i32
      %dma_start3A_297 = tpu.memref_slice %arg5[%add3A_293, %dma_start3A_296] : memref<819200x64xf32, #tpu.memory_space<hbm>> -> memref<128x64xf32, #tpu.memory_space<hbm>>
      tpu.enqueue_dma source(%arg10 : memref<128x64xf32, #tpu.memory_space<vmem>>) target(%dma_start3A_297 : memref<128x64xf32, #tpu.memory_space<hbm>>) target_semaphore(%arg30 : memref<!tpu.dma_semaphore, #tpu.memory_space<semaphore_mem>>)
      %add3A_298 = arith.constant 8 : i32
      %add3A_299 = arith.addi %add3A_246, %add3A_298 : i32
      %lt3A_300 = arith.constant 200 : i32
      %lt3A_301 = arith.cmpi slt, %add3A_299, %lt3A_300 : i32
      %convert_element_type3A_302 = arith.extui %lt3A_301 : i1 to i32
      %cond3A_303 = arith.constant 0 : i32
      %cond3A_304 = arith.cmpi ne, %convert_element_type3A_302, %cond3A_303 : i32
      scf.if %cond3A_304 {
        %ge3A = arith.constant 10 : i32
        %ge3A_740 = arith.cmpi sge, %add3A_299, %ge3A : i32
        %convert_element_type3A_741 = arith.extui %ge3A_740 : i1 to i32
        %cond3A_742 = arith.constant 0 : i32
        %cond3A_743 = arith.cmpi ne, %convert_element_type3A_741, %cond3A_742 : i32
        scf.if %cond3A_743 {
          %mul3A_750 = arith.constant 128 : i32
          %mul3A_751 = arith.muli %add3A, %mul3A_750 : i32
          %dma_wait3A_752 = arith.constant 0 : i32
          %dma_wait3A_753 = tpu.memref_slice %arg5[%mul3A_751, %dma_wait3A_752] : memref<819200x64xf32, #tpu.memory_space<hbm>> -> memref<128x64xf32, #tpu.memory_space<hbm>>
          %dma_wait3A_754 = arith.constant 0 : i32
          %dma_wait3A_755 = tpu.memref_slice %arg5[%mul3A_751, %dma_wait3A_754] : memref<819200x64xf32, #tpu.memory_space<hbm>> -> memref<128x64xf32, #tpu.memory_space<hbm>>
          tpu.wait_dma2 semaphore(%arg28 : memref<!tpu.dma_semaphore, #tpu.memory_space<semaphore_mem>>) src(%arg8 : memref<128x64xf32, #tpu.memory_space<vmem>>) dst(%dma_wait3A_755 : memref<128x64xf32, #tpu.memory_space<hbm>>)
        } else {
        }
        %dma_start3A_744 = arith.constant 0 : i32
        %dma_start3A_745 = tpu.memref_slice %arg6[%add3A_299, %dma_start3A_744] : memref<200x128xi32, #tpu.memory_space<vmem>> -> memref<1x128xi32, #tpu.memory_space<vmem>>
        %dma_start3A_746 = tpu.memref_squeeze %dma_start3A_745 : memref<1x128xi32, #tpu.memory_space<vmem>> -> memref<128xi32, #tpu.memory_space<vmem>>
        %dma_start3A_747 = arith.constant 0 : i32
        %dma_start3A_748 = arith.constant 0 : i32
        %dma_start3A_749 = tpu.memref_slice %arg3[%dma_start3A_747, %dma_start3A_748] : memref<1000000x64xf32, #tpu.memory_space<hbm>> -> memref<1000000x64xf32, #tpu.memory_space<hbm>>
        tpu.enqueue_indirect_dma source(%dma_start3A_749 : memref<1000000x64xf32, #tpu.memory_space<hbm>>) target(%arg8 : memref<128x64xf32, #tpu.memory_space<vmem>>) offsets(%dma_start3A_746 : memref<128xi32, #tpu.memory_space<vmem>>) semaphore(%arg18 : memref<!tpu.dma_semaphore, #tpu.memory_space<semaphore_mem>>)
      } else {
      }
      %mul3A_305 = arith.constant 10 : i32
      %mul3A_306 = arith.muli %mul3A_305, %scan3A_121 : i32
      %add3A_307 = arith.constant 3 : i32
      %add3A_308 = arith.addi %mul3A_306, %add3A_307 : i32
      %dma_wait3A_309 = arith.constant 0 : i32
      %dma_wait3A_310 = arith.constant 0 : i32
      %dma_wait3A_311 = tpu.memref_slice %arg6[%dma_wait3A_309, %dma_wait3A_310] : memref<200x128xi32, #tpu.memory_space<vmem>> -> memref<1x128xi32, #tpu.memory_space<vmem>>
      %dma_wait3A_312 = tpu.memref_squeeze %dma_wait3A_311 : memref<1x128xi32, #tpu.memory_space<vmem>> -> memref<128xi32, #tpu.memory_space<vmem>>
      %dma_wait3A_313 = arith.constant 0 : i32
      %dma_wait3A_314 = arith.constant 0 : i32
      %dma_wait3A_315 = tpu.memref_slice %arg3[%dma_wait3A_313, %dma_wait3A_314] : memref<1000000x64xf32, #tpu.memory_space<hbm>> -> memref<1000000x64xf32, #tpu.memory_space<hbm>>
      tpu.wait_indirect_dma semaphore(%arg21 : memref<!tpu.dma_semaphore, #tpu.memory_space<semaphore_mem>>) src(%dma_wait3A_315 : memref<1000000x64xf32, #tpu.memory_space<hbm>>) dst(%arg11 : memref<128x64xf32, #tpu.memory_space<vmem>>)
      %mul3A_316 = arith.constant 64 : i32
      %mul3A_317 = arith.muli %add3A_308, %mul3A_316 : i32
      %add3A_318 = arith.constant 0 : i32
      %add3A_319 = arith.addi %mul3A_317, %add3A_318 : i32
      %get3A_320 = arith.index_cast %add3A_319 : i32 to index
      %get3A_321 = tpu.vector_load %arg7[%get3A_320] {strides = array<i32>} : memref<12864xf32, #tpu.memory_space<vmem>>, vector<16xf32>,
      %get3A_322 = vector.shape_cast %get3A_321 : vector<16xf32> to vector<16xf32>
      %mul3A_323 = arith.constant 64 : i32
      %mul3A_324 = arith.muli %add3A_308, %mul3A_323 : i32
      %add3A_325 = arith.constant 16 : i32
      %add3A_326 = arith.addi %mul3A_324, %add3A_325 : i32
      %get3A_327 = arith.index_cast %add3A_326 : i32 to index
      %get3A_328 = tpu.vector_load %arg7[%get3A_327] {strides = array<i32>} : memref<12864xf32, #tpu.memory_space<vmem>>, vector<16xf32>,
      %get3A_329 = vector.shape_cast %get3A_328 : vector<16xf32> to vector<16xf32>
      %mul3A_330 = arith.constant 64 : i32
      %mul3A_331 = arith.muli %add3A_308, %mul3A_330 : i32
      %add3A_332 = arith.constant 32 : i32
      %add3A_333 = arith.addi %mul3A_331, %add3A_332 : i32
      %get3A_334 = arith.index_cast %add3A_333 : i32 to index
      %get3A_335 = tpu.vector_load %arg7[%get3A_334] {strides = array<i32>} : memref<12864xf32, #tpu.memory_space<vmem>>, vector<16xf32>,
      %get3A_336 = vector.shape_cast %get3A_335 : vector<16xf32> to vector<16xf32>
      %mul3A_337 = arith.constant 64 : i32
      %mul3A_338 = arith.muli %add3A_308, %mul3A_337 : i32
      %add3A_339 = arith.constant 48 : i32
      %add3A_340 = arith.addi %mul3A_338, %add3A_339 : i32
      %get3A_341 = arith.index_cast %add3A_340 : i32 to index
      %get3A_342 = tpu.vector_load %arg7[%get3A_341] {strides = array<i32>} : memref<12864xf32, #tpu.memory_space<vmem>>, vector<16xf32>,
      %get3A_343 = vector.shape_cast %get3A_342 : vector<16xf32> to vector<16xf32>
      %scan3A_344 = arith.constant 0 : i32
      %scan3A_345 = arith.constant 0 : i32
      %scan3A_346 = arith.constant 32 : i32
      %scan3A_347 = arith.addi %scan3A_345, %scan3A_346 : i32
      %scan3A_348 = arith.constant 1 : i32
      %scan3A_349 = scf.for %scan3A_740 = %scan3A_345 to %scan3A_347 step %scan3A_348 iter_args(%scan3A_741 = %scan3A_344) -> (i32)  : i32 {
        %mul3A_742 = arith.constant 4 : i32
        %mul3A_743 = arith.muli %mul3A_742, %scan3A_740 : i32
        %add3A_744 = arith.constant 0 : i32
        %add3A_745 = arith.addi %mul3A_743, %add3A_744 : i32
        %swap3A = arith.index_cast %add3A_745 : i32 to index
        %swap3A_746 = arith.constant 0 : index
        %swap3A_747 = tpu.vector_load %arg11[%swap3A, %swap3A_746] {strides = array<i32>} : memref<128x64xf32, #tpu.memory_space<vmem>>, vector<1x16xf32>,
        %swap3A_748 = vector.shape_cast %swap3A_747 : vector<1x16xf32> to vector<16xf32>
        %swap3A_749 = vector.shape_cast %get3A_322 : vector<16xf32> to vector<1x16xf32>
        tpu.vector_store %arg11[%swap3A, %swap3A_746], %swap3A_749 {add = true, strides = array<i32>} : memref<128x64xf32, #tpu.memory_space<vmem>>, vector<1x16xf32>,
        %swap3A_750 = arith.index_cast %add3A_745 : i32 to index
        %swap3A_751 = arith.constant 16 : index
        %swap3A_752 = tpu.vector_load %arg11[%swap3A_750, %swap3A_751] {strides = array<i32>} : memref<128x64xf32, #tpu.memory_space<vmem>>, vector<1x16xf32>,
        %swap3A_753 = vector.shape_cast %swap3A_752 : vector<1x16xf32> to vector<16xf32>
        %swap3A_754 = vector.shape_cast %get3A_329 : vector<16xf32> to vector<1x16xf32>
        tpu.vector_store %arg11[%swap3A_750, %swap3A_751], %swap3A_754 {add = true, strides = array<i32>} : memref<128x64xf32, #tpu.memory_space<vmem>>, vector<1x16xf32>,
        %swap3A_755 = arith.index_cast %add3A_745 : i32 to index
        %swap3A_756 = arith.constant 32 : index
        %swap3A_757 = tpu.vector_load %arg11[%swap3A_755, %swap3A_756] {strides = array<i32>} : memref<128x64xf32, #tpu.memory_space<vmem>>, vector<1x16xf32>,
        %swap3A_758 = vector.shape_cast %swap3A_757 : vector<1x16xf32> to vector<16xf32>
        %swap3A_759 = vector.shape_cast %get3A_336 : vector<16xf32> to vector<1x16xf32>
        tpu.vector_store %arg11[%swap3A_755, %swap3A_756], %swap3A_759 {add = true, strides = array<i32>} : memref<128x64xf32, #tpu.memory_space<vmem>>, vector<1x16xf32>,
        %swap3A_760 = arith.index_cast %add3A_745 : i32 to index
        %swap3A_761 = arith.constant 48 : index
        %swap3A_762 = tpu.vector_load %arg11[%swap3A_760, %swap3A_761] {strides = array<i32>} : memref<128x64xf32, #tpu.memory_space<vmem>>, vector<1x16xf32>,
        %swap3A_763 = vector.shape_cast %swap3A_762 : vector<1x16xf32> to vector<16xf32>
        %swap3A_764 = vector.shape_cast %get3A_343 : vector<16xf32> to vector<1x16xf32>
        tpu.vector_store %arg11[%swap3A_760, %swap3A_761], %swap3A_764 {add = true, strides = array<i32>} : memref<128x64xf32, #tpu.memory_space<vmem>>, vector<1x16xf32>,
        %mul3A_765 = arith.constant 4 : i32
        %mul3A_766 = arith.muli %mul3A_765, %scan3A_740 : i32
        %add3A_767 = arith.constant 1 : i32
        %add3A_768 = arith.addi %mul3A_766, %add3A_767 : i32
        %swap3A_769 = arith.index_cast %add3A_768 : i32 to index
        %swap3A_770 = arith.constant 0 : index
        %swap3A_771 = tpu.vector_load %arg11[%swap3A_769, %swap3A_770] {strides = array<i32>} : memref<128x64xf32, #tpu.memory_space<vmem>>, vector<1x16xf32>,
        %swap3A_772 = vector.shape_cast %swap3A_771 : vector<1x16xf32> to vector<16xf32>
        %swap3A_773 = vector.shape_cast %get3A_322 : vector<16xf32> to vector<1x16xf32>
        tpu.vector_store %arg11[%swap3A_769, %swap3A_770], %swap3A_773 {add = true, strides = array<i32>} : memref<128x64xf32, #tpu.memory_space<vmem>>, vector<1x16xf32>,
        %swap3A_774 = arith.index_cast %add3A_768 : i32 to index
        %swap3A_775 = arith.constant 16 : index
        %swap3A_776 = tpu.vector_load %arg11[%swap3A_774, %swap3A_775] {strides = array<i32>} : memref<128x64xf32, #tpu.memory_space<vmem>>, vector<1x16xf32>,
        %swap3A_777 = vector.shape_cast %swap3A_776 : vector<1x16xf32> to vector<16xf32>
        %swap3A_778 = vector.shape_cast %get3A_329 : vector<16xf32> to vector<1x16xf32>
        tpu.vector_store %arg11[%swap3A_774, %swap3A_775], %swap3A_778 {add = true, strides = array<i32>} : memref<128x64xf32, #tpu.memory_space<vmem>>, vector<1x16xf32>,
        %swap3A_779 = arith.index_cast %add3A_768 : i32 to index
        %swap3A_780 = arith.constant 32 : index
        %swap3A_781 = tpu.vector_load %arg11[%swap3A_779, %swap3A_780] {strides = array<i32>} : memref<128x64xf32, #tpu.memory_space<vmem>>, vector<1x16xf32>,
        %swap3A_782 = vector.shape_cast %swap3A_781 : vector<1x16xf32> to vector<16xf32>
        %swap3A_783 = vector.shape_cast %get3A_336 : vector<16xf32> to vector<1x16xf32>
        tpu.vector_store %arg11[%swap3A_779, %swap3A_780], %swap3A_783 {add = true, strides = array<i32>} : memref<128x64xf32, #tpu.memory_space<vmem>>, vector<1x16xf32>,
        %swap3A_784 = arith.index_cast %add3A_768 : i32 to index
        %swap3A_785 = arith.constant 48 : index
        %swap3A_786 = tpu.vector_load %arg11[%swap3A_784, %swap3A_785] {strides = array<i32>} : memref<128x64xf32, #tpu.memory_space<vmem>>, vector<1x16xf32>,
        %swap3A_787 = vector.shape_cast %swap3A_786 : vector<1x16xf32> to vector<16xf32>
        %swap3A_788 = vector.shape_cast %get3A_343 : vector<16xf32> to vector<1x16xf32>
        tpu.vector_store %arg11[%swap3A_784, %swap3A_785], %swap3A_788 {add = true, strides = array<i32>} : memref<128x64xf32, #tpu.memory_space<vmem>>, vector<1x16xf32>,
        %mul3A_789 = arith.constant 4 : i32
        %mul3A_790 = arith.muli %mul3A_789, %scan3A_740 : i32
        %add3A_791 = arith.constant 2 : i32
        %add3A_792 = arith.addi %mul3A_790, %add3A_791 : i32
        %swap3A_793 = arith.index_cast %add3A_792 : i32 to index
        %swap3A_794 = arith.constant 0 : index
        %swap3A_795 = tpu.vector_load %arg11[%swap3A_793, %swap3A_794] {strides = array<i32>} : memref<128x64xf32, #tpu.memory_space<vmem>>, vector<1x16xf32>,
        %swap3A_796 = vector.shape_cast %swap3A_795 : vector<1x16xf32> to vector<16xf32>
        %swap3A_797 = vector.shape_cast %get3A_322 : vector<16xf32> to vector<1x16xf32>
        tpu.vector_store %arg11[%swap3A_793, %swap3A_794], %swap3A_797 {add = true, strides = array<i32>} : memref<128x64xf32, #tpu.memory_space<vmem>>, vector<1x16xf32>,
        %swap3A_798 = arith.index_cast %add3A_792 : i32 to index
        %swap3A_799 = arith.constant 16 : index
        %swap3A_800 = tpu.vector_load %arg11[%swap3A_798, %swap3A_799] {strides = array<i32>} : memref<128x64xf32, #tpu.memory_space<vmem>>, vector<1x16xf32>,
        %swap3A_801 = vector.shape_cast %swap3A_800 : vector<1x16xf32> to vector<16xf32>
        %swap3A_802 = vector.shape_cast %get3A_329 : vector<16xf32> to vector<1x16xf32>
        tpu.vector_store %arg11[%swap3A_798, %swap3A_799], %swap3A_802 {add = true, strides = array<i32>} : memref<128x64xf32, #tpu.memory_space<vmem>>, vector<1x16xf32>,
        %swap3A_803 = arith.index_cast %add3A_792 : i32 to index
        %swap3A_804 = arith.constant 32 : index
        %swap3A_805 = tpu.vector_load %arg11[%swap3A_803, %swap3A_804] {strides = array<i32>} : memref<128x64xf32, #tpu.memory_space<vmem>>, vector<1x16xf32>,
        %swap3A_806 = vector.shape_cast %swap3A_805 : vector<1x16xf32> to vector<16xf32>
        %swap3A_807 = vector.shape_cast %get3A_336 : vector<16xf32> to vector<1x16xf32>
        tpu.vector_store %arg11[%swap3A_803, %swap3A_804], %swap3A_807 {add = true, strides = array<i32>} : memref<128x64xf32, #tpu.memory_space<vmem>>, vector<1x16xf32>,
        %swap3A_808 = arith.index_cast %add3A_792 : i32 to index
        %swap3A_809 = arith.constant 48 : index
        %swap3A_810 = tpu.vector_load %arg11[%swap3A_808, %swap3A_809] {strides = array<i32>} : memref<128x64xf32, #tpu.memory_space<vmem>>, vector<1x16xf32>,
        %swap3A_811 = vector.shape_cast %swap3A_810 : vector<1x16xf32> to vector<16xf32>
        %swap3A_812 = vector.shape_cast %get3A_343 : vector<16xf32> to vector<1x16xf32>
        tpu.vector_store %arg11[%swap3A_808, %swap3A_809], %swap3A_812 {add = true, strides = array<i32>} : memref<128x64xf32, #tpu.memory_space<vmem>>, vector<1x16xf32>,
        %mul3A_813 = arith.constant 4 : i32
        %mul3A_814 = arith.muli %mul3A_813, %scan3A_740 : i32
        %add3A_815 = arith.constant 3 : i32
        %add3A_816 = arith.addi %mul3A_814, %add3A_815 : i32
        %swap3A_817 = arith.index_cast %add3A_816 : i32 to index
        %swap3A_818 = arith.constant 0 : index
        %swap3A_819 = tpu.vector_load %arg11[%swap3A_817, %swap3A_818] {strides = array<i32>} : memref<128x64xf32, #tpu.memory_space<vmem>>, vector<1x16xf32>,
        %swap3A_820 = vector.shape_cast %swap3A_819 : vector<1x16xf32> to vector<16xf32>
        %swap3A_821 = vector.shape_cast %get3A_322 : vector<16xf32> to vector<1x16xf32>
        tpu.vector_store %arg11[%swap3A_817, %swap3A_818], %swap3A_821 {add = true, strides = array<i32>} : memref<128x64xf32, #tpu.memory_space<vmem>>, vector<1x16xf32>,
        %swap3A_822 = arith.index_cast %add3A_816 : i32 to index
        %swap3A_823 = arith.constant 16 : index
        %swap3A_824 = tpu.vector_load %arg11[%swap3A_822, %swap3A_823] {strides = array<i32>} : memref<128x64xf32, #tpu.memory_space<vmem>>, vector<1x16xf32>,
        %swap3A_825 = vector.shape_cast %swap3A_824 : vector<1x16xf32> to vector<16xf32>
        %swap3A_826 = vector.shape_cast %get3A_329 : vector<16xf32> to vector<1x16xf32>
        tpu.vector_store %arg11[%swap3A_822, %swap3A_823], %swap3A_826 {add = true, strides = array<i32>} : memref<128x64xf32, #tpu.memory_space<vmem>>, vector<1x16xf32>,
        %swap3A_827 = arith.index_cast %add3A_816 : i32 to index
        %swap3A_828 = arith.constant 32 : index
        %swap3A_829 = tpu.vector_load %arg11[%swap3A_827, %swap3A_828] {strides = array<i32>} : memref<128x64xf32, #tpu.memory_space<vmem>>, vector<1x16xf32>,
        %swap3A_830 = vector.shape_cast %swap3A_829 : vector<1x16xf32> to vector<16xf32>
        %swap3A_831 = vector.shape_cast %get3A_336 : vector<16xf32> to vector<1x16xf32>
        tpu.vector_store %arg11[%swap3A_827, %swap3A_828], %swap3A_831 {add = true, strides = array<i32>} : memref<128x64xf32, #tpu.memory_space<vmem>>, vector<1x16xf32>,
        %swap3A_832 = arith.index_cast %add3A_816 : i32 to index
        %swap3A_833 = arith.constant 48 : index
        %swap3A_834 = tpu.vector_load %arg11[%swap3A_832, %swap3A_833] {strides = array<i32>} : memref<128x64xf32, #tpu.memory_space<vmem>>, vector<1x16xf32>,
        %swap3A_835 = vector.shape_cast %swap3A_834 : vector<1x16xf32> to vector<16xf32>
        %swap3A_836 = vector.shape_cast %get3A_343 : vector<16xf32> to vector<1x16xf32>
        tpu.vector_store %arg11[%swap3A_832, %swap3A_833], %swap3A_836 {add = true, strides = array<i32>} : memref<128x64xf32, #tpu.memory_space<vmem>>, vector<1x16xf32>,
        %scan3A_837 = arith.constant 0 : i32
        scf.yield %scan3A_837 : i32
      }
      %scan3A_350 = arith.constant 32 : i32
      %mul3A_351 = arith.constant 4096 : i32
      %mul3A_352 = arith.muli %add3A_308, %mul3A_351 : i32
      %mul3A_353 = arith.constant 128 : i32
      %mul3A_354 = arith.muli %add3A, %mul3A_353 : i32
      %add3A_355 = arith.addi %mul3A_352, %mul3A_354 : i32
      %dma_start3A_356 = arith.constant 0 : i32
      %dma_start3A_357 = tpu.memref_slice %arg5[%add3A_355, %dma_start3A_356] : memref<819200x64xf32, #tpu.memory_space<hbm>> -> memref<128x64xf32, #tpu.memory_space<hbm>>
      %dma_start3A_358 = arith.constant 0 : i32
      %dma_start3A_359 = tpu.memref_slice %arg5[%add3A_355, %dma_start3A_358] : memref<819200x64xf32, #tpu.memory_space<hbm>> -> memref<128x64xf32, #tpu.memory_space<hbm>>
      tpu.enqueue_dma source(%arg11 : memref<128x64xf32, #tpu.memory_space<vmem>>) target(%dma_start3A_359 : memref<128x64xf32, #tpu.memory_space<hbm>>) target_semaphore(%arg31 : memref<!tpu.dma_semaphore, #tpu.memory_space<semaphore_mem>>)
      %add3A_360 = arith.constant 8 : i32
      %add3A_361 = arith.addi %add3A_308, %add3A_360 : i32
      %lt3A_362 = arith.constant 200 : i32
      %lt3A_363 = arith.cmpi slt, %add3A_361, %lt3A_362 : i32
      %convert_element_type3A_364 = arith.extui %lt3A_363 : i1 to i32
      %cond3A_365 = arith.constant 0 : i32
      %cond3A_366 = arith.cmpi ne, %convert_element_type3A_364, %cond3A_365 : i32
      scf.if %cond3A_366 {
        %ge3A = arith.constant 10 : i32
        %ge3A_740 = arith.cmpi sge, %add3A_361, %ge3A : i32
        %convert_element_type3A_741 = arith.extui %ge3A_740 : i1 to i32
        %cond3A_742 = arith.constant 0 : i32
        %cond3A_743 = arith.cmpi ne, %convert_element_type3A_741, %cond3A_742 : i32
        scf.if %cond3A_743 {
          %mul3A_750 = arith.constant 128 : i32
          %mul3A_751 = arith.muli %add3A, %mul3A_750 : i32
          %dma_wait3A_752 = arith.constant 0 : i32
          %dma_wait3A_753 = tpu.memref_slice %arg5[%mul3A_751, %dma_wait3A_752] : memref<819200x64xf32, #tpu.memory_space<hbm>> -> memref<128x64xf32, #tpu.memory_space<hbm>>
          %dma_wait3A_754 = arith.constant 0 : i32
          %dma_wait3A_755 = tpu.memref_slice %arg5[%mul3A_751, %dma_wait3A_754] : memref<819200x64xf32, #tpu.memory_space<hbm>> -> memref<128x64xf32, #tpu.memory_space<hbm>>
          tpu.wait_dma2 semaphore(%arg29 : memref<!tpu.dma_semaphore, #tpu.memory_space<semaphore_mem>>) src(%arg9 : memref<128x64xf32, #tpu.memory_space<vmem>>) dst(%dma_wait3A_755 : memref<128x64xf32, #tpu.memory_space<hbm>>)
        } else {
        }
        %dma_start3A_744 = arith.constant 0 : i32
        %dma_start3A_745 = tpu.memref_slice %arg6[%add3A_361, %dma_start3A_744] : memref<200x128xi32, #tpu.memory_space<vmem>> -> memref<1x128xi32, #tpu.memory_space<vmem>>
        %dma_start3A_746 = tpu.memref_squeeze %dma_start3A_745 : memref<1x128xi32, #tpu.memory_space<vmem>> -> memref<128xi32, #tpu.memory_space<vmem>>
        %dma_start3A_747 = arith.constant 0 : i32
        %dma_start3A_748 = arith.constant 0 : i32
        %dma_start3A_749 = tpu.memref_slice %arg3[%dma_start3A_747, %dma_start3A_748] : memref<1000000x64xf32, #tpu.memory_space<hbm>> -> memref<1000000x64xf32, #tpu.memory_space<hbm>>
        tpu.enqueue_indirect_dma source(%dma_start3A_749 : memref<1000000x64xf32, #tpu.memory_space<hbm>>) target(%arg9 : memref<128x64xf32, #tpu.memory_space<vmem>>) offsets(%dma_start3A_746 : memref<128xi32, #tpu.memory_space<vmem>>) semaphore(%arg19 : memref<!tpu.dma_semaphore, #tpu.memory_space<semaphore_mem>>)
      } else {
      }
      %mul3A_367 = arith.constant 10 : i32
      %mul3A_368 = arith.muli %mul3A_367, %scan3A_121 : i32
      %add3A_369 = arith.constant 4 : i32
      %add3A_370 = arith.addi %mul3A_368, %add3A_369 : i32
      %dma_wait3A_371 = arith.constant 0 : i32
      %dma_wait3A_372 = arith.constant 0 : i32
      %dma_wait3A_373 = tpu.memref_slice %arg6[%dma_wait3A_371, %dma_wait3A_372] : memref<200x128xi32, #tpu.memory_space<vmem>> -> memref<1x128xi32, #tpu.memory_space<vmem>>
      %dma_wait3A_374 = tpu.memref_squeeze %dma_wait3A_373 : memref<1x128xi32, #tpu.memory_space<vmem>> -> memref<128xi32, #tpu.memory_space<vmem>>
      %dma_wait3A_375 = arith.constant 0 : i32
      %dma_wait3A_376 = arith.constant 0 : i32
      %dma_wait3A_377 = tpu.memref_slice %arg3[%dma_wait3A_375, %dma_wait3A_376] : memref<1000000x64xf32, #tpu.memory_space<hbm>> -> memref<1000000x64xf32, #tpu.memory_space<hbm>>
      tpu.wait_indirect_dma semaphore(%arg22 : memref<!tpu.dma_semaphore, #tpu.memory_space<semaphore_mem>>) src(%dma_wait3A_377 : memref<1000000x64xf32, #tpu.memory_space<hbm>>) dst(%arg12 : memref<128x64xf32, #tpu.memory_space<vmem>>)
      %mul3A_378 = arith.constant 64 : i32
      %mul3A_379 = arith.muli %add3A_370, %mul3A_378 : i32
      %add3A_380 = arith.constant 0 : i32
      %add3A_381 = arith.addi %mul3A_379, %add3A_380 : i32
      %get3A_382 = arith.index_cast %add3A_381 : i32 to index
      %get3A_383 = tpu.vector_load %arg7[%get3A_382] {strides = array<i32>} : memref<12864xf32, #tpu.memory_space<vmem>>, vector<16xf32>,
      %get3A_384 = vector.shape_cast %get3A_383 : vector<16xf32> to vector<16xf32>
      %mul3A_385 = arith.constant 64 : i32
      %mul3A_386 = arith.muli %add3A_370, %mul3A_385 : i32
      %add3A_387 = arith.constant 16 : i32
      %add3A_388 = arith.addi %mul3A_386, %add3A_387 : i32
      %get3A_389 = arith.index_cast %add3A_388 : i32 to index
      %get3A_390 = tpu.vector_load %arg7[%get3A_389] {strides = array<i32>} : memref<12864xf32, #tpu.memory_space<vmem>>, vector<16xf32>,
      %get3A_391 = vector.shape_cast %get3A_390 : vector<16xf32> to vector<16xf32>
      %mul3A_392 = arith.constant 64 : i32
      %mul3A_393 = arith.muli %add3A_370, %mul3A_392 : i32
      %add3A_394 = arith.constant 32 : i32
      %add3A_395 = arith.addi %mul3A_393, %add3A_394 : i32
      %get3A_396 = arith.index_cast %add3A_395 : i32 to index
      %get3A_397 = tpu.vector_load %arg7[%get3A_396] {strides = array<i32>} : memref<12864xf32, #tpu.memory_space<vmem>>, vector<16xf32>,
      %get3A_398 = vector.shape_cast %get3A_397 : vector<16xf32> to vector<16xf32>
      %mul3A_399 = arith.constant 64 : i32
      %mul3A_400 = arith.muli %add3A_370, %mul3A_399 : i32
      %add3A_401 = arith.constant 48 : i32
      %add3A_402 = arith.addi %mul3A_400, %add3A_401 : i32
      %get3A_403 = arith.index_cast %add3A_402 : i32 to index
      %get3A_404 = tpu.vector_load %arg7[%get3A_403] {strides = array<i32>} : memref<12864xf32, #tpu.memory_space<vmem>>, vector<16xf32>,
      %get3A_405 = vector.shape_cast %get3A_404 : vector<16xf32> to vector<16xf32>
      %scan3A_406 = arith.constant 0 : i32
      %scan3A_407 = arith.constant 0 : i32
      %scan3A_408 = arith.constant 32 : i32
      %scan3A_409 = arith.addi %scan3A_407, %scan3A_408 : i32
      %scan3A_410 = arith.constant 1 : i32
      %scan3A_411 = scf.for %scan3A_740 = %scan3A_407 to %scan3A_409 step %scan3A_410 iter_args(%scan3A_741 = %scan3A_406) -> (i32)  : i32 {
        %mul3A_742 = arith.constant 4 : i32
        %mul3A_743 = arith.muli %mul3A_742, %scan3A_740 : i32
        %add3A_744 = arith.constant 0 : i32
        %add3A_745 = arith.addi %mul3A_743, %add3A_744 : i32
        %swap3A = arith.index_cast %add3A_745 : i32 to index
        %swap3A_746 = arith.constant 0 : index
        %swap3A_747 = tpu.vector_load %arg12[%swap3A, %swap3A_746] {strides = array<i32>} : memref<128x64xf32, #tpu.memory_space<vmem>>, vector<1x16xf32>,
        %swap3A_748 = vector.shape_cast %swap3A_747 : vector<1x16xf32> to vector<16xf32>
        %swap3A_749 = vector.shape_cast %get3A_384 : vector<16xf32> to vector<1x16xf32>
        tpu.vector_store %arg12[%swap3A, %swap3A_746], %swap3A_749 {add = true, strides = array<i32>} : memref<128x64xf32, #tpu.memory_space<vmem>>, vector<1x16xf32>,
        %swap3A_750 = arith.index_cast %add3A_745 : i32 to index
        %swap3A_751 = arith.constant 16 : index
        %swap3A_752 = tpu.vector_load %arg12[%swap3A_750, %swap3A_751] {strides = array<i32>} : memref<128x64xf32, #tpu.memory_space<vmem>>, vector<1x16xf32>,
        %swap3A_753 = vector.shape_cast %swap3A_752 : vector<1x16xf32> to vector<16xf32>
        %swap3A_754 = vector.shape_cast %get3A_391 : vector<16xf32> to vector<1x16xf32>
        tpu.vector_store %arg12[%swap3A_750, %swap3A_751], %swap3A_754 {add = true, strides = array<i32>} : memref<128x64xf32, #tpu.memory_space<vmem>>, vector<1x16xf32>,
        %swap3A_755 = arith.index_cast %add3A_745 : i32 to index
        %swap3A_756 = arith.constant 32 : index
        %swap3A_757 = tpu.vector_load %arg12[%swap3A_755, %swap3A_756] {strides = array<i32>} : memref<128x64xf32, #tpu.memory_space<vmem>>, vector<1x16xf32>,
        %swap3A_758 = vector.shape_cast %swap3A_757 : vector<1x16xf32> to vector<16xf32>
        %swap3A_759 = vector.shape_cast %get3A_398 : vector<16xf32> to vector<1x16xf32>
        tpu.vector_store %arg12[%swap3A_755, %swap3A_756], %swap3A_759 {add = true, strides = array<i32>} : memref<128x64xf32, #tpu.memory_space<vmem>>, vector<1x16xf32>,
        %swap3A_760 = arith.index_cast %add3A_745 : i32 to index
        %swap3A_761 = arith.constant 48 : index
        %swap3A_762 = tpu.vector_load %arg12[%swap3A_760, %swap3A_761] {strides = array<i32>} : memref<128x64xf32, #tpu.memory_space<vmem>>, vector<1x16xf32>,
        %swap3A_763 = vector.shape_cast %swap3A_762 : vector<1x16xf32> to vector<16xf32>
        %swap3A_764 = vector.shape_cast %get3A_405 : vector<16xf32> to vector<1x16xf32>
        tpu.vector_store %arg12[%swap3A_760, %swap3A_761], %swap3A_764 {add = true, strides = array<i32>} : memref<128x64xf32, #tpu.memory_space<vmem>>, vector<1x16xf32>,
        %mul3A_765 = arith.constant 4 : i32
        %mul3A_766 = arith.muli %mul3A_765, %scan3A_740 : i32
        %add3A_767 = arith.constant 1 : i32
        %add3A_768 = arith.addi %mul3A_766, %add3A_767 : i32
        %swap3A_769 = arith.index_cast %add3A_768 : i32 to index
        %swap3A_770 = arith.constant 0 : index
        %swap3A_771 = tpu.vector_load %arg12[%swap3A_769, %swap3A_770] {strides = array<i32>} : memref<128x64xf32, #tpu.memory_space<vmem>>, vector<1x16xf32>,
        %swap3A_772 = vector.shape_cast %swap3A_771 : vector<1x16xf32> to vector<16xf32>
        %swap3A_773 = vector.shape_cast %get3A_384 : vector<16xf32> to vector<1x16xf32>
        tpu.vector_store %arg12[%swap3A_769, %swap3A_770], %swap3A_773 {add = true, strides = array<i32>} : memref<128x64xf32, #tpu.memory_space<vmem>>, vector<1x16xf32>,
        %swap3A_774 = arith.index_cast %add3A_768 : i32 to index
        %swap3A_775 = arith.constant 16 : index
        %swap3A_776 = tpu.vector_load %arg12[%swap3A_774, %swap3A_775] {strides = array<i32>} : memref<128x64xf32, #tpu.memory_space<vmem>>, vector<1x16xf32>,
        %swap3A_777 = vector.shape_cast %swap3A_776 : vector<1x16xf32> to vector<16xf32>
        %swap3A_778 = vector.shape_cast %get3A_391 : vector<16xf32> to vector<1x16xf32>
        tpu.vector_store %arg12[%swap3A_774, %swap3A_775], %swap3A_778 {add = true, strides = array<i32>} : memref<128x64xf32, #tpu.memory_space<vmem>>, vector<1x16xf32>,
        %swap3A_779 = arith.index_cast %add3A_768 : i32 to index
        %swap3A_780 = arith.constant 32 : index
        %swap3A_781 = tpu.vector_load %arg12[%swap3A_779, %swap3A_780] {strides = array<i32>} : memref<128x64xf32, #tpu.memory_space<vmem>>, vector<1x16xf32>,
        %swap3A_782 = vector.shape_cast %swap3A_781 : vector<1x16xf32> to vector<16xf32>
        %swap3A_783 = vector.shape_cast %get3A_398 : vector<16xf32> to vector<1x16xf32>
        tpu.vector_store %arg12[%swap3A_779, %swap3A_780], %swap3A_783 {add = true, strides = array<i32>} : memref<128x64xf32, #tpu.memory_space<vmem>>, vector<1x16xf32>,
        %swap3A_784 = arith.index_cast %add3A_768 : i32 to index
        %swap3A_785 = arith.constant 48 : index
        %swap3A_786 = tpu.vector_load %arg12[%swap3A_784, %swap3A_785] {strides = array<i32>} : memref<128x64xf32, #tpu.memory_space<vmem>>, vector<1x16xf32>,
        %swap3A_787 = vector.shape_cast %swap3A_786 : vector<1x16xf32> to vector<16xf32>
        %swap3A_788 = vector.shape_cast %get3A_405 : vector<16xf32> to vector<1x16xf32>
        tpu.vector_store %arg12[%swap3A_784, %swap3A_785], %swap3A_788 {add = true, strides = array<i32>} : memref<128x64xf32, #tpu.memory_space<vmem>>, vector<1x16xf32>,
        %mul3A_789 = arith.constant 4 : i32
        %mul3A_790 = arith.muli %mul3A_789, %scan3A_740 : i32
        %add3A_791 = arith.constant 2 : i32
        %add3A_792 = arith.addi %mul3A_790, %add3A_791 : i32
        %swap3A_793 = arith.index_cast %add3A_792 : i32 to index
        %swap3A_794 = arith.constant 0 : index
        %swap3A_795 = tpu.vector_load %arg12[%swap3A_793, %swap3A_794] {strides = array<i32>} : memref<128x64xf32, #tpu.memory_space<vmem>>, vector<1x16xf32>,
        %swap3A_796 = vector.shape_cast %swap3A_795 : vector<1x16xf32> to vector<16xf32>
        %swap3A_797 = vector.shape_cast %get3A_384 : vector<16xf32> to vector<1x16xf32>
        tpu.vector_store %arg12[%swap3A_793, %swap3A_794], %swap3A_797 {add = true, strides = array<i32>} : memref<128x64xf32, #tpu.memory_space<vmem>>, vector<1x16xf32>,
        %swap3A_798 = arith.index_cast %add3A_792 : i32 to index
        %swap3A_799 = arith.constant 16 : index
        %swap3A_800 = tpu.vector_load %arg12[%swap3A_798, %swap3A_799] {strides = array<i32>} : memref<128x64xf32, #tpu.memory_space<vmem>>, vector<1x16xf32>,
        %swap3A_801 = vector.shape_cast %swap3A_800 : vector<1x16xf32> to vector<16xf32>
        %swap3A_802 = vector.shape_cast %get3A_391 : vector<16xf32> to vector<1x16xf32>
        tpu.vector_store %arg12[%swap3A_798, %swap3A_799], %swap3A_802 {add = true, strides = array<i32>} : memref<128x64xf32, #tpu.memory_space<vmem>>, vector<1x16xf32>,
        %swap3A_803 = arith.index_cast %add3A_792 : i32 to index
        %swap3A_804 = arith.constant 32 : index
        %swap3A_805 = tpu.vector_load %arg12[%swap3A_803, %swap3A_804] {strides = array<i32>} : memref<128x64xf32, #tpu.memory_space<vmem>>, vector<1x16xf32>,
        %swap3A_806 = vector.shape_cast %swap3A_805 : vector<1x16xf32> to vector<16xf32>
        %swap3A_807 = vector.shape_cast %get3A_398 : vector<16xf32> to vector<1x16xf32>
        tpu.vector_store %arg12[%swap3A_803, %swap3A_804], %swap3A_807 {add = true, strides = array<i32>} : memref<128x64xf32, #tpu.memory_space<vmem>>, vector<1x16xf32>,
        %swap3A_808 = arith.index_cast %add3A_792 : i32 to index
        %swap3A_809 = arith.constant 48 : index
        %swap3A_810 = tpu.vector_load %arg12[%swap3A_808, %swap3A_809] {strides = array<i32>} : memref<128x64xf32, #tpu.memory_space<vmem>>, vector<1x16xf32>,
        %swap3A_811 = vector.shape_cast %swap3A_810 : vector<1x16xf32> to vector<16xf32>
        %swap3A_812 = vector.shape_cast %get3A_405 : vector<16xf32> to vector<1x16xf32>
        tpu.vector_store %arg12[%swap3A_808, %swap3A_809], %swap3A_812 {add = true, strides = array<i32>} : memref<128x64xf32, #tpu.memory_space<vmem>>, vector<1x16xf32>,
        %mul3A_813 = arith.constant 4 : i32
        %mul3A_814 = arith.muli %mul3A_813, %scan3A_740 : i32
        %add3A_815 = arith.constant 3 : i32
        %add3A_816 = arith.addi %mul3A_814, %add3A_815 : i32
        %swap3A_817 = arith.index_cast %add3A_816 : i32 to index
        %swap3A_818 = arith.constant 0 : index
        %swap3A_819 = tpu.vector_load %arg12[%swap3A_817, %swap3A_818] {strides = array<i32>} : memref<128x64xf32, #tpu.memory_space<vmem>>, vector<1x16xf32>,
        %swap3A_820 = vector.shape_cast %swap3A_819 : vector<1x16xf32> to vector<16xf32>
        %swap3A_821 = vector.shape_cast %get3A_384 : vector<16xf32> to vector<1x16xf32>
        tpu.vector_store %arg12[%swap3A_817, %swap3A_818], %swap3A_821 {add = true, strides = array<i32>} : memref<128x64xf32, #tpu.memory_space<vmem>>, vector<1x16xf32>,
        %swap3A_822 = arith.index_cast %add3A_816 : i32 to index
        %swap3A_823 = arith.constant 16 : index
        %swap3A_824 = tpu.vector_load %arg12[%swap3A_822, %swap3A_823] {strides = array<i32>} : memref<128x64xf32, #tpu.memory_space<vmem>>, vector<1x16xf32>,
        %swap3A_825 = vector.shape_cast %swap3A_824 : vector<1x16xf32> to vector<16xf32>
        %swap3A_826 = vector.shape_cast %get3A_391 : vector<16xf32> to vector<1x16xf32>
        tpu.vector_store %arg12[%swap3A_822, %swap3A_823], %swap3A_826 {add = true, strides = array<i32>} : memref<128x64xf32, #tpu.memory_space<vmem>>, vector<1x16xf32>,
        %swap3A_827 = arith.index_cast %add3A_816 : i32 to index
        %swap3A_828 = arith.constant 32 : index
        %swap3A_829 = tpu.vector_load %arg12[%swap3A_827, %swap3A_828] {strides = array<i32>} : memref<128x64xf32, #tpu.memory_space<vmem>>, vector<1x16xf32>,
        %swap3A_830 = vector.shape_cast %swap3A_829 : vector<1x16xf32> to vector<16xf32>
        %swap3A_831 = vector.shape_cast %get3A_398 : vector<16xf32> to vector<1x16xf32>
        tpu.vector_store %arg12[%swap3A_827, %swap3A_828], %swap3A_831 {add = true, strides = array<i32>} : memref<128x64xf32, #tpu.memory_space<vmem>>, vector<1x16xf32>,
        %swap3A_832 = arith.index_cast %add3A_816 : i32 to index
        %swap3A_833 = arith.constant 48 : index
        %swap3A_834 = tpu.vector_load %arg12[%swap3A_832, %swap3A_833] {strides = array<i32>} : memref<128x64xf32, #tpu.memory_space<vmem>>, vector<1x16xf32>,
        %swap3A_835 = vector.shape_cast %swap3A_834 : vector<1x16xf32> to vector<16xf32>
        %swap3A_836 = vector.shape_cast %get3A_405 : vector<16xf32> to vector<1x16xf32>
        tpu.vector_store %arg12[%swap3A_832, %swap3A_833], %swap3A_836 {add = true, strides = array<i32>} : memref<128x64xf32, #tpu.memory_space<vmem>>, vector<1x16xf32>,
        %scan3A_837 = arith.constant 0 : i32
        scf.yield %scan3A_837 : i32
      }
      %scan3A_412 = arith.constant 32 : i32
      %mul3A_413 = arith.constant 4096 : i32
      %mul3A_414 = arith.muli %add3A_370, %mul3A_413 : i32
      %mul3A_415 = arith.constant 128 : i32
      %mul3A_416 = arith.muli %add3A, %mul3A_415 : i32
      %add3A_417 = arith.addi %mul3A_414, %mul3A_416 : i32
      %dma_start3A_418 = arith.constant 0 : i32
      %dma_start3A_419 = tpu.memref_slice %arg5[%add3A_417, %dma_start3A_418] : memref<819200x64xf32, #tpu.memory_space<hbm>> -> memref<128x64xf32, #tpu.memory_space<hbm>>
      %dma_start3A_420 = arith.constant 0 : i32
      %dma_start3A_421 = tpu.memref_slice %arg5[%add3A_417, %dma_start3A_420] : memref<819200x64xf32, #tpu.memory_space<hbm>> -> memref<128x64xf32, #tpu.memory_space<hbm>>
      tpu.enqueue_dma source(%arg12 : memref<128x64xf32, #tpu.memory_space<vmem>>) target(%dma_start3A_421 : memref<128x64xf32, #tpu.memory_space<hbm>>) target_semaphore(%arg32 : memref<!tpu.dma_semaphore, #tpu.memory_space<semaphore_mem>>)
      %add3A_422 = arith.constant 8 : i32
      %add3A_423 = arith.addi %add3A_370, %add3A_422 : i32
      %lt3A_424 = arith.constant 200 : i32
      %lt3A_425 = arith.cmpi slt, %add3A_423, %lt3A_424 : i32
      %convert_element_type3A_426 = arith.extui %lt3A_425 : i1 to i32
      %cond3A_427 = arith.constant 0 : i32
      %cond3A_428 = arith.cmpi ne, %convert_element_type3A_426, %cond3A_427 : i32
      scf.if %cond3A_428 {
        %ge3A = arith.constant 10 : i32
        %ge3A_740 = arith.cmpi sge, %add3A_423, %ge3A : i32
        %convert_element_type3A_741 = arith.extui %ge3A_740 : i1 to i32
        %cond3A_742 = arith.constant 0 : i32
        %cond3A_743 = arith.cmpi ne, %convert_element_type3A_741, %cond3A_742 : i32
        scf.if %cond3A_743 {
          %mul3A_750 = arith.constant 128 : i32
          %mul3A_751 = arith.muli %add3A, %mul3A_750 : i32
          %dma_wait3A_752 = arith.constant 0 : i32
          %dma_wait3A_753 = tpu.memref_slice %arg5[%mul3A_751, %dma_wait3A_752] : memref<819200x64xf32, #tpu.memory_space<hbm>> -> memref<128x64xf32, #tpu.memory_space<hbm>>
          %dma_wait3A_754 = arith.constant 0 : i32
          %dma_wait3A_755 = tpu.memref_slice %arg5[%mul3A_751, %dma_wait3A_754] : memref<819200x64xf32, #tpu.memory_space<hbm>> -> memref<128x64xf32, #tpu.memory_space<hbm>>
          tpu.wait_dma2 semaphore(%arg30 : memref<!tpu.dma_semaphore, #tpu.memory_space<semaphore_mem>>) src(%arg10 : memref<128x64xf32, #tpu.memory_space<vmem>>) dst(%dma_wait3A_755 : memref<128x64xf32, #tpu.memory_space<hbm>>)
        } else {
        }
        %dma_start3A_744 = arith.constant 0 : i32
        %dma_start3A_745 = tpu.memref_slice %arg6[%add3A_423, %dma_start3A_744] : memref<200x128xi32, #tpu.memory_space<vmem>> -> memref<1x128xi32, #tpu.memory_space<vmem>>
        %dma_start3A_746 = tpu.memref_squeeze %dma_start3A_745 : memref<1x128xi32, #tpu.memory_space<vmem>> -> memref<128xi32, #tpu.memory_space<vmem>>
        %dma_start3A_747 = arith.constant 0 : i32
        %dma_start3A_748 = arith.constant 0 : i32
        %dma_start3A_749 = tpu.memref_slice %arg3[%dma_start3A_747, %dma_start3A_748] : memref<1000000x64xf32, #tpu.memory_space<hbm>> -> memref<1000000x64xf32, #tpu.memory_space<hbm>>
        tpu.enqueue_indirect_dma source(%dma_start3A_749 : memref<1000000x64xf32, #tpu.memory_space<hbm>>) target(%arg10 : memref<128x64xf32, #tpu.memory_space<vmem>>) offsets(%dma_start3A_746 : memref<128xi32, #tpu.memory_space<vmem>>) semaphore(%arg20 : memref<!tpu.dma_semaphore, #tpu.memory_space<semaphore_mem>>)
      } else {
      }
      %mul3A_429 = arith.constant 10 : i32
      %mul3A_430 = arith.muli %mul3A_429, %scan3A_121 : i32
      %add3A_431 = arith.constant 5 : i32
      %add3A_432 = arith.addi %mul3A_430, %add3A_431 : i32
      %dma_wait3A_433 = arith.constant 0 : i32
      %dma_wait3A_434 = arith.constant 0 : i32
      %dma_wait3A_435 = tpu.memref_slice %arg6[%dma_wait3A_433, %dma_wait3A_434] : memref<200x128xi32, #tpu.memory_space<vmem>> -> memref<1x128xi32, #tpu.memory_space<vmem>>
      %dma_wait3A_436 = tpu.memref_squeeze %dma_wait3A_435 : memref<1x128xi32, #tpu.memory_space<vmem>> -> memref<128xi32, #tpu.memory_space<vmem>>
      %dma_wait3A_437 = arith.constant 0 : i32
      %dma_wait3A_438 = arith.constant 0 : i32
      %dma_wait3A_439 = tpu.memref_slice %arg3[%dma_wait3A_437, %dma_wait3A_438] : memref<1000000x64xf32, #tpu.memory_space<hbm>> -> memref<1000000x64xf32, #tpu.memory_space<hbm>>
      tpu.wait_indirect_dma semaphore(%arg23 : memref<!tpu.dma_semaphore, #tpu.memory_space<semaphore_mem>>) src(%dma_wait3A_439 : memref<1000000x64xf32, #tpu.memory_space<hbm>>) dst(%arg13 : memref<128x64xf32, #tpu.memory_space<vmem>>)
      %mul3A_440 = arith.constant 64 : i32
      %mul3A_441 = arith.muli %add3A_432, %mul3A_440 : i32
      %add3A_442 = arith.constant 0 : i32
      %add3A_443 = arith.addi %mul3A_441, %add3A_442 : i32
      %get3A_444 = arith.index_cast %add3A_443 : i32 to index
      %get3A_445 = tpu.vector_load %arg7[%get3A_444] {strides = array<i32>} : memref<12864xf32, #tpu.memory_space<vmem>>, vector<16xf32>,
      %get3A_446 = vector.shape_cast %get3A_445 : vector<16xf32> to vector<16xf32>
      %mul3A_447 = arith.constant 64 : i32
      %mul3A_448 = arith.muli %add3A_432, %mul3A_447 : i32
      %add3A_449 = arith.constant 16 : i32
      %add3A_450 = arith.addi %mul3A_448, %add3A_449 : i32
      %get3A_451 = arith.index_cast %add3A_450 : i32 to index
      %get3A_452 = tpu.vector_load %arg7[%get3A_451] {strides = array<i32>} : memref<12864xf32, #tpu.memory_space<vmem>>, vector<16xf32>,
      %get3A_453 = vector.shape_cast %get3A_452 : vector<16xf32> to vector<16xf32>
      %mul3A_454 = arith.constant 64 : i32
      %mul3A_455 = arith.muli %add3A_432, %mul3A_454 : i32
      %add3A_456 = arith.constant 32 : i32
      %add3A_457 = arith.addi %mul3A_455, %add3A_456 : i32
      %get3A_458 = arith.index_cast %add3A_457 : i32 to index
      %get3A_459 = tpu.vector_load %arg7[%get3A_458] {strides = array<i32>} : memref<12864xf32, #tpu.memory_space<vmem>>, vector<16xf32>,
      %get3A_460 = vector.shape_cast %get3A_459 : vector<16xf32> to vector<16xf32>
      %mul3A_461 = arith.constant 64 : i32
      %mul3A_462 = arith.muli %add3A_432, %mul3A_461 : i32
      %add3A_463 = arith.constant 48 : i32
      %add3A_464 = arith.addi %mul3A_462, %add3A_463 : i32
      %get3A_465 = arith.index_cast %add3A_464 : i32 to index
      %get3A_466 = tpu.vector_load %arg7[%get3A_465] {strides = array<i32>} : memref<12864xf32, #tpu.memory_space<vmem>>, vector<16xf32>,
      %get3A_467 = vector.shape_cast %get3A_466 : vector<16xf32> to vector<16xf32>
      %scan3A_468 = arith.constant 0 : i32
      %scan3A_469 = arith.constant 0 : i32
      %scan3A_470 = arith.constant 32 : i32
      %scan3A_471 = arith.addi %scan3A_469, %scan3A_470 : i32
      %scan3A_472 = arith.constant 1 : i32
      %scan3A_473 = scf.for %scan3A_740 = %scan3A_469 to %scan3A_471 step %scan3A_472 iter_args(%scan3A_741 = %scan3A_468) -> (i32)  : i32 {
        %mul3A_742 = arith.constant 4 : i32
        %mul3A_743 = arith.muli %mul3A_742, %scan3A_740 : i32
        %add3A_744 = arith.constant 0 : i32
        %add3A_745 = arith.addi %mul3A_743, %add3A_744 : i32
        %swap3A = arith.index_cast %add3A_745 : i32 to index
        %swap3A_746 = arith.constant 0 : index
        %swap3A_747 = tpu.vector_load %arg13[%swap3A, %swap3A_746] {strides = array<i32>} : memref<128x64xf32, #tpu.memory_space<vmem>>, vector<1x16xf32>,
        %swap3A_748 = vector.shape_cast %swap3A_747 : vector<1x16xf32> to vector<16xf32>
        %swap3A_749 = vector.shape_cast %get3A_446 : vector<16xf32> to vector<1x16xf32>
        tpu.vector_store %arg13[%swap3A, %swap3A_746], %swap3A_749 {add = true, strides = array<i32>} : memref<128x64xf32, #tpu.memory_space<vmem>>, vector<1x16xf32>,
        %swap3A_750 = arith.index_cast %add3A_745 : i32 to index
        %swap3A_751 = arith.constant 16 : index
        %swap3A_752 = tpu.vector_load %arg13[%swap3A_750, %swap3A_751] {strides = array<i32>} : memref<128x64xf32, #tpu.memory_space<vmem>>, vector<1x16xf32>,
        %swap3A_753 = vector.shape_cast %swap3A_752 : vector<1x16xf32> to vector<16xf32>
        %swap3A_754 = vector.shape_cast %get3A_453 : vector<16xf32> to vector<1x16xf32>
        tpu.vector_store %arg13[%swap3A_750, %swap3A_751], %swap3A_754 {add = true, strides = array<i32>} : memref<128x64xf32, #tpu.memory_space<vmem>>, vector<1x16xf32>,
        %swap3A_755 = arith.index_cast %add3A_745 : i32 to index
        %swap3A_756 = arith.constant 32 : index
        %swap3A_757 = tpu.vector_load %arg13[%swap3A_755, %swap3A_756] {strides = array<i32>} : memref<128x64xf32, #tpu.memory_space<vmem>>, vector<1x16xf32>,
        %swap3A_758 = vector.shape_cast %swap3A_757 : vector<1x16xf32> to vector<16xf32>
        %swap3A_759 = vector.shape_cast %get3A_460 : vector<16xf32> to vector<1x16xf32>
        tpu.vector_store %arg13[%swap3A_755, %swap3A_756], %swap3A_759 {add = true, strides = array<i32>} : memref<128x64xf32, #tpu.memory_space<vmem>>, vector<1x16xf32>,
        %swap3A_760 = arith.index_cast %add3A_745 : i32 to index
        %swap3A_761 = arith.constant 48 : index
        %swap3A_762 = tpu.vector_load %arg13[%swap3A_760, %swap3A_761] {strides = array<i32>} : memref<128x64xf32, #tpu.memory_space<vmem>>, vector<1x16xf32>,
        %swap3A_763 = vector.shape_cast %swap3A_762 : vector<1x16xf32> to vector<16xf32>
        %swap3A_764 = vector.shape_cast %get3A_467 : vector<16xf32> to vector<1x16xf32>
        tpu.vector_store %arg13[%swap3A_760, %swap3A_761], %swap3A_764 {add = true, strides = array<i32>} : memref<128x64xf32, #tpu.memory_space<vmem>>, vector<1x16xf32>,
        %mul3A_765 = arith.constant 4 : i32
        %mul3A_766 = arith.muli %mul3A_765, %scan3A_740 : i32
        %add3A_767 = arith.constant 1 : i32
        %add3A_768 = arith.addi %mul3A_766, %add3A_767 : i32
        %swap3A_769 = arith.index_cast %add3A_768 : i32 to index
        %swap3A_770 = arith.constant 0 : index
        %swap3A_771 = tpu.vector_load %arg13[%swap3A_769, %swap3A_770] {strides = array<i32>} : memref<128x64xf32, #tpu.memory_space<vmem>>, vector<1x16xf32>,
        %swap3A_772 = vector.shape_cast %swap3A_771 : vector<1x16xf32> to vector<16xf32>
        %swap3A_773 = vector.shape_cast %get3A_446 : vector<16xf32> to vector<1x16xf32>
        tpu.vector_store %arg13[%swap3A_769, %swap3A_770], %swap3A_773 {add = true, strides = array<i32>} : memref<128x64xf32, #tpu.memory_space<vmem>>, vector<1x16xf32>,
        %swap3A_774 = arith.index_cast %add3A_768 : i32 to index
        %swap3A_775 = arith.constant 16 : index
        %swap3A_776 = tpu.vector_load %arg13[%swap3A_774, %swap3A_775] {strides = array<i32>} : memref<128x64xf32, #tpu.memory_space<vmem>>, vector<1x16xf32>,
        %swap3A_777 = vector.shape_cast %swap3A_776 : vector<1x16xf32> to vector<16xf32>
        %swap3A_778 = vector.shape_cast %get3A_453 : vector<16xf32> to vector<1x16xf32>
        tpu.vector_store %arg13[%swap3A_774, %swap3A_775], %swap3A_778 {add = true, strides = array<i32>} : memref<128x64xf32, #tpu.memory_space<vmem>>, vector<1x16xf32>,
        %swap3A_779 = arith.index_cast %add3A_768 : i32 to index
        %swap3A_780 = arith.constant 32 : index
        %swap3A_781 = tpu.vector_load %arg13[%swap3A_779, %swap3A_780] {strides = array<i32>} : memref<128x64xf32, #tpu.memory_space<vmem>>, vector<1x16xf32>,
        %swap3A_782 = vector.shape_cast %swap3A_781 : vector<1x16xf32> to vector<16xf32>
        %swap3A_783 = vector.shape_cast %get3A_460 : vector<16xf32> to vector<1x16xf32>
        tpu.vector_store %arg13[%swap3A_779, %swap3A_780], %swap3A_783 {add = true, strides = array<i32>} : memref<128x64xf32, #tpu.memory_space<vmem>>, vector<1x16xf32>,
        %swap3A_784 = arith.index_cast %add3A_768 : i32 to index
        %swap3A_785 = arith.constant 48 : index
        %swap3A_786 = tpu.vector_load %arg13[%swap3A_784, %swap3A_785] {strides = array<i32>} : memref<128x64xf32, #tpu.memory_space<vmem>>, vector<1x16xf32>,
        %swap3A_787 = vector.shape_cast %swap3A_786 : vector<1x16xf32> to vector<16xf32>
        %swap3A_788 = vector.shape_cast %get3A_467 : vector<16xf32> to vector<1x16xf32>
        tpu.vector_store %arg13[%swap3A_784, %swap3A_785], %swap3A_788 {add = true, strides = array<i32>} : memref<128x64xf32, #tpu.memory_space<vmem>>, vector<1x16xf32>,
        %mul3A_789 = arith.constant 4 : i32
        %mul3A_790 = arith.muli %mul3A_789, %scan3A_740 : i32
        %add3A_791 = arith.constant 2 : i32
        %add3A_792 = arith.addi %mul3A_790, %add3A_791 : i32
        %swap3A_793 = arith.index_cast %add3A_792 : i32 to index
        %swap3A_794 = arith.constant 0 : index
        %swap3A_795 = tpu.vector_load %arg13[%swap3A_793, %swap3A_794] {strides = array<i32>} : memref<128x64xf32, #tpu.memory_space<vmem>>, vector<1x16xf32>,
        %swap3A_796 = vector.shape_cast %swap3A_795 : vector<1x16xf32> to vector<16xf32>
        %swap3A_797 = vector.shape_cast %get3A_446 : vector<16xf32> to vector<1x16xf32>
        tpu.vector_store %arg13[%swap3A_793, %swap3A_794], %swap3A_797 {add = true, strides = array<i32>} : memref<128x64xf32, #tpu.memory_space<vmem>>, vector<1x16xf32>,
        %swap3A_798 = arith.index_cast %add3A_792 : i32 to index
        %swap3A_799 = arith.constant 16 : index
        %swap3A_800 = tpu.vector_load %arg13[%swap3A_798, %swap3A_799] {strides = array<i32>} : memref<128x64xf32, #tpu.memory_space<vmem>>, vector<1x16xf32>,
        %swap3A_801 = vector.shape_cast %swap3A_800 : vector<1x16xf32> to vector<16xf32>
        %swap3A_802 = vector.shape_cast %get3A_453 : vector<16xf32> to vector<1x16xf32>
        tpu.vector_store %arg13[%swap3A_798, %swap3A_799], %swap3A_802 {add = true, strides = array<i32>} : memref<128x64xf32, #tpu.memory_space<vmem>>, vector<1x16xf32>,
        %swap3A_803 = arith.index_cast %add3A_792 : i32 to index
        %swap3A_804 = arith.constant 32 : index
        %swap3A_805 = tpu.vector_load %arg13[%swap3A_803, %swap3A_804] {strides = array<i32>} : memref<128x64xf32, #tpu.memory_space<vmem>>, vector<1x16xf32>,
        %swap3A_806 = vector.shape_cast %swap3A_805 : vector<1x16xf32> to vector<16xf32>
        %swap3A_807 = vector.shape_cast %get3A_460 : vector<16xf32> to vector<1x16xf32>
        tpu.vector_store %arg13[%swap3A_803, %swap3A_804], %swap3A_807 {add = true, strides = array<i32>} : memref<128x64xf32, #tpu.memory_space<vmem>>, vector<1x16xf32>,
        %swap3A_808 = arith.index_cast %add3A_792 : i32 to index
        %swap3A_809 = arith.constant 48 : index
        %swap3A_810 = tpu.vector_load %arg13[%swap3A_808, %swap3A_809] {strides = array<i32>} : memref<128x64xf32, #tpu.memory_space<vmem>>, vector<1x16xf32>,
        %swap3A_811 = vector.shape_cast %swap3A_810 : vector<1x16xf32> to vector<16xf32>
        %swap3A_812 = vector.shape_cast %get3A_467 : vector<16xf32> to vector<1x16xf32>
        tpu.vector_store %arg13[%swap3A_808, %swap3A_809], %swap3A_812 {add = true, strides = array<i32>} : memref<128x64xf32, #tpu.memory_space<vmem>>, vector<1x16xf32>,
        %mul3A_813 = arith.constant 4 : i32
        %mul3A_814 = arith.muli %mul3A_813, %scan3A_740 : i32
        %add3A_815 = arith.constant 3 : i32
        %add3A_816 = arith.addi %mul3A_814, %add3A_815 : i32
        %swap3A_817 = arith.index_cast %add3A_816 : i32 to index
        %swap3A_818 = arith.constant 0 : index
        %swap3A_819 = tpu.vector_load %arg13[%swap3A_817, %swap3A_818] {strides = array<i32>} : memref<128x64xf32, #tpu.memory_space<vmem>>, vector<1x16xf32>,
        %swap3A_820 = vector.shape_cast %swap3A_819 : vector<1x16xf32> to vector<16xf32>
        %swap3A_821 = vector.shape_cast %get3A_446 : vector<16xf32> to vector<1x16xf32>
        tpu.vector_store %arg13[%swap3A_817, %swap3A_818], %swap3A_821 {add = true, strides = array<i32>} : memref<128x64xf32, #tpu.memory_space<vmem>>, vector<1x16xf32>,
        %swap3A_822 = arith.index_cast %add3A_816 : i32 to index
        %swap3A_823 = arith.constant 16 : index
        %swap3A_824 = tpu.vector_load %arg13[%swap3A_822, %swap3A_823] {strides = array<i32>} : memref<128x64xf32, #tpu.memory_space<vmem>>, vector<1x16xf32>,
        %swap3A_825 = vector.shape_cast %swap3A_824 : vector<1x16xf32> to vector<16xf32>
        %swap3A_826 = vector.shape_cast %get3A_453 : vector<16xf32> to vector<1x16xf32>
        tpu.vector_store %arg13[%swap3A_822, %swap3A_823], %swap3A_826 {add = true, strides = array<i32>} : memref<128x64xf32, #tpu.memory_space<vmem>>, vector<1x16xf32>,
        %swap3A_827 = arith.index_cast %add3A_816 : i32 to index
        %swap3A_828 = arith.constant 32 : index
        %swap3A_829 = tpu.vector_load %arg13[%swap3A_827, %swap3A_828] {strides = array<i32>} : memref<128x64xf32, #tpu.memory_space<vmem>>, vector<1x16xf32>,
        %swap3A_830 = vector.shape_cast %swap3A_829 : vector<1x16xf32> to vector<16xf32>
        %swap3A_831 = vector.shape_cast %get3A_460 : vector<16xf32> to vector<1x16xf32>
        tpu.vector_store %arg13[%swap3A_827, %swap3A_828], %swap3A_831 {add = true, strides = array<i32>} : memref<128x64xf32, #tpu.memory_space<vmem>>, vector<1x16xf32>,
        %swap3A_832 = arith.index_cast %add3A_816 : i32 to index
        %swap3A_833 = arith.constant 48 : index
        %swap3A_834 = tpu.vector_load %arg13[%swap3A_832, %swap3A_833] {strides = array<i32>} : memref<128x64xf32, #tpu.memory_space<vmem>>, vector<1x16xf32>,
        %swap3A_835 = vector.shape_cast %swap3A_834 : vector<1x16xf32> to vector<16xf32>
        %swap3A_836 = vector.shape_cast %get3A_467 : vector<16xf32> to vector<1x16xf32>
        tpu.vector_store %arg13[%swap3A_832, %swap3A_833], %swap3A_836 {add = true, strides = array<i32>} : memref<128x64xf32, #tpu.memory_space<vmem>>, vector<1x16xf32>,
        %scan3A_837 = arith.constant 0 : i32
        scf.yield %scan3A_837 : i32
      }
      %scan3A_474 = arith.constant 32 : i32
      %mul3A_475 = arith.constant 4096 : i32
      %mul3A_476 = arith.muli %add3A_432, %mul3A_475 : i32
      %mul3A_477 = arith.constant 128 : i32
      %mul3A_478 = arith.muli %add3A, %mul3A_477 : i32
      %add3A_479 = arith.addi %mul3A_476, %mul3A_478 : i32
      %dma_start3A_480 = arith.constant 0 : i32
      %dma_start3A_481 = tpu.memref_slice %arg5[%add3A_479, %dma_start3A_480] : memref<819200x64xf32, #tpu.memory_space<hbm>> -> memref<128x64xf32, #tpu.memory_space<hbm>>
      %dma_start3A_482 = arith.constant 0 : i32
      %dma_start3A_483 = tpu.memref_slice %arg5[%add3A_479, %dma_start3A_482] : memref<819200x64xf32, #tpu.memory_space<hbm>> -> memref<128x64xf32, #tpu.memory_space<hbm>>
      tpu.enqueue_dma source(%arg13 : memref<128x64xf32, #tpu.memory_space<vmem>>) target(%dma_start3A_483 : memref<128x64xf32, #tpu.memory_space<hbm>>) target_semaphore(%arg33 : memref<!tpu.dma_semaphore, #tpu.memory_space<semaphore_mem>>)
      %add3A_484 = arith.constant 8 : i32
      %add3A_485 = arith.addi %add3A_432, %add3A_484 : i32
      %lt3A_486 = arith.constant 200 : i32
      %lt3A_487 = arith.cmpi slt, %add3A_485, %lt3A_486 : i32
      %convert_element_type3A_488 = arith.extui %lt3A_487 : i1 to i32
      %cond3A_489 = arith.constant 0 : i32
      %cond3A_490 = arith.cmpi ne, %convert_element_type3A_488, %cond3A_489 : i32
      scf.if %cond3A_490 {
        %ge3A = arith.constant 10 : i32
        %ge3A_740 = arith.cmpi sge, %add3A_485, %ge3A : i32
        %convert_element_type3A_741 = arith.extui %ge3A_740 : i1 to i32
        %cond3A_742 = arith.constant 0 : i32
        %cond3A_743 = arith.cmpi ne, %convert_element_type3A_741, %cond3A_742 : i32
        scf.if %cond3A_743 {
          %mul3A_750 = arith.constant 128 : i32
          %mul3A_751 = arith.muli %add3A, %mul3A_750 : i32
          %dma_wait3A_752 = arith.constant 0 : i32
          %dma_wait3A_753 = tpu.memref_slice %arg5[%mul3A_751, %dma_wait3A_752] : memref<819200x64xf32, #tpu.memory_space<hbm>> -> memref<128x64xf32, #tpu.memory_space<hbm>>
          %dma_wait3A_754 = arith.constant 0 : i32
          %dma_wait3A_755 = tpu.memref_slice %arg5[%mul3A_751, %dma_wait3A_754] : memref<819200x64xf32, #tpu.memory_space<hbm>> -> memref<128x64xf32, #tpu.memory_space<hbm>>
          tpu.wait_dma2 semaphore(%arg31 : memref<!tpu.dma_semaphore, #tpu.memory_space<semaphore_mem>>) src(%arg11 : memref<128x64xf32, #tpu.memory_space<vmem>>) dst(%dma_wait3A_755 : memref<128x64xf32, #tpu.memory_space<hbm>>)
        } else {
        }
        %dma_start3A_744 = arith.constant 0 : i32
        %dma_start3A_745 = tpu.memref_slice %arg6[%add3A_485, %dma_start3A_744] : memref<200x128xi32, #tpu.memory_space<vmem>> -> memref<1x128xi32, #tpu.memory_space<vmem>>
        %dma_start3A_746 = tpu.memref_squeeze %dma_start3A_745 : memref<1x128xi32, #tpu.memory_space<vmem>> -> memref<128xi32, #tpu.memory_space<vmem>>
        %dma_start3A_747 = arith.constant 0 : i32
        %dma_start3A_748 = arith.constant 0 : i32
        %dma_start3A_749 = tpu.memref_slice %arg3[%dma_start3A_747, %dma_start3A_748] : memref<1000000x64xf32, #tpu.memory_space<hbm>> -> memref<1000000x64xf32, #tpu.memory_space<hbm>>
        tpu.enqueue_indirect_dma source(%dma_start3A_749 : memref<1000000x64xf32, #tpu.memory_space<hbm>>) target(%arg11 : memref<128x64xf32, #tpu.memory_space<vmem>>) offsets(%dma_start3A_746 : memref<128xi32, #tpu.memory_space<vmem>>) semaphore(%arg21 : memref<!tpu.dma_semaphore, #tpu.memory_space<semaphore_mem>>)
      } else {
      }
      %mul3A_491 = arith.constant 10 : i32
      %mul3A_492 = arith.muli %mul3A_491, %scan3A_121 : i32
      %add3A_493 = arith.constant 6 : i32
      %add3A_494 = arith.addi %mul3A_492, %add3A_493 : i32
      %dma_wait3A_495 = arith.constant 0 : i32
      %dma_wait3A_496 = arith.constant 0 : i32
      %dma_wait3A_497 = tpu.memref_slice %arg6[%dma_wait3A_495, %dma_wait3A_496] : memref<200x128xi32, #tpu.memory_space<vmem>> -> memref<1x128xi32, #tpu.memory_space<vmem>>
      %dma_wait3A_498 = tpu.memref_squeeze %dma_wait3A_497 : memref<1x128xi32, #tpu.memory_space<vmem>> -> memref<128xi32, #tpu.memory_space<vmem>>
      %dma_wait3A_499 = arith.constant 0 : i32
      %dma_wait3A_500 = arith.constant 0 : i32
      %dma_wait3A_501 = tpu.memref_slice %arg3[%dma_wait3A_499, %dma_wait3A_500] : memref<1000000x64xf32, #tpu.memory_space<hbm>> -> memref<1000000x64xf32, #tpu.memory_space<hbm>>
      tpu.wait_indirect_dma semaphore(%arg24 : memref<!tpu.dma_semaphore, #tpu.memory_space<semaphore_mem>>) src(%dma_wait3A_501 : memref<1000000x64xf32, #tpu.memory_space<hbm>>) dst(%arg14 : memref<128x64xf32, #tpu.memory_space<vmem>>)
      %mul3A_502 = arith.constant 64 : i32
      %mul3A_503 = arith.muli %add3A_494, %mul3A_502 : i32
      %add3A_504 = arith.constant 0 : i32
      %add3A_505 = arith.addi %mul3A_503, %add3A_504 : i32
      %get3A_506 = arith.index_cast %add3A_505 : i32 to index
      %get3A_507 = tpu.vector_load %arg7[%get3A_506] {strides = array<i32>} : memref<12864xf32, #tpu.memory_space<vmem>>, vector<16xf32>,
      %get3A_508 = vector.shape_cast %get3A_507 : vector<16xf32> to vector<16xf32>
      %mul3A_509 = arith.constant 64 : i32
      %mul3A_510 = arith.muli %add3A_494, %mul3A_509 : i32
      %add3A_511 = arith.constant 16 : i32
      %add3A_512 = arith.addi %mul3A_510, %add3A_511 : i32
      %get3A_513 = arith.index_cast %add3A_512 : i32 to index
      %get3A_514 = tpu.vector_load %arg7[%get3A_513] {strides = array<i32>} : memref<12864xf32, #tpu.memory_space<vmem>>, vector<16xf32>,
      %get3A_515 = vector.shape_cast %get3A_514 : vector<16xf32> to vector<16xf32>
      %mul3A_516 = arith.constant 64 : i32
      %mul3A_517 = arith.muli %add3A_494, %mul3A_516 : i32
      %add3A_518 = arith.constant 32 : i32
      %add3A_519 = arith.addi %mul3A_517, %add3A_518 : i32
      %get3A_520 = arith.index_cast %add3A_519 : i32 to index
      %get3A_521 = tpu.vector_load %arg7[%get3A_520] {strides = array<i32>} : memref<12864xf32, #tpu.memory_space<vmem>>, vector<16xf32>,
      %get3A_522 = vector.shape_cast %get3A_521 : vector<16xf32> to vector<16xf32>
      %mul3A_523 = arith.constant 64 : i32
      %mul3A_524 = arith.muli %add3A_494, %mul3A_523 : i32
      %add3A_525 = arith.constant 48 : i32
      %add3A_526 = arith.addi %mul3A_524, %add3A_525 : i32
      %get3A_527 = arith.index_cast %add3A_526 : i32 to index
      %get3A_528 = tpu.vector_load %arg7[%get3A_527] {strides = array<i32>} : memref<12864xf32, #tpu.memory_space<vmem>>, vector<16xf32>,
      %get3A_529 = vector.shape_cast %get3A_528 : vector<16xf32> to vector<16xf32>
      %scan3A_530 = arith.constant 0 : i32
      %scan3A_531 = arith.constant 0 : i32
      %scan3A_532 = arith.constant 32 : i32
      %scan3A_533 = arith.addi %scan3A_531, %scan3A_532 : i32
      %scan3A_534 = arith.constant 1 : i32
      %scan3A_535 = scf.for %scan3A_740 = %scan3A_531 to %scan3A_533 step %scan3A_534 iter_args(%scan3A_741 = %scan3A_530) -> (i32)  : i32 {
        %mul3A_742 = arith.constant 4 : i32
        %mul3A_743 = arith.muli %mul3A_742, %scan3A_740 : i32
        %add3A_744 = arith.constant 0 : i32
        %add3A_745 = arith.addi %mul3A_743, %add3A_744 : i32
        %swap3A = arith.index_cast %add3A_745 : i32 to index
        %swap3A_746 = arith.constant 0 : index
        %swap3A_747 = tpu.vector_load %arg14[%swap3A, %swap3A_746] {strides = array<i32>} : memref<128x64xf32, #tpu.memory_space<vmem>>, vector<1x16xf32>,
        %swap3A_748 = vector.shape_cast %swap3A_747 : vector<1x16xf32> to vector<16xf32>
        %swap3A_749 = vector.shape_cast %get3A_508 : vector<16xf32> to vector<1x16xf32>
        tpu.vector_store %arg14[%swap3A, %swap3A_746], %swap3A_749 {add = true, strides = array<i32>} : memref<128x64xf32, #tpu.memory_space<vmem>>, vector<1x16xf32>,
        %swap3A_750 = arith.index_cast %add3A_745 : i32 to index
        %swap3A_751 = arith.constant 16 : index
        %swap3A_752 = tpu.vector_load %arg14[%swap3A_750, %swap3A_751] {strides = array<i32>} : memref<128x64xf32, #tpu.memory_space<vmem>>, vector<1x16xf32>,
        %swap3A_753 = vector.shape_cast %swap3A_752 : vector<1x16xf32> to vector<16xf32>
        %swap3A_754 = vector.shape_cast %get3A_515 : vector<16xf32> to vector<1x16xf32>
        tpu.vector_store %arg14[%swap3A_750, %swap3A_751], %swap3A_754 {add = true, strides = array<i32>} : memref<128x64xf32, #tpu.memory_space<vmem>>, vector<1x16xf32>,
        %swap3A_755 = arith.index_cast %add3A_745 : i32 to index
        %swap3A_756 = arith.constant 32 : index
        %swap3A_757 = tpu.vector_load %arg14[%swap3A_755, %swap3A_756] {strides = array<i32>} : memref<128x64xf32, #tpu.memory_space<vmem>>, vector<1x16xf32>,
        %swap3A_758 = vector.shape_cast %swap3A_757 : vector<1x16xf32> to vector<16xf32>
        %swap3A_759 = vector.shape_cast %get3A_522 : vector<16xf32> to vector<1x16xf32>
        tpu.vector_store %arg14[%swap3A_755, %swap3A_756], %swap3A_759 {add = true, strides = array<i32>} : memref<128x64xf32, #tpu.memory_space<vmem>>, vector<1x16xf32>,
        %swap3A_760 = arith.index_cast %add3A_745 : i32 to index
        %swap3A_761 = arith.constant 48 : index
        %swap3A_762 = tpu.vector_load %arg14[%swap3A_760, %swap3A_761] {strides = array<i32>} : memref<128x64xf32, #tpu.memory_space<vmem>>, vector<1x16xf32>,
        %swap3A_763 = vector.shape_cast %swap3A_762 : vector<1x16xf32> to vector<16xf32>
        %swap3A_764 = vector.shape_cast %get3A_529 : vector<16xf32> to vector<1x16xf32>
        tpu.vector_store %arg14[%swap3A_760, %swap3A_761], %swap3A_764 {add = true, strides = array<i32>} : memref<128x64xf32, #tpu.memory_space<vmem>>, vector<1x16xf32>,
        %mul3A_765 = arith.constant 4 : i32
        %mul3A_766 = arith.muli %mul3A_765, %scan3A_740 : i32
        %add3A_767 = arith.constant 1 : i32
        %add3A_768 = arith.addi %mul3A_766, %add3A_767 : i32
        %swap3A_769 = arith.index_cast %add3A_768 : i32 to index
        %swap3A_770 = arith.constant 0 : index
        %swap3A_771 = tpu.vector_load %arg14[%swap3A_769, %swap3A_770] {strides = array<i32>} : memref<128x64xf32, #tpu.memory_space<vmem>>, vector<1x16xf32>,
        %swap3A_772 = vector.shape_cast %swap3A_771 : vector<1x16xf32> to vector<16xf32>
        %swap3A_773 = vector.shape_cast %get3A_508 : vector<16xf32> to vector<1x16xf32>
        tpu.vector_store %arg14[%swap3A_769, %swap3A_770], %swap3A_773 {add = true, strides = array<i32>} : memref<128x64xf32, #tpu.memory_space<vmem>>, vector<1x16xf32>,
        %swap3A_774 = arith.index_cast %add3A_768 : i32 to index
        %swap3A_775 = arith.constant 16 : index
        %swap3A_776 = tpu.vector_load %arg14[%swap3A_774, %swap3A_775] {strides = array<i32>} : memref<128x64xf32, #tpu.memory_space<vmem>>, vector<1x16xf32>,
        %swap3A_777 = vector.shape_cast %swap3A_776 : vector<1x16xf32> to vector<16xf32>
        %swap3A_778 = vector.shape_cast %get3A_515 : vector<16xf32> to vector<1x16xf32>
        tpu.vector_store %arg14[%swap3A_774, %swap3A_775], %swap3A_778 {add = true, strides = array<i32>} : memref<128x64xf32, #tpu.memory_space<vmem>>, vector<1x16xf32>,
        %swap3A_779 = arith.index_cast %add3A_768 : i32 to index
        %swap3A_780 = arith.constant 32 : index
        %swap3A_781 = tpu.vector_load %arg14[%swap3A_779, %swap3A_780] {strides = array<i32>} : memref<128x64xf32, #tpu.memory_space<vmem>>, vector<1x16xf32>,
        %swap3A_782 = vector.shape_cast %swap3A_781 : vector<1x16xf32> to vector<16xf32>
        %swap3A_783 = vector.shape_cast %get3A_522 : vector<16xf32> to vector<1x16xf32>
        tpu.vector_store %arg14[%swap3A_779, %swap3A_780], %swap3A_783 {add = true, strides = array<i32>} : memref<128x64xf32, #tpu.memory_space<vmem>>, vector<1x16xf32>,
        %swap3A_784 = arith.index_cast %add3A_768 : i32 to index
        %swap3A_785 = arith.constant 48 : index
        %swap3A_786 = tpu.vector_load %arg14[%swap3A_784, %swap3A_785] {strides = array<i32>} : memref<128x64xf32, #tpu.memory_space<vmem>>, vector<1x16xf32>,
        %swap3A_787 = vector.shape_cast %swap3A_786 : vector<1x16xf32> to vector<16xf32>
        %swap3A_788 = vector.shape_cast %get3A_529 : vector<16xf32> to vector<1x16xf32>
        tpu.vector_store %arg14[%swap3A_784, %swap3A_785], %swap3A_788 {add = true, strides = array<i32>} : memref<128x64xf32, #tpu.memory_space<vmem>>, vector<1x16xf32>,
        %mul3A_789 = arith.constant 4 : i32
        %mul3A_790 = arith.muli %mul3A_789, %scan3A_740 : i32
        %add3A_791 = arith.constant 2 : i32
        %add3A_792 = arith.addi %mul3A_790, %add3A_791 : i32
        %swap3A_793 = arith.index_cast %add3A_792 : i32 to index
        %swap3A_794 = arith.constant 0 : index
        %swap3A_795 = tpu.vector_load %arg14[%swap3A_793, %swap3A_794] {strides = array<i32>} : memref<128x64xf32, #tpu.memory_space<vmem>>, vector<1x16xf32>,
        %swap3A_796 = vector.shape_cast %swap3A_795 : vector<1x16xf32> to vector<16xf32>
        %swap3A_797 = vector.shape_cast %get3A_508 : vector<16xf32> to vector<1x16xf32>
        tpu.vector_store %arg14[%swap3A_793, %swap3A_794], %swap3A_797 {add = true, strides = array<i32>} : memref<128x64xf32, #tpu.memory_space<vmem>>, vector<1x16xf32>,
        %swap3A_798 = arith.index_cast %add3A_792 : i32 to index
        %swap3A_799 = arith.constant 16 : index
        %swap3A_800 = tpu.vector_load %arg14[%swap3A_798, %swap3A_799] {strides = array<i32>} : memref<128x64xf32, #tpu.memory_space<vmem>>, vector<1x16xf32>,
        %swap3A_801 = vector.shape_cast %swap3A_800 : vector<1x16xf32> to vector<16xf32>
        %swap3A_802 = vector.shape_cast %get3A_515 : vector<16xf32> to vector<1x16xf32>
        tpu.vector_store %arg14[%swap3A_798, %swap3A_799], %swap3A_802 {add = true, strides = array<i32>} : memref<128x64xf32, #tpu.memory_space<vmem>>, vector<1x16xf32>,
        %swap3A_803 = arith.index_cast %add3A_792 : i32 to index
        %swap3A_804 = arith.constant 32 : index
        %swap3A_805 = tpu.vector_load %arg14[%swap3A_803, %swap3A_804] {strides = array<i32>} : memref<128x64xf32, #tpu.memory_space<vmem>>, vector<1x16xf32>,
        %swap3A_806 = vector.shape_cast %swap3A_805 : vector<1x16xf32> to vector<16xf32>
        %swap3A_807 = vector.shape_cast %get3A_522 : vector<16xf32> to vector<1x16xf32>
        tpu.vector_store %arg14[%swap3A_803, %swap3A_804], %swap3A_807 {add = true, strides = array<i32>} : memref<128x64xf32, #tpu.memory_space<vmem>>, vector<1x16xf32>,
        %swap3A_808 = arith.index_cast %add3A_792 : i32 to index
        %swap3A_809 = arith.constant 48 : index
        %swap3A_810 = tpu.vector_load %arg14[%swap3A_808, %swap3A_809] {strides = array<i32>} : memref<128x64xf32, #tpu.memory_space<vmem>>, vector<1x16xf32>,
        %swap3A_811 = vector.shape_cast %swap3A_810 : vector<1x16xf32> to vector<16xf32>
        %swap3A_812 = vector.shape_cast %get3A_529 : vector<16xf32> to vector<1x16xf32>
        tpu.vector_store %arg14[%swap3A_808, %swap3A_809], %swap3A_812 {add = true, strides = array<i32>} : memref<128x64xf32, #tpu.memory_space<vmem>>, vector<1x16xf32>,
        %mul3A_813 = arith.constant 4 : i32
        %mul3A_814 = arith.muli %mul3A_813, %scan3A_740 : i32
        %add3A_815 = arith.constant 3 : i32
        %add3A_816 = arith.addi %mul3A_814, %add3A_815 : i32
        %swap3A_817 = arith.index_cast %add3A_816 : i32 to index
        %swap3A_818 = arith.constant 0 : index
        %swap3A_819 = tpu.vector_load %arg14[%swap3A_817, %swap3A_818] {strides = array<i32>} : memref<128x64xf32, #tpu.memory_space<vmem>>, vector<1x16xf32>,
        %swap3A_820 = vector.shape_cast %swap3A_819 : vector<1x16xf32> to vector<16xf32>
        %swap3A_821 = vector.shape_cast %get3A_508 : vector<16xf32> to vector<1x16xf32>
        tpu.vector_store %arg14[%swap3A_817, %swap3A_818], %swap3A_821 {add = true, strides = array<i32>} : memref<128x64xf32, #tpu.memory_space<vmem>>, vector<1x16xf32>,
        %swap3A_822 = arith.index_cast %add3A_816 : i32 to index
        %swap3A_823 = arith.constant 16 : index
        %swap3A_824 = tpu.vector_load %arg14[%swap3A_822, %swap3A_823] {strides = array<i32>} : memref<128x64xf32, #tpu.memory_space<vmem>>, vector<1x16xf32>,
        %swap3A_825 = vector.shape_cast %swap3A_824 : vector<1x16xf32> to vector<16xf32>
        %swap3A_826 = vector.shape_cast %get3A_515 : vector<16xf32> to vector<1x16xf32>
        tpu.vector_store %arg14[%swap3A_822, %swap3A_823], %swap3A_826 {add = true, strides = array<i32>} : memref<128x64xf32, #tpu.memory_space<vmem>>, vector<1x16xf32>,
        %swap3A_827 = arith.index_cast %add3A_816 : i32 to index
        %swap3A_828 = arith.constant 32 : index
        %swap3A_829 = tpu.vector_load %arg14[%swap3A_827, %swap3A_828] {strides = array<i32>} : memref<128x64xf32, #tpu.memory_space<vmem>>, vector<1x16xf32>,
        %swap3A_830 = vector.shape_cast %swap3A_829 : vector<1x16xf32> to vector<16xf32>
        %swap3A_831 = vector.shape_cast %get3A_522 : vector<16xf32> to vector<1x16xf32>
        tpu.vector_store %arg14[%swap3A_827, %swap3A_828], %swap3A_831 {add = true, strides = array<i32>} : memref<128x64xf32, #tpu.memory_space<vmem>>, vector<1x16xf32>,
        %swap3A_832 = arith.index_cast %add3A_816 : i32 to index
        %swap3A_833 = arith.constant 48 : index
        %swap3A_834 = tpu.vector_load %arg14[%swap3A_832, %swap3A_833] {strides = array<i32>} : memref<128x64xf32, #tpu.memory_space<vmem>>, vector<1x16xf32>,
        %swap3A_835 = vector.shape_cast %swap3A_834 : vector<1x16xf32> to vector<16xf32>
        %swap3A_836 = vector.shape_cast %get3A_529 : vector<16xf32> to vector<1x16xf32>
        tpu.vector_store %arg14[%swap3A_832, %swap3A_833], %swap3A_836 {add = true, strides = array<i32>} : memref<128x64xf32, #tpu.memory_space<vmem>>, vector<1x16xf32>,
        %scan3A_837 = arith.constant 0 : i32
        scf.yield %scan3A_837 : i32
      }
      %scan3A_536 = arith.constant 32 : i32
      %mul3A_537 = arith.constant 4096 : i32
      %mul3A_538 = arith.muli %add3A_494, %mul3A_537 : i32
      %mul3A_539 = arith.constant 128 : i32
      %mul3A_540 = arith.muli %add3A, %mul3A_539 : i32
      %add3A_541 = arith.addi %mul3A_538, %mul3A_540 : i32
      %dma_start3A_542 = arith.constant 0 : i32
      %dma_start3A_543 = tpu.memref_slice %arg5[%add3A_541, %dma_start3A_542] : memref<819200x64xf32, #tpu.memory_space<hbm>> -> memref<128x64xf32, #tpu.memory_space<hbm>>
      %dma_start3A_544 = arith.constant 0 : i32
      %dma_start3A_545 = tpu.memref_slice %arg5[%add3A_541, %dma_start3A_544] : memref<819200x64xf32, #tpu.memory_space<hbm>> -> memref<128x64xf32, #tpu.memory_space<hbm>>
      tpu.enqueue_dma source(%arg14 : memref<128x64xf32, #tpu.memory_space<vmem>>) target(%dma_start3A_545 : memref<128x64xf32, #tpu.memory_space<hbm>>) target_semaphore(%arg34 : memref<!tpu.dma_semaphore, #tpu.memory_space<semaphore_mem>>)
      %add3A_546 = arith.constant 8 : i32
      %add3A_547 = arith.addi %add3A_494, %add3A_546 : i32
      %lt3A_548 = arith.constant 200 : i32
      %lt3A_549 = arith.cmpi slt, %add3A_547, %lt3A_548 : i32
      %convert_element_type3A_550 = arith.extui %lt3A_549 : i1 to i32
      %cond3A_551 = arith.constant 0 : i32
      %cond3A_552 = arith.cmpi ne, %convert_element_type3A_550, %cond3A_551 : i32
      scf.if %cond3A_552 {
        %ge3A = arith.constant 10 : i32
        %ge3A_740 = arith.cmpi sge, %add3A_547, %ge3A : i32
        %convert_element_type3A_741 = arith.extui %ge3A_740 : i1 to i32
        %cond3A_742 = arith.constant 0 : i32
        %cond3A_743 = arith.cmpi ne, %convert_element_type3A_741, %cond3A_742 : i32
        scf.if %cond3A_743 {
          %mul3A_750 = arith.constant 128 : i32
          %mul3A_751 = arith.muli %add3A, %mul3A_750 : i32
          %dma_wait3A_752 = arith.constant 0 : i32
          %dma_wait3A_753 = tpu.memref_slice %arg5[%mul3A_751, %dma_wait3A_752] : memref<819200x64xf32, #tpu.memory_space<hbm>> -> memref<128x64xf32, #tpu.memory_space<hbm>>
          %dma_wait3A_754 = arith.constant 0 : i32
          %dma_wait3A_755 = tpu.memref_slice %arg5[%mul3A_751, %dma_wait3A_754] : memref<819200x64xf32, #tpu.memory_space<hbm>> -> memref<128x64xf32, #tpu.memory_space<hbm>>
          tpu.wait_dma2 semaphore(%arg32 : memref<!tpu.dma_semaphore, #tpu.memory_space<semaphore_mem>>) src(%arg12 : memref<128x64xf32, #tpu.memory_space<vmem>>) dst(%dma_wait3A_755 : memref<128x64xf32, #tpu.memory_space<hbm>>)
        } else {
        }
        %dma_start3A_744 = arith.constant 0 : i32
        %dma_start3A_745 = tpu.memref_slice %arg6[%add3A_547, %dma_start3A_744] : memref<200x128xi32, #tpu.memory_space<vmem>> -> memref<1x128xi32, #tpu.memory_space<vmem>>
        %dma_start3A_746 = tpu.memref_squeeze %dma_start3A_745 : memref<1x128xi32, #tpu.memory_space<vmem>> -> memref<128xi32, #tpu.memory_space<vmem>>
        %dma_start3A_747 = arith.constant 0 : i32
        %dma_start3A_748 = arith.constant 0 : i32
        %dma_start3A_749 = tpu.memref_slice %arg3[%dma_start3A_747, %dma_start3A_748] : memref<1000000x64xf32, #tpu.memory_space<hbm>> -> memref<1000000x64xf32, #tpu.memory_space<hbm>>
        tpu.enqueue_indirect_dma source(%dma_start3A_749 : memref<1000000x64xf32, #tpu.memory_space<hbm>>) target(%arg12 : memref<128x64xf32, #tpu.memory_space<vmem>>) offsets(%dma_start3A_746 : memref<128xi32, #tpu.memory_space<vmem>>) semaphore(%arg22 : memref<!tpu.dma_semaphore, #tpu.memory_space<semaphore_mem>>)
      } else {
      }
      %mul3A_553 = arith.constant 10 : i32
      %mul3A_554 = arith.muli %mul3A_553, %scan3A_121 : i32
      %add3A_555 = arith.constant 7 : i32
      %add3A_556 = arith.addi %mul3A_554, %add3A_555 : i32
      %dma_wait3A_557 = arith.constant 0 : i32
      %dma_wait3A_558 = arith.constant 0 : i32
      %dma_wait3A_559 = tpu.memref_slice %arg6[%dma_wait3A_557, %dma_wait3A_558] : memref<200x128xi32, #tpu.memory_space<vmem>> -> memref<1x128xi32, #tpu.memory_space<vmem>>
      %dma_wait3A_560 = tpu.memref_squeeze %dma_wait3A_559 : memref<1x128xi32, #tpu.memory_space<vmem>> -> memref<128xi32, #tpu.memory_space<vmem>>
      %dma_wait3A_561 = arith.constant 0 : i32
      %dma_wait3A_562 = arith.constant 0 : i32
      %dma_wait3A_563 = tpu.memref_slice %arg3[%dma_wait3A_561, %dma_wait3A_562] : memref<1000000x64xf32, #tpu.memory_space<hbm>> -> memref<1000000x64xf32, #tpu.memory_space<hbm>>
      tpu.wait_indirect_dma semaphore(%arg25 : memref<!tpu.dma_semaphore, #tpu.memory_space<semaphore_mem>>) src(%dma_wait3A_563 : memref<1000000x64xf32, #tpu.memory_space<hbm>>) dst(%arg15 : memref<128x64xf32, #tpu.memory_space<vmem>>)
      %mul3A_564 = arith.constant 64 : i32
      %mul3A_565 = arith.muli %add3A_556, %mul3A_564 : i32
      %add3A_566 = arith.constant 0 : i32
      %add3A_567 = arith.addi %mul3A_565, %add3A_566 : i32
      %get3A_568 = arith.index_cast %add3A_567 : i32 to index
      %get3A_569 = tpu.vector_load %arg7[%get3A_568] {strides = array<i32>} : memref<12864xf32, #tpu.memory_space<vmem>>, vector<16xf32>,
      %get3A_570 = vector.shape_cast %get3A_569 : vector<16xf32> to vector<16xf32>
      %mul3A_571 = arith.constant 64 : i32
      %mul3A_572 = arith.muli %add3A_556, %mul3A_571 : i32
      %add3A_573 = arith.constant 16 : i32
      %add3A_574 = arith.addi %mul3A_572, %add3A_573 : i32
      %get3A_575 = arith.index_cast %add3A_574 : i32 to index
      %get3A_576 = tpu.vector_load %arg7[%get3A_575] {strides = array<i32>} : memref<12864xf32, #tpu.memory_space<vmem>>, vector<16xf32>,
      %get3A_577 = vector.shape_cast %get3A_576 : vector<16xf32> to vector<16xf32>
      %mul3A_578 = arith.constant 64 : i32
      %mul3A_579 = arith.muli %add3A_556, %mul3A_578 : i32
      %add3A_580 = arith.constant 32 : i32
      %add3A_581 = arith.addi %mul3A_579, %add3A_580 : i32
      %get3A_582 = arith.index_cast %add3A_581 : i32 to index
      %get3A_583 = tpu.vector_load %arg7[%get3A_582] {strides = array<i32>} : memref<12864xf32, #tpu.memory_space<vmem>>, vector<16xf32>,
      %get3A_584 = vector.shape_cast %get3A_583 : vector<16xf32> to vector<16xf32>
      %mul3A_585 = arith.constant 64 : i32
      %mul3A_586 = arith.muli %add3A_556, %mul3A_585 : i32
      %add3A_587 = arith.constant 48 : i32
      %add3A_588 = arith.addi %mul3A_586, %add3A_587 : i32
      %get3A_589 = arith.index_cast %add3A_588 : i32 to index
      %get3A_590 = tpu.vector_load %arg7[%get3A_589] {strides = array<i32>} : memref<12864xf32, #tpu.memory_space<vmem>>, vector<16xf32>,
      %get3A_591 = vector.shape_cast %get3A_590 : vector<16xf32> to vector<16xf32>
      %scan3A_592 = arith.constant 0 : i32
      %scan3A_593 = arith.constant 0 : i32
      %scan3A_594 = arith.constant 32 : i32
      %scan3A_595 = arith.addi %scan3A_593, %scan3A_594 : i32
      %scan3A_596 = arith.constant 1 : i32
      %scan3A_597 = scf.for %scan3A_740 = %scan3A_593 to %scan3A_595 step %scan3A_596 iter_args(%scan3A_741 = %scan3A_592) -> (i32)  : i32 {
        %mul3A_742 = arith.constant 4 : i32
        %mul3A_743 = arith.muli %mul3A_742, %scan3A_740 : i32
        %add3A_744 = arith.constant 0 : i32
        %add3A_745 = arith.addi %mul3A_743, %add3A_744 : i32
        %swap3A = arith.index_cast %add3A_745 : i32 to index
        %swap3A_746 = arith.constant 0 : index
        %swap3A_747 = tpu.vector_load %arg15[%swap3A, %swap3A_746] {strides = array<i32>} : memref<128x64xf32, #tpu.memory_space<vmem>>, vector<1x16xf32>,
        %swap3A_748 = vector.shape_cast %swap3A_747 : vector<1x16xf32> to vector<16xf32>
        %swap3A_749 = vector.shape_cast %get3A_570 : vector<16xf32> to vector<1x16xf32>
        tpu.vector_store %arg15[%swap3A, %swap3A_746], %swap3A_749 {add = true, strides = array<i32>} : memref<128x64xf32, #tpu.memory_space<vmem>>, vector<1x16xf32>,
        %swap3A_750 = arith.index_cast %add3A_745 : i32 to index
        %swap3A_751 = arith.constant 16 : index
        %swap3A_752 = tpu.vector_load %arg15[%swap3A_750, %swap3A_751] {strides = array<i32>} : memref<128x64xf32, #tpu.memory_space<vmem>>, vector<1x16xf32>,
        %swap3A_753 = vector.shape_cast %swap3A_752 : vector<1x16xf32> to vector<16xf32>
        %swap3A_754 = vector.shape_cast %get3A_577 : vector<16xf32> to vector<1x16xf32>
        tpu.vector_store %arg15[%swap3A_750, %swap3A_751], %swap3A_754 {add = true, strides = array<i32>} : memref<128x64xf32, #tpu.memory_space<vmem>>, vector<1x16xf32>,
        %swap3A_755 = arith.index_cast %add3A_745 : i32 to index
        %swap3A_756 = arith.constant 32 : index
        %swap3A_757 = tpu.vector_load %arg15[%swap3A_755, %swap3A_756] {strides = array<i32>} : memref<128x64xf32, #tpu.memory_space<vmem>>, vector<1x16xf32>,
        %swap3A_758 = vector.shape_cast %swap3A_757 : vector<1x16xf32> to vector<16xf32>
        %swap3A_759 = vector.shape_cast %get3A_584 : vector<16xf32> to vector<1x16xf32>
        tpu.vector_store %arg15[%swap3A_755, %swap3A_756], %swap3A_759 {add = true, strides = array<i32>} : memref<128x64xf32, #tpu.memory_space<vmem>>, vector<1x16xf32>,
        %swap3A_760 = arith.index_cast %add3A_745 : i32 to index
        %swap3A_761 = arith.constant 48 : index
        %swap3A_762 = tpu.vector_load %arg15[%swap3A_760, %swap3A_761] {strides = array<i32>} : memref<128x64xf32, #tpu.memory_space<vmem>>, vector<1x16xf32>,
        %swap3A_763 = vector.shape_cast %swap3A_762 : vector<1x16xf32> to vector<16xf32>
        %swap3A_764 = vector.shape_cast %get3A_591 : vector<16xf32> to vector<1x16xf32>
        tpu.vector_store %arg15[%swap3A_760, %swap3A_761], %swap3A_764 {add = true, strides = array<i32>} : memref<128x64xf32, #tpu.memory_space<vmem>>, vector<1x16xf32>,
        %mul3A_765 = arith.constant 4 : i32
        %mul3A_766 = arith.muli %mul3A_765, %scan3A_740 : i32
        %add3A_767 = arith.constant 1 : i32
        %add3A_768 = arith.addi %mul3A_766, %add3A_767 : i32
        %swap3A_769 = arith.index_cast %add3A_768 : i32 to index
        %swap3A_770 = arith.constant 0 : index
        %swap3A_771 = tpu.vector_load %arg15[%swap3A_769, %swap3A_770] {strides = array<i32>} : memref<128x64xf32, #tpu.memory_space<vmem>>, vector<1x16xf32>,
        %swap3A_772 = vector.shape_cast %swap3A_771 : vector<1x16xf32> to vector<16xf32>
        %swap3A_773 = vector.shape_cast %get3A_570 : vector<16xf32> to vector<1x16xf32>
        tpu.vector_store %arg15[%swap3A_769, %swap3A_770], %swap3A_773 {add = true, strides = array<i32>} : memref<128x64xf32, #tpu.memory_space<vmem>>, vector<1x16xf32>,
        %swap3A_774 = arith.index_cast %add3A_768 : i32 to index
        %swap3A_775 = arith.constant 16 : index
        %swap3A_776 = tpu.vector_load %arg15[%swap3A_774, %swap3A_775] {strides = array<i32>} : memref<128x64xf32, #tpu.memory_space<vmem>>, vector<1x16xf32>,
        %swap3A_777 = vector.shape_cast %swap3A_776 : vector<1x16xf32> to vector<16xf32>
        %swap3A_778 = vector.shape_cast %get3A_577 : vector<16xf32> to vector<1x16xf32>
        tpu.vector_store %arg15[%swap3A_774, %swap3A_775], %swap3A_778 {add = true, strides = array<i32>} : memref<128x64xf32, #tpu.memory_space<vmem>>, vector<1x16xf32>,
        %swap3A_779 = arith.index_cast %add3A_768 : i32 to index
        %swap3A_780 = arith.constant 32 : index
        %swap3A_781 = tpu.vector_load %arg15[%swap3A_779, %swap3A_780] {strides = array<i32>} : memref<128x64xf32, #tpu.memory_space<vmem>>, vector<1x16xf32>,
        %swap3A_782 = vector.shape_cast %swap3A_781 : vector<1x16xf32> to vector<16xf32>
        %swap3A_783 = vector.shape_cast %get3A_584 : vector<16xf32> to vector<1x16xf32>
        tpu.vector_store %arg15[%swap3A_779, %swap3A_780], %swap3A_783 {add = true, strides = array<i32>} : memref<128x64xf32, #tpu.memory_space<vmem>>, vector<1x16xf32>,
        %swap3A_784 = arith.index_cast %add3A_768 : i32 to index
        %swap3A_785 = arith.constant 48 : index
        %swap3A_786 = tpu.vector_load %arg15[%swap3A_784, %swap3A_785] {strides = array<i32>} : memref<128x64xf32, #tpu.memory_space<vmem>>, vector<1x16xf32>,
        %swap3A_787 = vector.shape_cast %swap3A_786 : vector<1x16xf32> to vector<16xf32>
        %swap3A_788 = vector.shape_cast %get3A_591 : vector<16xf32> to vector<1x16xf32>
        tpu.vector_store %arg15[%swap3A_784, %swap3A_785], %swap3A_788 {add = true, strides = array<i32>} : memref<128x64xf32, #tpu.memory_space<vmem>>, vector<1x16xf32>,
        %mul3A_789 = arith.constant 4 : i32
        %mul3A_790 = arith.muli %mul3A_789, %scan3A_740 : i32
        %add3A_791 = arith.constant 2 : i32
        %add3A_792 = arith.addi %mul3A_790, %add3A_791 : i32
        %swap3A_793 = arith.index_cast %add3A_792 : i32 to index
        %swap3A_794 = arith.constant 0 : index
        %swap3A_795 = tpu.vector_load %arg15[%swap3A_793, %swap3A_794] {strides = array<i32>} : memref<128x64xf32, #tpu.memory_space<vmem>>, vector<1x16xf32>,
        %swap3A_796 = vector.shape_cast %swap3A_795 : vector<1x16xf32> to vector<16xf32>
        %swap3A_797 = vector.shape_cast %get3A_570 : vector<16xf32> to vector<1x16xf32>
        tpu.vector_store %arg15[%swap3A_793, %swap3A_794], %swap3A_797 {add = true, strides = array<i32>} : memref<128x64xf32, #tpu.memory_space<vmem>>, vector<1x16xf32>,
        %swap3A_798 = arith.index_cast %add3A_792 : i32 to index
        %swap3A_799 = arith.constant 16 : index
        %swap3A_800 = tpu.vector_load %arg15[%swap3A_798, %swap3A_799] {strides = array<i32>} : memref<128x64xf32, #tpu.memory_space<vmem>>, vector<1x16xf32>,
        %swap3A_801 = vector.shape_cast %swap3A_800 : vector<1x16xf32> to vector<16xf32>
        %swap3A_802 = vector.shape_cast %get3A_577 : vector<16xf32> to vector<1x16xf32>
        tpu.vector_store %arg15[%swap3A_798, %swap3A_799], %swap3A_802 {add = true, strides = array<i32>} : memref<128x64xf32, #tpu.memory_space<vmem>>, vector<1x16xf32>,
        %swap3A_803 = arith.index_cast %add3A_792 : i32 to index
        %swap3A_804 = arith.constant 32 : index
        %swap3A_805 = tpu.vector_load %arg15[%swap3A_803, %swap3A_804] {strides = array<i32>} : memref<128x64xf32, #tpu.memory_space<vmem>>, vector<1x16xf32>,
        %swap3A_806 = vector.shape_cast %swap3A_805 : vector<1x16xf32> to vector<16xf32>
        %swap3A_807 = vector.shape_cast %get3A_584 : vector<16xf32> to vector<1x16xf32>
        tpu.vector_store %arg15[%swap3A_803, %swap3A_804], %swap3A_807 {add = true, strides = array<i32>} : memref<128x64xf32, #tpu.memory_space<vmem>>, vector<1x16xf32>,
        %swap3A_808 = arith.index_cast %add3A_792 : i32 to index
        %swap3A_809 = arith.constant 48 : index
        %swap3A_810 = tpu.vector_load %arg15[%swap3A_808, %swap3A_809] {strides = array<i32>} : memref<128x64xf32, #tpu.memory_space<vmem>>, vector<1x16xf32>,
        %swap3A_811 = vector.shape_cast %swap3A_810 : vector<1x16xf32> to vector<16xf32>
        %swap3A_812 = vector.shape_cast %get3A_591 : vector<16xf32> to vector<1x16xf32>
        tpu.vector_store %arg15[%swap3A_808, %swap3A_809], %swap3A_812 {add = true, strides = array<i32>} : memref<128x64xf32, #tpu.memory_space<vmem>>, vector<1x16xf32>,
        %mul3A_813 = arith.constant 4 : i32
        %mul3A_814 = arith.muli %mul3A_813, %scan3A_740 : i32
        %add3A_815 = arith.constant 3 : i32
        %add3A_816 = arith.addi %mul3A_814, %add3A_815 : i32
        %swap3A_817 = arith.index_cast %add3A_816 : i32 to index
        %swap3A_818 = arith.constant 0 : index
        %swap3A_819 = tpu.vector_load %arg15[%swap3A_817, %swap3A_818] {strides = array<i32>} : memref<128x64xf32, #tpu.memory_space<vmem>>, vector<1x16xf32>,
        %swap3A_820 = vector.shape_cast %swap3A_819 : vector<1x16xf32> to vector<16xf32>
        %swap3A_821 = vector.shape_cast %get3A_570 : vector<16xf32> to vector<1x16xf32>
        tpu.vector_store %arg15[%swap3A_817, %swap3A_818], %swap3A_821 {add = true, strides = array<i32>} : memref<128x64xf32, #tpu.memory_space<vmem>>, vector<1x16xf32>,
        %swap3A_822 = arith.index_cast %add3A_816 : i32 to index
        %swap3A_823 = arith.constant 16 : index
        %swap3A_824 = tpu.vector_load %arg15[%swap3A_822, %swap3A_823] {strides = array<i32>} : memref<128x64xf32, #tpu.memory_space<vmem>>, vector<1x16xf32>,
        %swap3A_825 = vector.shape_cast %swap3A_824 : vector<1x16xf32> to vector<16xf32>
        %swap3A_826 = vector.shape_cast %get3A_577 : vector<16xf32> to vector<1x16xf32>
        tpu.vector_store %arg15[%swap3A_822, %swap3A_823], %swap3A_826 {add = true, strides = array<i32>} : memref<128x64xf32, #tpu.memory_space<vmem>>, vector<1x16xf32>,
        %swap3A_827 = arith.index_cast %add3A_816 : i32 to index
        %swap3A_828 = arith.constant 32 : index
        %swap3A_829 = tpu.vector_load %arg15[%swap3A_827, %swap3A_828] {strides = array<i32>} : memref<128x64xf32, #tpu.memory_space<vmem>>, vector<1x16xf32>,
        %swap3A_830 = vector.shape_cast %swap3A_829 : vector<1x16xf32> to vector<16xf32>
        %swap3A_831 = vector.shape_cast %get3A_584 : vector<16xf32> to vector<1x16xf32>
        tpu.vector_store %arg15[%swap3A_827, %swap3A_828], %swap3A_831 {add = true, strides = array<i32>} : memref<128x64xf32, #tpu.memory_space<vmem>>, vector<1x16xf32>,
        %swap3A_832 = arith.index_cast %add3A_816 : i32 to index
        %swap3A_833 = arith.constant 48 : index
        %swap3A_834 = tpu.vector_load %arg15[%swap3A_832, %swap3A_833] {strides = array<i32>} : memref<128x64xf32, #tpu.memory_space<vmem>>, vector<1x16xf32>,
        %swap3A_835 = vector.shape_cast %swap3A_834 : vector<1x16xf32> to vector<16xf32>
        %swap3A_836 = vector.shape_cast %get3A_591 : vector<16xf32> to vector<1x16xf32>
        tpu.vector_store %arg15[%swap3A_832, %swap3A_833], %swap3A_836 {add = true, strides = array<i32>} : memref<128x64xf32, #tpu.memory_space<vmem>>, vector<1x16xf32>,
        %scan3A_837 = arith.constant 0 : i32
        scf.yield %scan3A_837 : i32
      }
      %scan3A_598 = arith.constant 32 : i32
      %mul3A_599 = arith.constant 4096 : i32
      %mul3A_600 = arith.muli %add3A_556, %mul3A_599 : i32
      %mul3A_601 = arith.constant 128 : i32
      %mul3A_602 = arith.muli %add3A, %mul3A_601 : i32
      %add3A_603 = arith.addi %mul3A_600, %mul3A_602 : i32
      %dma_start3A_604 = arith.constant 0 : i32
      %dma_start3A_605 = tpu.memref_slice %arg5[%add3A_603, %dma_start3A_604] : memref<819200x64xf32, #tpu.memory_space<hbm>> -> memref<128x64xf32, #tpu.memory_space<hbm>>
      %dma_start3A_606 = arith.constant 0 : i32
      %dma_start3A_607 = tpu.memref_slice %arg5[%add3A_603, %dma_start3A_606] : memref<819200x64xf32, #tpu.memory_space<hbm>> -> memref<128x64xf32, #tpu.memory_space<hbm>>
      tpu.enqueue_dma source(%arg15 : memref<128x64xf32, #tpu.memory_space<vmem>>) target(%dma_start3A_607 : memref<128x64xf32, #tpu.memory_space<hbm>>) target_semaphore(%arg35 : memref<!tpu.dma_semaphore, #tpu.memory_space<semaphore_mem>>)
      %add3A_608 = arith.constant 8 : i32
      %add3A_609 = arith.addi %add3A_556, %add3A_608 : i32
      %lt3A_610 = arith.constant 200 : i32
      %lt3A_611 = arith.cmpi slt, %add3A_609, %lt3A_610 : i32
      %convert_element_type3A_612 = arith.extui %lt3A_611 : i1 to i32
      %cond3A_613 = arith.constant 0 : i32
      %cond3A_614 = arith.cmpi ne, %convert_element_type3A_612, %cond3A_613 : i32
      scf.if %cond3A_614 {
        %ge3A = arith.constant 10 : i32
        %ge3A_740 = arith.cmpi sge, %add3A_609, %ge3A : i32
        %convert_element_type3A_741 = arith.extui %ge3A_740 : i1 to i32
        %cond3A_742 = arith.constant 0 : i32
        %cond3A_743 = arith.cmpi ne, %convert_element_type3A_741, %cond3A_742 : i32
        scf.if %cond3A_743 {
          %mul3A_750 = arith.constant 128 : i32
          %mul3A_751 = arith.muli %add3A, %mul3A_750 : i32
          %dma_wait3A_752 = arith.constant 0 : i32
          %dma_wait3A_753 = tpu.memref_slice %arg5[%mul3A_751, %dma_wait3A_752] : memref<819200x64xf32, #tpu.memory_space<hbm>> -> memref<128x64xf32, #tpu.memory_space<hbm>>
          %dma_wait3A_754 = arith.constant 0 : i32
          %dma_wait3A_755 = tpu.memref_slice %arg5[%mul3A_751, %dma_wait3A_754] : memref<819200x64xf32, #tpu.memory_space<hbm>> -> memref<128x64xf32, #tpu.memory_space<hbm>>
          tpu.wait_dma2 semaphore(%arg33 : memref<!tpu.dma_semaphore, #tpu.memory_space<semaphore_mem>>) src(%arg13 : memref<128x64xf32, #tpu.memory_space<vmem>>) dst(%dma_wait3A_755 : memref<128x64xf32, #tpu.memory_space<hbm>>)
        } else {
        }
        %dma_start3A_744 = arith.constant 0 : i32
        %dma_start3A_745 = tpu.memref_slice %arg6[%add3A_609, %dma_start3A_744] : memref<200x128xi32, #tpu.memory_space<vmem>> -> memref<1x128xi32, #tpu.memory_space<vmem>>
        %dma_start3A_746 = tpu.memref_squeeze %dma_start3A_745 : memref<1x128xi32, #tpu.memory_space<vmem>> -> memref<128xi32, #tpu.memory_space<vmem>>
        %dma_start3A_747 = arith.constant 0 : i32
        %dma_start3A_748 = arith.constant 0 : i32
        %dma_start3A_749 = tpu.memref_slice %arg3[%dma_start3A_747, %dma_start3A_748] : memref<1000000x64xf32, #tpu.memory_space<hbm>> -> memref<1000000x64xf32, #tpu.memory_space<hbm>>
        tpu.enqueue_indirect_dma source(%dma_start3A_749 : memref<1000000x64xf32, #tpu.memory_space<hbm>>) target(%arg13 : memref<128x64xf32, #tpu.memory_space<vmem>>) offsets(%dma_start3A_746 : memref<128xi32, #tpu.memory_space<vmem>>) semaphore(%arg23 : memref<!tpu.dma_semaphore, #tpu.memory_space<semaphore_mem>>)
      } else {
      }
      %mul3A_615 = arith.constant 10 : i32
      %mul3A_616 = arith.muli %mul3A_615, %scan3A_121 : i32
      %add3A_617 = arith.constant 8 : i32
      %add3A_618 = arith.addi %mul3A_616, %add3A_617 : i32
      %dma_wait3A_619 = arith.constant 0 : i32
      %dma_wait3A_620 = arith.constant 0 : i32
      %dma_wait3A_621 = tpu.memref_slice %arg6[%dma_wait3A_619, %dma_wait3A_620] : memref<200x128xi32, #tpu.memory_space<vmem>> -> memref<1x128xi32, #tpu.memory_space<vmem>>
      %dma_wait3A_622 = tpu.memref_squeeze %dma_wait3A_621 : memref<1x128xi32, #tpu.memory_space<vmem>> -> memref<128xi32, #tpu.memory_space<vmem>>
      %dma_wait3A_623 = arith.constant 0 : i32
      %dma_wait3A_624 = arith.constant 0 : i32
      %dma_wait3A_625 = tpu.memref_slice %arg3[%dma_wait3A_623, %dma_wait3A_624] : memref<1000000x64xf32, #tpu.memory_space<hbm>> -> memref<1000000x64xf32, #tpu.memory_space<hbm>>
      tpu.wait_indirect_dma semaphore(%arg26 : memref<!tpu.dma_semaphore, #tpu.memory_space<semaphore_mem>>) src(%dma_wait3A_625 : memref<1000000x64xf32, #tpu.memory_space<hbm>>) dst(%arg16 : memref<128x64xf32, #tpu.memory_space<vmem>>)
      %mul3A_626 = arith.constant 64 : i32
      %mul3A_627 = arith.muli %add3A_618, %mul3A_626 : i32
      %add3A_628 = arith.constant 0 : i32
      %add3A_629 = arith.addi %mul3A_627, %add3A_628 : i32
      %get3A_630 = arith.index_cast %add3A_629 : i32 to index
      %get3A_631 = tpu.vector_load %arg7[%get3A_630] {strides = array<i32>} : memref<12864xf32, #tpu.memory_space<vmem>>, vector<16xf32>,
      %get3A_632 = vector.shape_cast %get3A_631 : vector<16xf32> to vector<16xf32>
      %mul3A_633 = arith.constant 64 : i32
      %mul3A_634 = arith.muli %add3A_618, %mul3A_633 : i32
      %add3A_635 = arith.constant 16 : i32
      %add3A_636 = arith.addi %mul3A_634, %add3A_635 : i32
      %get3A_637 = arith.index_cast %add3A_636 : i32 to index
      %get3A_638 = tpu.vector_load %arg7[%get3A_637] {strides = array<i32>} : memref<12864xf32, #tpu.memory_space<vmem>>, vector<16xf32>,
      %get3A_639 = vector.shape_cast %get3A_638 : vector<16xf32> to vector<16xf32>
      %mul3A_640 = arith.constant 64 : i32
      %mul3A_641 = arith.muli %add3A_618, %mul3A_640 : i32
      %add3A_642 = arith.constant 32 : i32
      %add3A_643 = arith.addi %mul3A_641, %add3A_642 : i32
      %get3A_644 = arith.index_cast %add3A_643 : i32 to index
      %get3A_645 = tpu.vector_load %arg7[%get3A_644] {strides = array<i32>} : memref<12864xf32, #tpu.memory_space<vmem>>, vector<16xf32>,
      %get3A_646 = vector.shape_cast %get3A_645 : vector<16xf32> to vector<16xf32>
      %mul3A_647 = arith.constant 64 : i32
      %mul3A_648 = arith.muli %add3A_618, %mul3A_647 : i32
      %add3A_649 = arith.constant 48 : i32
      %add3A_650 = arith.addi %mul3A_648, %add3A_649 : i32
      %get3A_651 = arith.index_cast %add3A_650 : i32 to index
      %get3A_652 = tpu.vector_load %arg7[%get3A_651] {strides = array<i32>} : memref<12864xf32, #tpu.memory_space<vmem>>, vector<16xf32>,
      %get3A_653 = vector.shape_cast %get3A_652 : vector<16xf32> to vector<16xf32>
      %scan3A_654 = arith.constant 0 : i32
      %scan3A_655 = arith.constant 0 : i32
      %scan3A_656 = arith.constant 32 : i32
      %scan3A_657 = arith.addi %scan3A_655, %scan3A_656 : i32
      %scan3A_658 = arith.constant 1 : i32
      %scan3A_659 = scf.for %scan3A_740 = %scan3A_655 to %scan3A_657 step %scan3A_658 iter_args(%scan3A_741 = %scan3A_654) -> (i32)  : i32 {
        %mul3A_742 = arith.constant 4 : i32
        %mul3A_743 = arith.muli %mul3A_742, %scan3A_740 : i32
        %add3A_744 = arith.constant 0 : i32
        %add3A_745 = arith.addi %mul3A_743, %add3A_744 : i32
        %swap3A = arith.index_cast %add3A_745 : i32 to index
        %swap3A_746 = arith.constant 0 : index
        %swap3A_747 = tpu.vector_load %arg16[%swap3A, %swap3A_746] {strides = array<i32>} : memref<128x64xf32, #tpu.memory_space<vmem>>, vector<1x16xf32>,
        %swap3A_748 = vector.shape_cast %swap3A_747 : vector<1x16xf32> to vector<16xf32>
        %swap3A_749 = vector.shape_cast %get3A_632 : vector<16xf32> to vector<1x16xf32>
        tpu.vector_store %arg16[%swap3A, %swap3A_746], %swap3A_749 {add = true, strides = array<i32>} : memref<128x64xf32, #tpu.memory_space<vmem>>, vector<1x16xf32>,
        %swap3A_750 = arith.index_cast %add3A_745 : i32 to index
        %swap3A_751 = arith.constant 16 : index
        %swap3A_752 = tpu.vector_load %arg16[%swap3A_750, %swap3A_751] {strides = array<i32>} : memref<128x64xf32, #tpu.memory_space<vmem>>, vector<1x16xf32>,
        %swap3A_753 = vector.shape_cast %swap3A_752 : vector<1x16xf32> to vector<16xf32>
        %swap3A_754 = vector.shape_cast %get3A_639 : vector<16xf32> to vector<1x16xf32>
        tpu.vector_store %arg16[%swap3A_750, %swap3A_751], %swap3A_754 {add = true, strides = array<i32>} : memref<128x64xf32, #tpu.memory_space<vmem>>, vector<1x16xf32>,
        %swap3A_755 = arith.index_cast %add3A_745 : i32 to index
        %swap3A_756 = arith.constant 32 : index
        %swap3A_757 = tpu.vector_load %arg16[%swap3A_755, %swap3A_756] {strides = array<i32>} : memref<128x64xf32, #tpu.memory_space<vmem>>, vector<1x16xf32>,
        %swap3A_758 = vector.shape_cast %swap3A_757 : vector<1x16xf32> to vector<16xf32>
        %swap3A_759 = vector.shape_cast %get3A_646 : vector<16xf32> to vector<1x16xf32>
        tpu.vector_store %arg16[%swap3A_755, %swap3A_756], %swap3A_759 {add = true, strides = array<i32>} : memref<128x64xf32, #tpu.memory_space<vmem>>, vector<1x16xf32>,
        %swap3A_760 = arith.index_cast %add3A_745 : i32 to index
        %swap3A_761 = arith.constant 48 : index
        %swap3A_762 = tpu.vector_load %arg16[%swap3A_760, %swap3A_761] {strides = array<i32>} : memref<128x64xf32, #tpu.memory_space<vmem>>, vector<1x16xf32>,
        %swap3A_763 = vector.shape_cast %swap3A_762 : vector<1x16xf32> to vector<16xf32>
        %swap3A_764 = vector.shape_cast %get3A_653 : vector<16xf32> to vector<1x16xf32>
        tpu.vector_store %arg16[%swap3A_760, %swap3A_761], %swap3A_764 {add = true, strides = array<i32>} : memref<128x64xf32, #tpu.memory_space<vmem>>, vector<1x16xf32>,
        %mul3A_765 = arith.constant 4 : i32
        %mul3A_766 = arith.muli %mul3A_765, %scan3A_740 : i32
        %add3A_767 = arith.constant 1 : i32
        %add3A_768 = arith.addi %mul3A_766, %add3A_767 : i32
        %swap3A_769 = arith.index_cast %add3A_768 : i32 to index
        %swap3A_770 = arith.constant 0 : index
        %swap3A_771 = tpu.vector_load %arg16[%swap3A_769, %swap3A_770] {strides = array<i32>} : memref<128x64xf32, #tpu.memory_space<vmem>>, vector<1x16xf32>,
        %swap3A_772 = vector.shape_cast %swap3A_771 : vector<1x16xf32> to vector<16xf32>
        %swap3A_773 = vector.shape_cast %get3A_632 : vector<16xf32> to vector<1x16xf32>
        tpu.vector_store %arg16[%swap3A_769, %swap3A_770], %swap3A_773 {add = true, strides = array<i32>} : memref<128x64xf32, #tpu.memory_space<vmem>>, vector<1x16xf32>,
        %swap3A_774 = arith.index_cast %add3A_768 : i32 to index
        %swap3A_775 = arith.constant 16 : index
        %swap3A_776 = tpu.vector_load %arg16[%swap3A_774, %swap3A_775] {strides = array<i32>} : memref<128x64xf32, #tpu.memory_space<vmem>>, vector<1x16xf32>,
        %swap3A_777 = vector.shape_cast %swap3A_776 : vector<1x16xf32> to vector<16xf32>
        %swap3A_778 = vector.shape_cast %get3A_639 : vector<16xf32> to vector<1x16xf32>
        tpu.vector_store %arg16[%swap3A_774, %swap3A_775], %swap3A_778 {add = true, strides = array<i32>} : memref<128x64xf32, #tpu.memory_space<vmem>>, vector<1x16xf32>,
        %swap3A_779 = arith.index_cast %add3A_768 : i32 to index
        %swap3A_780 = arith.constant 32 : index
        %swap3A_781 = tpu.vector_load %arg16[%swap3A_779, %swap3A_780] {strides = array<i32>} : memref<128x64xf32, #tpu.memory_space<vmem>>, vector<1x16xf32>,
        %swap3A_782 = vector.shape_cast %swap3A_781 : vector<1x16xf32> to vector<16xf32>
        %swap3A_783 = vector.shape_cast %get3A_646 : vector<16xf32> to vector<1x16xf32>
        tpu.vector_store %arg16[%swap3A_779, %swap3A_780], %swap3A_783 {add = true, strides = array<i32>} : memref<128x64xf32, #tpu.memory_space<vmem>>, vector<1x16xf32>,
        %swap3A_784 = arith.index_cast %add3A_768 : i32 to index
        %swap3A_785 = arith.constant 48 : index
        %swap3A_786 = tpu.vector_load %arg16[%swap3A_784, %swap3A_785] {strides = array<i32>} : memref<128x64xf32, #tpu.memory_space<vmem>>, vector<1x16xf32>,
        %swap3A_787 = vector.shape_cast %swap3A_786 : vector<1x16xf32> to vector<16xf32>
        %swap3A_788 = vector.shape_cast %get3A_653 : vector<16xf32> to vector<1x16xf32>
        tpu.vector_store %arg16[%swap3A_784, %swap3A_785], %swap3A_788 {add = true, strides = array<i32>} : memref<128x64xf32, #tpu.memory_space<vmem>>, vector<1x16xf32>,
        %mul3A_789 = arith.constant 4 : i32
        %mul3A_790 = arith.muli %mul3A_789, %scan3A_740 : i32
        %add3A_791 = arith.constant 2 : i32
        %add3A_792 = arith.addi %mul3A_790, %add3A_791 : i32
        %swap3A_793 = arith.index_cast %add3A_792 : i32 to index
        %swap3A_794 = arith.constant 0 : index
        %swap3A_795 = tpu.vector_load %arg16[%swap3A_793, %swap3A_794] {strides = array<i32>} : memref<128x64xf32, #tpu.memory_space<vmem>>, vector<1x16xf32>,
        %swap3A_796 = vector.shape_cast %swap3A_795 : vector<1x16xf32> to vector<16xf32>
        %swap3A_797 = vector.shape_cast %get3A_632 : vector<16xf32> to vector<1x16xf32>
        tpu.vector_store %arg16[%swap3A_793, %swap3A_794], %swap3A_797 {add = true, strides = array<i32>} : memref<128x64xf32, #tpu.memory_space<vmem>>, vector<1x16xf32>,
        %swap3A_798 = arith.index_cast %add3A_792 : i32 to index
        %swap3A_799 = arith.constant 16 : index
        %swap3A_800 = tpu.vector_load %arg16[%swap3A_798, %swap3A_799] {strides = array<i32>} : memref<128x64xf32, #tpu.memory_space<vmem>>, vector<1x16xf32>,
        %swap3A_801 = vector.shape_cast %swap3A_800 : vector<1x16xf32> to vector<16xf32>
        %swap3A_802 = vector.shape_cast %get3A_639 : vector<16xf32> to vector<1x16xf32>
        tpu.vector_store %arg16[%swap3A_798, %swap3A_799], %swap3A_802 {add = true, strides = array<i32>} : memref<128x64xf32, #tpu.memory_space<vmem>>, vector<1x16xf32>,
        %swap3A_803 = arith.index_cast %add3A_792 : i32 to index
        %swap3A_804 = arith.constant 32 : index
        %swap3A_805 = tpu.vector_load %arg16[%swap3A_803, %swap3A_804] {strides = array<i32>} : memref<128x64xf32, #tpu.memory_space<vmem>>, vector<1x16xf32>,
        %swap3A_806 = vector.shape_cast %swap3A_805 : vector<1x16xf32> to vector<16xf32>
        %swap3A_807 = vector.shape_cast %get3A_646 : vector<16xf32> to vector<1x16xf32>
        tpu.vector_store %arg16[%swap3A_803, %swap3A_804], %swap3A_807 {add = true, strides = array<i32>} : memref<128x64xf32, #tpu.memory_space<vmem>>, vector<1x16xf32>,
        %swap3A_808 = arith.index_cast %add3A_792 : i32 to index
        %swap3A_809 = arith.constant 48 : index
        %swap3A_810 = tpu.vector_load %arg16[%swap3A_808, %swap3A_809] {strides = array<i32>} : memref<128x64xf32, #tpu.memory_space<vmem>>, vector<1x16xf32>,
        %swap3A_811 = vector.shape_cast %swap3A_810 : vector<1x16xf32> to vector<16xf32>
        %swap3A_812 = vector.shape_cast %get3A_653 : vector<16xf32> to vector<1x16xf32>
        tpu.vector_store %arg16[%swap3A_808, %swap3A_809], %swap3A_812 {add = true, strides = array<i32>} : memref<128x64xf32, #tpu.memory_space<vmem>>, vector<1x16xf32>,
        %mul3A_813 = arith.constant 4 : i32
        %mul3A_814 = arith.muli %mul3A_813, %scan3A_740 : i32
        %add3A_815 = arith.constant 3 : i32
        %add3A_816 = arith.addi %mul3A_814, %add3A_815 : i32
        %swap3A_817 = arith.index_cast %add3A_816 : i32 to index
        %swap3A_818 = arith.constant 0 : index
        %swap3A_819 = tpu.vector_load %arg16[%swap3A_817, %swap3A_818] {strides = array<i32>} : memref<128x64xf32, #tpu.memory_space<vmem>>, vector<1x16xf32>,
        %swap3A_820 = vector.shape_cast %swap3A_819 : vector<1x16xf32> to vector<16xf32>
        %swap3A_821 = vector.shape_cast %get3A_632 : vector<16xf32> to vector<1x16xf32>
        tpu.vector_store %arg16[%swap3A_817, %swap3A_818], %swap3A_821 {add = true, strides = array<i32>} : memref<128x64xf32, #tpu.memory_space<vmem>>, vector<1x16xf32>,
        %swap3A_822 = arith.index_cast %add3A_816 : i32 to index
        %swap3A_823 = arith.constant 16 : index
        %swap3A_824 = tpu.vector_load %arg16[%swap3A_822, %swap3A_823] {strides = array<i32>} : memref<128x64xf32, #tpu.memory_space<vmem>>, vector<1x16xf32>,
        %swap3A_825 = vector.shape_cast %swap3A_824 : vector<1x16xf32> to vector<16xf32>
        %swap3A_826 = vector.shape_cast %get3A_639 : vector<16xf32> to vector<1x16xf32>
        tpu.vector_store %arg16[%swap3A_822, %swap3A_823], %swap3A_826 {add = true, strides = array<i32>} : memref<128x64xf32, #tpu.memory_space<vmem>>, vector<1x16xf32>,
        %swap3A_827 = arith.index_cast %add3A_816 : i32 to index
        %swap3A_828 = arith.constant 32 : index
        %swap3A_829 = tpu.vector_load %arg16[%swap3A_827, %swap3A_828] {strides = array<i32>} : memref<128x64xf32, #tpu.memory_space<vmem>>, vector<1x16xf32>,
        %swap3A_830 = vector.shape_cast %swap3A_829 : vector<1x16xf32> to vector<16xf32>
        %swap3A_831 = vector.shape_cast %get3A_646 : vector<16xf32> to vector<1x16xf32>
        tpu.vector_store %arg16[%swap3A_827, %swap3A_828], %swap3A_831 {add = true, strides = array<i32>} : memref<128x64xf32, #tpu.memory_space<vmem>>, vector<1x16xf32>,
        %swap3A_832 = arith.index_cast %add3A_816 : i32 to index
        %swap3A_833 = arith.constant 48 : index
        %swap3A_834 = tpu.vector_load %arg16[%swap3A_832, %swap3A_833] {strides = array<i32>} : memref<128x64xf32, #tpu.memory_space<vmem>>, vector<1x16xf32>,
        %swap3A_835 = vector.shape_cast %swap3A_834 : vector<1x16xf32> to vector<16xf32>
        %swap3A_836 = vector.shape_cast %get3A_653 : vector<16xf32> to vector<1x16xf32>
        tpu.vector_store %arg16[%swap3A_832, %swap3A_833], %swap3A_836 {add = true, strides = array<i32>} : memref<128x64xf32, #tpu.memory_space<vmem>>, vector<1x16xf32>,
        %scan3A_837 = arith.constant 0 : i32
        scf.yield %scan3A_837 : i32
      }
      %scan3A_660 = arith.constant 32 : i32
      %mul3A_661 = arith.constant 4096 : i32
      %mul3A_662 = arith.muli %add3A_618, %mul3A_661 : i32
      %mul3A_663 = arith.constant 128 : i32
      %mul3A_664 = arith.muli %add3A, %mul3A_663 : i32
      %add3A_665 = arith.addi %mul3A_662, %mul3A_664 : i32
      %dma_start3A_666 = arith.constant 0 : i32
      %dma_start3A_667 = tpu.memref_slice %arg5[%add3A_665, %dma_start3A_666] : memref<819200x64xf32, #tpu.memory_space<hbm>> -> memref<128x64xf32, #tpu.memory_space<hbm>>
      %dma_start3A_668 = arith.constant 0 : i32
      %dma_start3A_669 = tpu.memref_slice %arg5[%add3A_665, %dma_start3A_668] : memref<819200x64xf32, #tpu.memory_space<hbm>> -> memref<128x64xf32, #tpu.memory_space<hbm>>
      tpu.enqueue_dma source(%arg16 : memref<128x64xf32, #tpu.memory_space<vmem>>) target(%dma_start3A_669 : memref<128x64xf32, #tpu.memory_space<hbm>>) target_semaphore(%arg36 : memref<!tpu.dma_semaphore, #tpu.memory_space<semaphore_mem>>)
      %add3A_670 = arith.constant 8 : i32
      %add3A_671 = arith.addi %add3A_618, %add3A_670 : i32
      %lt3A_672 = arith.constant 200 : i32
      %lt3A_673 = arith.cmpi slt, %add3A_671, %lt3A_672 : i32
      %convert_element_type3A_674 = arith.extui %lt3A_673 : i1 to i32
      %cond3A_675 = arith.constant 0 : i32
      %cond3A_676 = arith.cmpi ne, %convert_element_type3A_674, %cond3A_675 : i32
      scf.if %cond3A_676 {
        %ge3A = arith.constant 10 : i32
        %ge3A_740 = arith.cmpi sge, %add3A_671, %ge3A : i32
        %convert_element_type3A_741 = arith.extui %ge3A_740 : i1 to i32
        %cond3A_742 = arith.constant 0 : i32
        %cond3A_743 = arith.cmpi ne, %convert_element_type3A_741, %cond3A_742 : i32
        scf.if %cond3A_743 {
          %mul3A_750 = arith.constant 128 : i32
          %mul3A_751 = arith.muli %add3A, %mul3A_750 : i32
          %dma_wait3A_752 = arith.constant 0 : i32
          %dma_wait3A_753 = tpu.memref_slice %arg5[%mul3A_751, %dma_wait3A_752] : memref<819200x64xf32, #tpu.memory_space<hbm>> -> memref<128x64xf32, #tpu.memory_space<hbm>>
          %dma_wait3A_754 = arith.constant 0 : i32
          %dma_wait3A_755 = tpu.memref_slice %arg5[%mul3A_751, %dma_wait3A_754] : memref<819200x64xf32, #tpu.memory_space<hbm>> -> memref<128x64xf32, #tpu.memory_space<hbm>>
          tpu.wait_dma2 semaphore(%arg34 : memref<!tpu.dma_semaphore, #tpu.memory_space<semaphore_mem>>) src(%arg14 : memref<128x64xf32, #tpu.memory_space<vmem>>) dst(%dma_wait3A_755 : memref<128x64xf32, #tpu.memory_space<hbm>>)
        } else {
        }
        %dma_start3A_744 = arith.constant 0 : i32
        %dma_start3A_745 = tpu.memref_slice %arg6[%add3A_671, %dma_start3A_744] : memref<200x128xi32, #tpu.memory_space<vmem>> -> memref<1x128xi32, #tpu.memory_space<vmem>>
        %dma_start3A_746 = tpu.memref_squeeze %dma_start3A_745 : memref<1x128xi32, #tpu.memory_space<vmem>> -> memref<128xi32, #tpu.memory_space<vmem>>
        %dma_start3A_747 = arith.constant 0 : i32
        %dma_start3A_748 = arith.constant 0 : i32
        %dma_start3A_749 = tpu.memref_slice %arg3[%dma_start3A_747, %dma_start3A_748] : memref<1000000x64xf32, #tpu.memory_space<hbm>> -> memref<1000000x64xf32, #tpu.memory_space<hbm>>
        tpu.enqueue_indirect_dma source(%dma_start3A_749 : memref<1000000x64xf32, #tpu.memory_space<hbm>>) target(%arg14 : memref<128x64xf32, #tpu.memory_space<vmem>>) offsets(%dma_start3A_746 : memref<128xi32, #tpu.memory_space<vmem>>) semaphore(%arg24 : memref<!tpu.dma_semaphore, #tpu.memory_space<semaphore_mem>>)
      } else {
      }
      %mul3A_677 = arith.constant 10 : i32
      %mul3A_678 = arith.muli %mul3A_677, %scan3A_121 : i32
      %add3A_679 = arith.constant 9 : i32
      %add3A_680 = arith.addi %mul3A_678, %add3A_679 : i32
      %dma_wait3A_681 = arith.constant 0 : i32
      %dma_wait3A_682 = arith.constant 0 : i32
      %dma_wait3A_683 = tpu.memref_slice %arg6[%dma_wait3A_681, %dma_wait3A_682] : memref<200x128xi32, #tpu.memory_space<vmem>> -> memref<1x128xi32, #tpu.memory_space<vmem>>
      %dma_wait3A_684 = tpu.memref_squeeze %dma_wait3A_683 : memref<1x128xi32, #tpu.memory_space<vmem>> -> memref<128xi32, #tpu.memory_space<vmem>>
      %dma_wait3A_685 = arith.constant 0 : i32
      %dma_wait3A_686 = arith.constant 0 : i32
      %dma_wait3A_687 = tpu.memref_slice %arg3[%dma_wait3A_685, %dma_wait3A_686] : memref<1000000x64xf32, #tpu.memory_space<hbm>> -> memref<1000000x64xf32, #tpu.memory_space<hbm>>
      tpu.wait_indirect_dma semaphore(%arg27 : memref<!tpu.dma_semaphore, #tpu.memory_space<semaphore_mem>>) src(%dma_wait3A_687 : memref<1000000x64xf32, #tpu.memory_space<hbm>>) dst(%arg17 : memref<128x64xf32, #tpu.memory_space<vmem>>)
      %mul3A_688 = arith.constant 64 : i32
      %mul3A_689 = arith.muli %add3A_680, %mul3A_688 : i32
      %add3A_690 = arith.constant 0 : i32
      %add3A_691 = arith.addi %mul3A_689, %add3A_690 : i32
      %get3A_692 = arith.index_cast %add3A_691 : i32 to index
      %get3A_693 = tpu.vector_load %arg7[%get3A_692] {strides = array<i32>} : memref<12864xf32, #tpu.memory_space<vmem>>, vector<16xf32>,
      %get3A_694 = vector.shape_cast %get3A_693 : vector<16xf32> to vector<16xf32>
      %mul3A_695 = arith.constant 64 : i32
      %mul3A_696 = arith.muli %add3A_680, %mul3A_695 : i32
      %add3A_697 = arith.constant 16 : i32
      %add3A_698 = arith.addi %mul3A_696, %add3A_697 : i32
      %get3A_699 = arith.index_cast %add3A_698 : i32 to index
      %get3A_700 = tpu.vector_load %arg7[%get3A_699] {strides = array<i32>} : memref<12864xf32, #tpu.memory_space<vmem>>, vector<16xf32>,
      %get3A_701 = vector.shape_cast %get3A_700 : vector<16xf32> to vector<16xf32>
      %mul3A_702 = arith.constant 64 : i32
      %mul3A_703 = arith.muli %add3A_680, %mul3A_702 : i32
      %add3A_704 = arith.constant 32 : i32
      %add3A_705 = arith.addi %mul3A_703, %add3A_704 : i32
      %get3A_706 = arith.index_cast %add3A_705 : i32 to index
      %get3A_707 = tpu.vector_load %arg7[%get3A_706] {strides = array<i32>} : memref<12864xf32, #tpu.memory_space<vmem>>, vector<16xf32>,
      %get3A_708 = vector.shape_cast %get3A_707 : vector<16xf32> to vector<16xf32>
      %mul3A_709 = arith.constant 64 : i32
      %mul3A_710 = arith.muli %add3A_680, %mul3A_709 : i32
      %add3A_711 = arith.constant 48 : i32
      %add3A_712 = arith.addi %mul3A_710, %add3A_711 : i32
      %get3A_713 = arith.index_cast %add3A_712 : i32 to index
      %get3A_714 = tpu.vector_load %arg7[%get3A_713] {strides = array<i32>} : memref<12864xf32, #tpu.memory_space<vmem>>, vector<16xf32>,
      %get3A_715 = vector.shape_cast %get3A_714 : vector<16xf32> to vector<16xf32>
      %scan3A_716 = arith.constant 0 : i32
      %scan3A_717 = arith.constant 0 : i32
      %scan3A_718 = arith.constant 32 : i32
      %scan3A_719 = arith.addi %scan3A_717, %scan3A_718 : i32
      %scan3A_720 = arith.constant 1 : i32
      %scan3A_721 = scf.for %scan3A_740 = %scan3A_717 to %scan3A_719 step %scan3A_720 iter_args(%scan3A_741 = %scan3A_716) -> (i32)  : i32 {
        %mul3A_742 = arith.constant 4 : i32
        %mul3A_743 = arith.muli %mul3A_742, %scan3A_740 : i32
        %add3A_744 = arith.constant 0 : i32
        %add3A_745 = arith.addi %mul3A_743, %add3A_744 : i32
        %swap3A = arith.index_cast %add3A_745 : i32 to index
        %swap3A_746 = arith.constant 0 : index
        %swap3A_747 = tpu.vector_load %arg17[%swap3A, %swap3A_746] {strides = array<i32>} : memref<128x64xf32, #tpu.memory_space<vmem>>, vector<1x16xf32>,
        %swap3A_748 = vector.shape_cast %swap3A_747 : vector<1x16xf32> to vector<16xf32>
        %swap3A_749 = vector.shape_cast %get3A_694 : vector<16xf32> to vector<1x16xf32>
        tpu.vector_store %arg17[%swap3A, %swap3A_746], %swap3A_749 {add = true, strides = array<i32>} : memref<128x64xf32, #tpu.memory_space<vmem>>, vector<1x16xf32>,
        %swap3A_750 = arith.index_cast %add3A_745 : i32 to index
        %swap3A_751 = arith.constant 16 : index
        %swap3A_752 = tpu.vector_load %arg17[%swap3A_750, %swap3A_751] {strides = array<i32>} : memref<128x64xf32, #tpu.memory_space<vmem>>, vector<1x16xf32>,
        %swap3A_753 = vector.shape_cast %swap3A_752 : vector<1x16xf32> to vector<16xf32>
        %swap3A_754 = vector.shape_cast %get3A_701 : vector<16xf32> to vector<1x16xf32>
        tpu.vector_store %arg17[%swap3A_750, %swap3A_751], %swap3A_754 {add = true, strides = array<i32>} : memref<128x64xf32, #tpu.memory_space<vmem>>, vector<1x16xf32>,
        %swap3A_755 = arith.index_cast %add3A_745 : i32 to index
        %swap3A_756 = arith.constant 32 : index
        %swap3A_757 = tpu.vector_load %arg17[%swap3A_755, %swap3A_756] {strides = array<i32>} : memref<128x64xf32, #tpu.memory_space<vmem>>, vector<1x16xf32>,
        %swap3A_758 = vector.shape_cast %swap3A_757 : vector<1x16xf32> to vector<16xf32>
        %swap3A_759 = vector.shape_cast %get3A_708 : vector<16xf32> to vector<1x16xf32>
        tpu.vector_store %arg17[%swap3A_755, %swap3A_756], %swap3A_759 {add = true, strides = array<i32>} : memref<128x64xf32, #tpu.memory_space<vmem>>, vector<1x16xf32>,
        %swap3A_760 = arith.index_cast %add3A_745 : i32 to index
        %swap3A_761 = arith.constant 48 : index
        %swap3A_762 = tpu.vector_load %arg17[%swap3A_760, %swap3A_761] {strides = array<i32>} : memref<128x64xf32, #tpu.memory_space<vmem>>, vector<1x16xf32>,
        %swap3A_763 = vector.shape_cast %swap3A_762 : vector<1x16xf32> to vector<16xf32>
        %swap3A_764 = vector.shape_cast %get3A_715 : vector<16xf32> to vector<1x16xf32>
        tpu.vector_store %arg17[%swap3A_760, %swap3A_761], %swap3A_764 {add = true, strides = array<i32>} : memref<128x64xf32, #tpu.memory_space<vmem>>, vector<1x16xf32>,
        %mul3A_765 = arith.constant 4 : i32
        %mul3A_766 = arith.muli %mul3A_765, %scan3A_740 : i32
        %add3A_767 = arith.constant 1 : i32
        %add3A_768 = arith.addi %mul3A_766, %add3A_767 : i32
        %swap3A_769 = arith.index_cast %add3A_768 : i32 to index
        %swap3A_770 = arith.constant 0 : index
        %swap3A_771 = tpu.vector_load %arg17[%swap3A_769, %swap3A_770] {strides = array<i32>} : memref<128x64xf32, #tpu.memory_space<vmem>>, vector<1x16xf32>,
        %swap3A_772 = vector.shape_cast %swap3A_771 : vector<1x16xf32> to vector<16xf32>
        %swap3A_773 = vector.shape_cast %get3A_694 : vector<16xf32> to vector<1x16xf32>
        tpu.vector_store %arg17[%swap3A_769, %swap3A_770], %swap3A_773 {add = true, strides = array<i32>} : memref<128x64xf32, #tpu.memory_space<vmem>>, vector<1x16xf32>,
        %swap3A_774 = arith.index_cast %add3A_768 : i32 to index
        %swap3A_775 = arith.constant 16 : index
        %swap3A_776 = tpu.vector_load %arg17[%swap3A_774, %swap3A_775] {strides = array<i32>} : memref<128x64xf32, #tpu.memory_space<vmem>>, vector<1x16xf32>,
        %swap3A_777 = vector.shape_cast %swap3A_776 : vector<1x16xf32> to vector<16xf32>
        %swap3A_778 = vector.shape_cast %get3A_701 : vector<16xf32> to vector<1x16xf32>
        tpu.vector_store %arg17[%swap3A_774, %swap3A_775], %swap3A_778 {add = true, strides = array<i32>} : memref<128x64xf32, #tpu.memory_space<vmem>>, vector<1x16xf32>,
        %swap3A_779 = arith.index_cast %add3A_768 : i32 to index
        %swap3A_780 = arith.constant 32 : index
        %swap3A_781 = tpu.vector_load %arg17[%swap3A_779, %swap3A_780] {strides = array<i32>} : memref<128x64xf32, #tpu.memory_space<vmem>>, vector<1x16xf32>,
        %swap3A_782 = vector.shape_cast %swap3A_781 : vector<1x16xf32> to vector<16xf32>
        %swap3A_783 = vector.shape_cast %get3A_708 : vector<16xf32> to vector<1x16xf32>
        tpu.vector_store %arg17[%swap3A_779, %swap3A_780], %swap3A_783 {add = true, strides = array<i32>} : memref<128x64xf32, #tpu.memory_space<vmem>>, vector<1x16xf32>,
        %swap3A_784 = arith.index_cast %add3A_768 : i32 to index
        %swap3A_785 = arith.constant 48 : index
        %swap3A_786 = tpu.vector_load %arg17[%swap3A_784, %swap3A_785] {strides = array<i32>} : memref<128x64xf32, #tpu.memory_space<vmem>>, vector<1x16xf32>,
        %swap3A_787 = vector.shape_cast %swap3A_786 : vector<1x16xf32> to vector<16xf32>
        %swap3A_788 = vector.shape_cast %get3A_715 : vector<16xf32> to vector<1x16xf32>
        tpu.vector_store %arg17[%swap3A_784, %swap3A_785], %swap3A_788 {add = true, strides = array<i32>} : memref<128x64xf32, #tpu.memory_space<vmem>>, vector<1x16xf32>,
        %mul3A_789 = arith.constant 4 : i32
        %mul3A_790 = arith.muli %mul3A_789, %scan3A_740 : i32
        %add3A_791 = arith.constant 2 : i32
        %add3A_792 = arith.addi %mul3A_790, %add3A_791 : i32
        %swap3A_793 = arith.index_cast %add3A_792 : i32 to index
        %swap3A_794 = arith.constant 0 : index
        %swap3A_795 = tpu.vector_load %arg17[%swap3A_793, %swap3A_794] {strides = array<i32>} : memref<128x64xf32, #tpu.memory_space<vmem>>, vector<1x16xf32>,
        %swap3A_796 = vector.shape_cast %swap3A_795 : vector<1x16xf32> to vector<16xf32>
        %swap3A_797 = vector.shape_cast %get3A_694 : vector<16xf32> to vector<1x16xf32>
        tpu.vector_store %arg17[%swap3A_793, %swap3A_794], %swap3A_797 {add = true, strides = array<i32>} : memref<128x64xf32, #tpu.memory_space<vmem>>, vector<1x16xf32>,
        %swap3A_798 = arith.index_cast %add3A_792 : i32 to index
        %swap3A_799 = arith.constant 16 : index
        %swap3A_800 = tpu.vector_load %arg17[%swap3A_798, %swap3A_799] {strides = array<i32>} : memref<128x64xf32, #tpu.memory_space<vmem>>, vector<1x16xf32>,
        %swap3A_801 = vector.shape_cast %swap3A_800 : vector<1x16xf32> to vector<16xf32>
        %swap3A_802 = vector.shape_cast %get3A_701 : vector<16xf32> to vector<1x16xf32>
        tpu.vector_store %arg17[%swap3A_798, %swap3A_799], %swap3A_802 {add = true, strides = array<i32>} : memref<128x64xf32, #tpu.memory_space<vmem>>, vector<1x16xf32>,
        %swap3A_803 = arith.index_cast %add3A_792 : i32 to index
        %swap3A_804 = arith.constant 32 : index
        %swap3A_805 = tpu.vector_load %arg17[%swap3A_803, %swap3A_804] {strides = array<i32>} : memref<128x64xf32, #tpu.memory_space<vmem>>, vector<1x16xf32>,
        %swap3A_806 = vector.shape_cast %swap3A_805 : vector<1x16xf32> to vector<16xf32>
        %swap3A_807 = vector.shape_cast %get3A_708 : vector<16xf32> to vector<1x16xf32>
        tpu.vector_store %arg17[%swap3A_803, %swap3A_804], %swap3A_807 {add = true, strides = array<i32>} : memref<128x64xf32, #tpu.memory_space<vmem>>, vector<1x16xf32>,
        %swap3A_808 = arith.index_cast %add3A_792 : i32 to index
        %swap3A_809 = arith.constant 48 : index
        %swap3A_810 = tpu.vector_load %arg17[%swap3A_808, %swap3A_809] {strides = array<i32>} : memref<128x64xf32, #tpu.memory_space<vmem>>, vector<1x16xf32>,
        %swap3A_811 = vector.shape_cast %swap3A_810 : vector<1x16xf32> to vector<16xf32>
        %swap3A_812 = vector.shape_cast %get3A_715 : vector<16xf32> to vector<1x16xf32>
        tpu.vector_store %arg17[%swap3A_808, %swap3A_809], %swap3A_812 {add = true, strides = array<i32>} : memref<128x64xf32, #tpu.memory_space<vmem>>, vector<1x16xf32>,
        %mul3A_813 = arith.constant 4 : i32
        %mul3A_814 = arith.muli %mul3A_813, %scan3A_740 : i32
        %add3A_815 = arith.constant 3 : i32
        %add3A_816 = arith.addi %mul3A_814, %add3A_815 : i32
        %swap3A_817 = arith.index_cast %add3A_816 : i32 to index
        %swap3A_818 = arith.constant 0 : index
        %swap3A_819 = tpu.vector_load %arg17[%swap3A_817, %swap3A_818] {strides = array<i32>} : memref<128x64xf32, #tpu.memory_space<vmem>>, vector<1x16xf32>,
        %swap3A_820 = vector.shape_cast %swap3A_819 : vector<1x16xf32> to vector<16xf32>
        %swap3A_821 = vector.shape_cast %get3A_694 : vector<16xf32> to vector<1x16xf32>
        tpu.vector_store %arg17[%swap3A_817, %swap3A_818], %swap3A_821 {add = true, strides = array<i32>} : memref<128x64xf32, #tpu.memory_space<vmem>>, vector<1x16xf32>,
        %swap3A_822 = arith.index_cast %add3A_816 : i32 to index
        %swap3A_823 = arith.constant 16 : index
        %swap3A_824 = tpu.vector_load %arg17[%swap3A_822, %swap3A_823] {strides = array<i32>} : memref<128x64xf32, #tpu.memory_space<vmem>>, vector<1x16xf32>,
        %swap3A_825 = vector.shape_cast %swap3A_824 : vector<1x16xf32> to vector<16xf32>
        %swap3A_826 = vector.shape_cast %get3A_701 : vector<16xf32> to vector<1x16xf32>
        tpu.vector_store %arg17[%swap3A_822, %swap3A_823], %swap3A_826 {add = true, strides = array<i32>} : memref<128x64xf32, #tpu.memory_space<vmem>>, vector<1x16xf32>,
        %swap3A_827 = arith.index_cast %add3A_816 : i32 to index
        %swap3A_828 = arith.constant 32 : index
        %swap3A_829 = tpu.vector_load %arg17[%swap3A_827, %swap3A_828] {strides = array<i32>} : memref<128x64xf32, #tpu.memory_space<vmem>>, vector<1x16xf32>,
        %swap3A_830 = vector.shape_cast %swap3A_829 : vector<1x16xf32> to vector<16xf32>
        %swap3A_831 = vector.shape_cast %get3A_708 : vector<16xf32> to vector<1x16xf32>
        tpu.vector_store %arg17[%swap3A_827, %swap3A_828], %swap3A_831 {add = true, strides = array<i32>} : memref<128x64xf32, #tpu.memory_space<vmem>>, vector<1x16xf32>,
        %swap3A_832 = arith.index_cast %add3A_816 : i32 to index
        %swap3A_833 = arith.constant 48 : index
        %swap3A_834 = tpu.vector_load %arg17[%swap3A_832, %swap3A_833] {strides = array<i32>} : memref<128x64xf32, #tpu.memory_space<vmem>>, vector<1x16xf32>,
        %swap3A_835 = vector.shape_cast %swap3A_834 : vector<1x16xf32> to vector<16xf32>
        %swap3A_836 = vector.shape_cast %get3A_715 : vector<16xf32> to vector<1x16xf32>
        tpu.vector_store %arg17[%swap3A_832, %swap3A_833], %swap3A_836 {add = true, strides = array<i32>} : memref<128x64xf32, #tpu.memory_space<vmem>>, vector<1x16xf32>,
        %scan3A_837 = arith.constant 0 : i32
        scf.yield %scan3A_837 : i32
      }
      %scan3A_722 = arith.constant 32 : i32
      %mul3A_723 = arith.constant 4096 : i32
      %mul3A_724 = arith.muli %add3A_680, %mul3A_723 : i32
      %mul3A_725 = arith.constant 128 : i32
      %mul3A_726 = arith.muli %add3A, %mul3A_725 : i32
      %add3A_727 = arith.addi %mul3A_724, %mul3A_726 : i32
      %dma_start3A_728 = arith.constant 0 : i32
      %dma_start3A_729 = tpu.memref_slice %arg5[%add3A_727, %dma_start3A_728] : memref<819200x64xf32, #tpu.memory_space<hbm>> -> memref<128x64xf32, #tpu.memory_space<hbm>>
      %dma_start3A_730 = arith.constant 0 : i32
      %dma_start3A_731 = tpu.memref_slice %arg5[%add3A_727, %dma_start3A_730] : memref<819200x64xf32, #tpu.memory_space<hbm>> -> memref<128x64xf32, #tpu.memory_space<hbm>>
      tpu.enqueue_dma source(%arg17 : memref<128x64xf32, #tpu.memory_space<vmem>>) target(%dma_start3A_731 : memref<128x64xf32, #tpu.memory_space<hbm>>) target_semaphore(%arg37 : memref<!tpu.dma_semaphore, #tpu.memory_space<semaphore_mem>>)
      %add3A_732 = arith.constant 8 : i32
      %add3A_733 = arith.addi %add3A_680, %add3A_732 : i32
      %lt3A_734 = arith.constant 200 : i32
      %lt3A_735 = arith.cmpi slt, %add3A_733, %lt3A_734 : i32
      %convert_element_type3A_736 = arith.extui %lt3A_735 : i1 to i32
      %cond3A_737 = arith.constant 0 : i32
      %cond3A_738 = arith.cmpi ne, %convert_element_type3A_736, %cond3A_737 : i32
      scf.if %cond3A_738 {
        %ge3A = arith.constant 10 : i32
        %ge3A_740 = arith.cmpi sge, %add3A_733, %ge3A : i32
        %convert_element_type3A_741 = arith.extui %ge3A_740 : i1 to i32
        %cond3A_742 = arith.constant 0 : i32
        %cond3A_743 = arith.cmpi ne, %convert_element_type3A_741, %cond3A_742 : i32
        scf.if %cond3A_743 {
          %mul3A_750 = arith.constant 128 : i32
          %mul3A_751 = arith.muli %add3A, %mul3A_750 : i32
          %dma_wait3A_752 = arith.constant 0 : i32
          %dma_wait3A_753 = tpu.memref_slice %arg5[%mul3A_751, %dma_wait3A_752] : memref<819200x64xf32, #tpu.memory_space<hbm>> -> memref<128x64xf32, #tpu.memory_space<hbm>>
          %dma_wait3A_754 = arith.constant 0 : i32
          %dma_wait3A_755 = tpu.memref_slice %arg5[%mul3A_751, %dma_wait3A_754] : memref<819200x64xf32, #tpu.memory_space<hbm>> -> memref<128x64xf32, #tpu.memory_space<hbm>>
          tpu.wait_dma2 semaphore(%arg35 : memref<!tpu.dma_semaphore, #tpu.memory_space<semaphore_mem>>) src(%arg15 : memref<128x64xf32, #tpu.memory_space<vmem>>) dst(%dma_wait3A_755 : memref<128x64xf32, #tpu.memory_space<hbm>>)
        } else {
        }
        %dma_start3A_744 = arith.constant 0 : i32
        %dma_start3A_745 = tpu.memref_slice %arg6[%add3A_733, %dma_start3A_744] : memref<200x128xi32, #tpu.memory_space<vmem>> -> memref<1x128xi32, #tpu.memory_space<vmem>>
        %dma_start3A_746 = tpu.memref_squeeze %dma_start3A_745 : memref<1x128xi32, #tpu.memory_space<vmem>> -> memref<128xi32, #tpu.memory_space<vmem>>
        %dma_start3A_747 = arith.constant 0 : i32
        %dma_start3A_748 = arith.constant 0 : i32
        %dma_start3A_749 = tpu.memref_slice %arg3[%dma_start3A_747, %dma_start3A_748] : memref<1000000x64xf32, #tpu.memory_space<hbm>> -> memref<1000000x64xf32, #tpu.memory_space<hbm>>
        tpu.enqueue_indirect_dma source(%dma_start3A_749 : memref<1000000x64xf32, #tpu.memory_space<hbm>>) target(%arg15 : memref<128x64xf32, #tpu.memory_space<vmem>>) offsets(%dma_start3A_746 : memref<128xi32, #tpu.memory_space<vmem>>) semaphore(%arg25 : memref<!tpu.dma_semaphore, #tpu.memory_space<semaphore_mem>>)
      } else {
      }
      %scan3A_739 = arith.constant 0 : i32
      scf.yield %scan3A_739 : i32
    }
    %scan3A_61 = arith.constant 20 : i32
    %mul3A_62 = arith.constant 128 : i32
    %mul3A_63 = arith.muli %add3A, %mul3A_62 : i32
    %dma_wait3A = arith.constant 0 : i32
    %dma_wait3A_64 = tpu.memref_slice %arg5[%mul3A_63, %dma_wait3A] : memref<819200x64xf32, #tpu.memory_space<hbm>> -> memref<128x64xf32, #tpu.memory_space<hbm>>
    %dma_wait3A_65 = arith.constant 0 : i32
    %dma_wait3A_66 = tpu.memref_slice %arg5[%mul3A_63, %dma_wait3A_65] : memref<819200x64xf32, #tpu.memory_space<hbm>> -> memref<128x64xf32, #tpu.memory_space<hbm>>
    tpu.wait_dma2 semaphore(%arg28 : memref<!tpu.dma_semaphore, #tpu.memory_space<semaphore_mem>>) src(%arg8 : memref<128x64xf32, #tpu.memory_space<vmem>>) dst(%dma_wait3A_66 : memref<128x64xf32, #tpu.memory_space<hbm>>)
    %mul3A_67 = arith.constant 128 : i32
    %mul3A_68 = arith.muli %add3A, %mul3A_67 : i32
    %dma_wait3A_69 = arith.constant 0 : i32
    %dma_wait3A_70 = tpu.memref_slice %arg5[%mul3A_68, %dma_wait3A_69] : memref<819200x64xf32, #tpu.memory_space<hbm>> -> memref<128x64xf32, #tpu.memory_space<hbm>>
    %dma_wait3A_71 = arith.constant 0 : i32
    %dma_wait3A_72 = tpu.memref_slice %arg5[%mul3A_68, %dma_wait3A_71] : memref<819200x64xf32, #tpu.memory_space<hbm>> -> memref<128x64xf32, #tpu.memory_space<hbm>>
    tpu.wait_dma2 semaphore(%arg29 : memref<!tpu.dma_semaphore, #tpu.memory_space<semaphore_mem>>) src(%arg9 : memref<128x64xf32, #tpu.memory_space<vmem>>) dst(%dma_wait3A_72 : memref<128x64xf32, #tpu.memory_space<hbm>>)
    %mul3A_73 = arith.constant 128 : i32
    %mul3A_74 = arith.muli %add3A, %mul3A_73 : i32
    %dma_wait3A_75 = arith.constant 0 : i32
    %dma_wait3A_76 = tpu.memref_slice %arg5[%mul3A_74, %dma_wait3A_75] : memref<819200x64xf32, #tpu.memory_space<hbm>> -> memref<128x64xf32, #tpu.memory_space<hbm>>
    %dma_wait3A_77 = arith.constant 0 : i32
    %dma_wait3A_78 = tpu.memref_slice %arg5[%mul3A_74, %dma_wait3A_77] : memref<819200x64xf32, #tpu.memory_space<hbm>> -> memref<128x64xf32, #tpu.memory_space<hbm>>
    tpu.wait_dma2 semaphore(%arg30 : memref<!tpu.dma_semaphore, #tpu.memory_space<semaphore_mem>>) src(%arg10 : memref<128x64xf32, #tpu.memory_space<vmem>>) dst(%dma_wait3A_78 : memref<128x64xf32, #tpu.memory_space<hbm>>)
    %mul3A_79 = arith.constant 128 : i32
    %mul3A_80 = arith.muli %add3A, %mul3A_79 : i32
    %dma_wait3A_81 = arith.constant 0 : i32
    %dma_wait3A_82 = tpu.memref_slice %arg5[%mul3A_80, %dma_wait3A_81] : memref<819200x64xf32, #tpu.memory_space<hbm>> -> memref<128x64xf32, #tpu.memory_space<hbm>>
    %dma_wait3A_83 = arith.constant 0 : i32
    %dma_wait3A_84 = tpu.memref_slice %arg5[%mul3A_80, %dma_wait3A_83] : memref<819200x64xf32, #tpu.memory_space<hbm>> -> memref<128x64xf32, #tpu.memory_space<hbm>>
    tpu.wait_dma2 semaphore(%arg31 : memref<!tpu.dma_semaphore, #tpu.memory_space<semaphore_mem>>) src(%arg11 : memref<128x64xf32, #tpu.memory_space<vmem>>) dst(%dma_wait3A_84 : memref<128x64xf32, #tpu.memory_space<hbm>>)
    %mul3A_85 = arith.constant 128 : i32
    %mul3A_86 = arith.muli %add3A, %mul3A_85 : i32
    %dma_wait3A_87 = arith.constant 0 : i32
    %dma_wait3A_88 = tpu.memref_slice %arg5[%mul3A_86, %dma_wait3A_87] : memref<819200x64xf32, #tpu.memory_space<hbm>> -> memref<128x64xf32, #tpu.memory_space<hbm>>
    %dma_wait3A_89 = arith.constant 0 : i32
    %dma_wait3A_90 = tpu.memref_slice %arg5[%mul3A_86, %dma_wait3A_89] : memref<819200x64xf32, #tpu.memory_space<hbm>> -> memref<128x64xf32, #tpu.memory_space<hbm>>
    tpu.wait_dma2 semaphore(%arg32 : memref<!tpu.dma_semaphore, #tpu.memory_space<semaphore_mem>>) src(%arg12 : memref<128x64xf32, #tpu.memory_space<vmem>>) dst(%dma_wait3A_90 : memref<128x64xf32, #tpu.memory_space<hbm>>)
    %mul3A_91 = arith.constant 128 : i32
    %mul3A_92 = arith.muli %add3A, %mul3A_91 : i32
    %dma_wait3A_93 = arith.constant 0 : i32
    %dma_wait3A_94 = tpu.memref_slice %arg5[%mul3A_92, %dma_wait3A_93] : memref<819200x64xf32, #tpu.memory_space<hbm>> -> memref<128x64xf32, #tpu.memory_space<hbm>>
    %dma_wait3A_95 = arith.constant 0 : i32
    %dma_wait3A_96 = tpu.memref_slice %arg5[%mul3A_92, %dma_wait3A_95] : memref<819200x64xf32, #tpu.memory_space<hbm>> -> memref<128x64xf32, #tpu.memory_space<hbm>>
    tpu.wait_dma2 semaphore(%arg33 : memref<!tpu.dma_semaphore, #tpu.memory_space<semaphore_mem>>) src(%arg13 : memref<128x64xf32, #tpu.memory_space<vmem>>) dst(%dma_wait3A_96 : memref<128x64xf32, #tpu.memory_space<hbm>>)
    %mul3A_97 = arith.constant 128 : i32
    %mul3A_98 = arith.muli %add3A, %mul3A_97 : i32
    %dma_wait3A_99 = arith.constant 0 : i32
    %dma_wait3A_100 = tpu.memref_slice %arg5[%mul3A_98, %dma_wait3A_99] : memref<819200x64xf32, #tpu.memory_space<hbm>> -> memref<128x64xf32, #tpu.memory_space<hbm>>
    %dma_wait3A_101 = arith.constant 0 : i32
    %dma_wait3A_102 = tpu.memref_slice %arg5[%mul3A_98, %dma_wait3A_101] : memref<819200x64xf32, #tpu.memory_space<hbm>> -> memref<128x64xf32, #tpu.memory_space<hbm>>
    tpu.wait_dma2 semaphore(%arg34 : memref<!tpu.dma_semaphore, #tpu.memory_space<semaphore_mem>>) src(%arg14 : memref<128x64xf32, #tpu.memory_space<vmem>>) dst(%dma_wait3A_102 : memref<128x64xf32, #tpu.memory_space<hbm>>)
    %mul3A_103 = arith.constant 128 : i32
    %mul3A_104 = arith.muli %add3A, %mul3A_103 : i32
    %dma_wait3A_105 = arith.constant 0 : i32
    %dma_wait3A_106 = tpu.memref_slice %arg5[%mul3A_104, %dma_wait3A_105] : memref<819200x64xf32, #tpu.memory_space<hbm>> -> memref<128x64xf32, #tpu.memory_space<hbm>>
    %dma_wait3A_107 = arith.constant 0 : i32
    %dma_wait3A_108 = tpu.memref_slice %arg5[%mul3A_104, %dma_wait3A_107] : memref<819200x64xf32, #tpu.memory_space<hbm>> -> memref<128x64xf32, #tpu.memory_space<hbm>>
    tpu.wait_dma2 semaphore(%arg35 : memref<!tpu.dma_semaphore, #tpu.memory_space<semaphore_mem>>) src(%arg15 : memref<128x64xf32, #tpu.memory_space<vmem>>) dst(%dma_wait3A_108 : memref<128x64xf32, #tpu.memory_space<hbm>>)
    %mul3A_109 = arith.constant 128 : i32
    %mul3A_110 = arith.muli %add3A, %mul3A_109 : i32
    %dma_wait3A_111 = arith.constant 0 : i32
    %dma_wait3A_112 = tpu.memref_slice %arg5[%mul3A_110, %dma_wait3A_111] : memref<819200x64xf32, #tpu.memory_space<hbm>> -> memref<128x64xf32, #tpu.memory_space<hbm>>
    %dma_wait3A_113 = arith.constant 0 : i32
    %dma_wait3A_114 = tpu.memref_slice %arg5[%mul3A_110, %dma_wait3A_113] : memref<819200x64xf32, #tpu.memory_space<hbm>> -> memref<128x64xf32, #tpu.memory_space<hbm>>
    tpu.wait_dma2 semaphore(%arg36 : memref<!tpu.dma_semaphore, #tpu.memory_space<semaphore_mem>>) src(%arg16 : memref<128x64xf32, #tpu.memory_space<vmem>>) dst(%dma_wait3A_114 : memref<128x64xf32, #tpu.memory_space<hbm>>)
    %mul3A_115 = arith.constant 128 : i32
    %mul3A_116 = arith.muli %add3A, %mul3A_115 : i32
    %dma_wait3A_117 = arith.constant 0 : i32
    %dma_wait3A_118 = tpu.memref_slice %arg5[%mul3A_116, %dma_wait3A_117] : memref<819200x64xf32, #tpu.memory_space<hbm>> -> memref<128x64xf32, #tpu.memory_space<hbm>>
    %dma_wait3A_119 = arith.constant 0 : i32
    %dma_wait3A_120 = tpu.memref_slice %arg5[%mul3A_116, %dma_wait3A_119] : memref<819200x64xf32, #tpu.memory_space<hbm>> -> memref<128x64xf32, #tpu.memory_space<hbm>>
    tpu.wait_dma2 semaphore(%arg37 : memref<!tpu.dma_semaphore, #tpu.memory_space<semaphore_mem>>) src(%arg17 : memref<128x64xf32, #tpu.memory_space<vmem>>) dst(%dma_wait3A_120 : memref<128x64xf32, #tpu.memory_space<hbm>>)
    return
  }
}

</mosaic_0001>

<sc_bundles>
// kernel: kernel.3.cloned.1.call-start
scs
__scs_entry_jumppad:
0x0: {  	(pc) =	sbr.rel $0x88, $3  }
0x1: {  	(tag) =	ssettag $0x0;
	lr =	simm.s32 $0x1  }
0x2: {  	[smem:$0x3F9E] =	sst lr;
	_ =	strace $0xD0000000  }
0x3: {  	_ = 	snop  }
0x4: {  	_ = 	snop  }
0x5: {  	_ = 	snop  }
0x6: {  	_ = 	snop  }
0x7: {  	_ = 	snop  }
__scs_overlays_trampoline_lowered:
0x8: {  	[smem:$0x3FAD] =	sst s0  }
0x9: {  	[smem:$0x3FAE] =	sst s1  }
0xa: {  	[smem:$0x3FAF] =	sst s2  }
0xb: {  	[smem:$0x3FB0] =	sst s3  }
0xc: {  	[smem:$0x3FB1] =	sst s4  }
0xd: {  	[smem:$0x3FB2] =	sst s5  }
0xe: {  	[smem:$0x3FB3] =	sst s6  }
0xf: {  	[smem:$0x3FB4] =	sst s7  }
0x10: {  	[smem:$0x3FB5] =	sst s8  }
0x11: {  	[smem:$0x3FB6] =	sst s9;
	s0 =	simm.s32 @!p0 $0x0  }
0x12: {  	s1 =	sld [smem:$0x3F9C];
	s0 =	simm.s32 @p0 $0x1  }
0x13: {  	[smem:$0x3FB7] =	sst s0;
	s0 =	simm.s32 @!p1 $0x0  }
0x14: {  	s2 =	sld [smem:$0x3F9B];
	s0 =	simm.s32 @p1 $0x1  }
0x15: {  	[smem:$0x3FB8] =	sst s0;
	s0 =	simm.s32 @!p2 $0x0  }
0x16: {  	s3 =	sld [smem:$0x3FDB];
	s0 =	simm.s32 @p2 $0x1  }
0x17: {  	s4 =	simm.s32 $0x1BF5;
	[smem:$0x3FBA] =	sst s0  }
0x18: {  	s0 =	sld [smem:$0x3F9D];
	_ =	swait.ge [sflag:s4], $0x0  }
0x19: {  	s7 =	sld [smem:$0x3F9E]  }
0x1a: {  	s8 =	sadd.s32 $0xFFFFE003, lr  }
0x1b: {  	s9 =	sadd.s32 $0xFFFFFEF7, lr;
	s5 =	simm.s32 $0xFFFFFFFF;
	p2 =	slt.u32 s8, $0xFFFFF086  }
0x1c: {  	p1 =	slt.u32 s9, $0xF7A;
	s5 =	simm.s32 @!p2 $0x0  }
0x1d: {  	s5 =	simm.s32 @p1 $0x1;
	p0 =	seq.s32 s7, s2  }
0x1e: {  	s7 =	smul.u32 @!p0 $0xF7A, s2;
	p2 =	seq.s32 @!p0 s5, $0x0  }
0x1f: {  	s9 =	smul.u32 $0xF7A, s1;
	s8 =	simm.s32 @!p0 $0x1BF5;
	p2 =	por !p2, p0  }
0x20: {  	[sflag:s8] =	ssyncset.s32 @!p0 $0xFFFFF086;
	s6 =	sadd.s32 @!p0 s3, s7;
	s7 =	simm.s32 @!p0 $0x108  }
0x21: {  	s3 =	sadd.s32 s3, s9;
	s6 =	sadd.s32 @!p0 $0x88, s6;
	s7 =	simm.s32 @p2 $0x1082  }
0x22: {  	[simem:s7], [sflag:s8] =	dma.local @!p0 [hbm:s6], $0xF7A  }
0x23: {  	s9 =	sor.u32 $0xD0000000, s2;
	s6 =	simm.s32 $0x108;
	_ =	swait.ge @!p0 [sflag:s8], $0x0  }
0x24: {  	s3 =	sadd.s32 $0x88, s3;
	s6 =	simm.s32 @!p1 $0x1082;
	[sflag:s4] =	ssyncset.s32 $0xFFFFF086  }
0x25: {  	[simem:s6], [sflag:s4] =	dma.local [hbm:s3], $0xF7A  }
0x26: {  	[smem:$0x3F9E] =	sst s1;
	(tag) =	ssettag s2;
	_ =	strace s9  }
0x27: {  	s1 =	sld [smem:$0x3FAE]  }
0x28: {  	s2 =	sld [smem:$0x3FAF]  }
0x29: {  	s4 =	sld [smem:$0x3FB1]  }
0x2a: {  	p0 =	seq.s32 s5, $0x0;
	s5 =	sld [smem:$0x3FB2]  }
0x2b: {  	s6 =	sld [smem:$0x3FB3]  }
0x2c: {  	s7 =	sld [smem:$0x3FB4]  }
0x2d: {  	s3 =	simm.s32 $0x108;
	s8 =	sld [smem:$0x3FB5]  }
0x2e: {  	s3 =	simm.s32 @!p0 $0x1082;
	s9 =	sld [smem:$0x3FB6]  }
0x2f: {  	lr =	sadd.s32 s0, s3;
	s0 =	sld [smem:$0x3FAD]  }
0x30: {  	s3 =	sld [smem:$0x3FB0]  }
0x31: {  	[smem:$0x3FB9] =	sst s10  }
0x32: {  	s10 =	sld [smem:$0x3FB7];
	_ =	sdelay $0x3  }
0x33: {  	p0 =	seq.s32 s10, $0x1;
	s10 =	sld [smem:$0x3FB9];
	_ =	sdelay $0x3  }
0x34: {  	[smem:$0x3FB9] =	sst s10  }
0x35: {  	s10 =	sld [smem:$0x3FB8];
	_ =	sdelay $0x3  }
0x36: {  	p1 =	seq.s32 s10, $0x1;
	s10 =	sld [smem:$0x3FB9];
	_ =	sdelay $0x3  }
0x37: {  	[smem:$0x3FB9] =	sst s10  }
0x38: {  	s10 =	sld [smem:$0x3FBA]  }
0x39: {  	_ = 	snop;
	(pc) =	sbr.ind lr, $3  }
0x3a: {  	_ = 	snop  }
0x3b: {  	_ = 	snop  }
0x3c: {  	p2 =	seq.s32 s10, $0x1;
	s10 =	sld [smem:$0x3FB9]  }
0x3d: {  	_ =	shalt  }
0x3e: {  	_ =	shalt  }
0x3f: {  	_ =	shalt  }
0x40: {  	_ =	shalt  }
0x41: {  	_ =	shalt  }
0x42: {  	_ =	shalt  }
0x43: {  	_ =	shalt  }
0x44: {  	_ =	shalt  }
0x45: {  	_ =	shalt  }
0x46: {  	_ =	shalt  }
0x47: {  	_ =	shalt  }
0x48: {  	_ =	shalt  }
0x49: {  	_ =	shalt  }
0x4a: {  	_ =	shalt  }
0x4b: {  	_ =	shalt  }
0x4c: {  	_ =	shalt  }
0x4d: {  	_ =	shalt  }
0x4e: {  	_ =	shalt  }
0x4f: {  	_ =	shalt  }
0x50: {  	_ =	shalt  }
0x51: {  	_ =	shalt  }
0x52: {  	_ =	shalt  }
0x53: {  	_ =	shalt  }
0x54: {  	_ =	shalt  }
0x55: {  	_ =	shalt  }
0x56: {  	_ =	shalt  }
0x57: {  	_ =	shalt  }
0x58: {  	_ =	shalt  }
0x59: {  	_ =	shalt  }
0x5a: {  	_ =	shalt  }
0x5b: {  	_ =	shalt  }
0x5c: {  	_ =	shalt  }
0x5d: {  	_ =	shalt  }
0x5e: {  	_ =	shalt  }
0x5f: {  	_ =	shalt  }
0x60: {  	_ =	shalt  }
0x61: {  	_ =	shalt  }
0x62: {  	_ =	shalt  }
0x63: {  	_ =	shalt  }
0x64: {  	_ =	shalt  }
0x65: {  	_ =	shalt  }
0x66: {  	_ =	shalt  }
0x67: {  	_ =	shalt  }
0x68: {  	_ =	shalt  }
0x69: {  	_ =	shalt  }
0x6a: {  	_ =	shalt  }
0x6b: {  	_ =	shalt  }
0x6c: {  	_ =	shalt  }
0x6d: {  	_ =	shalt  }
0x6e: {  	_ =	shalt  }
0x6f: {  	_ =	shalt  }
0x70: {  	_ =	shalt  }
0x71: {  	_ =	shalt  }
0x72: {  	_ =	shalt  }
0x73: {  	_ =	shalt  }
0x74: {  	_ =	shalt  }
0x75: {  	_ =	shalt  }
0x76: {  	_ =	shalt  }
0x77: {  	_ =	shalt  }
0x78: {  	_ =	shalt  }
0x79: {  	_ =	shalt  }
0x7a: {  	_ =	shalt  }
0x7b: {  	_ =	shalt  }
0x7c: {  	_ =	shalt  }
0x7d: {  	_ =	shalt  }
0x7e: {  	_ =	shalt  }
0x7f: {  	_ =	shalt  }
0x80: {  	_ =	shalt  }
0x81: {  	_ =	shalt  }
0x82: {  	_ =	shalt  }
0x83: {  	_ =	shalt  }
0x84: {  	_ =	shalt  }
0x85: {  	_ =	shalt  }
0x86: {  	_ =	shalt  }
0x87: {  	_ =	shalt  }
.Lfunc_end0:
.L_simem_size_0:
called_computation.1_lowered:
.L_overlay_start_0:
0x88: {  	s2 =	sld [smem:$0x3FD9]  }
0x89: {  	s3 =	sld [smem:$0x3FFE];
	_ =	sdelay $0x1  }
0x8a: {  	s1 =	srdreg.scid  }
0x8b: {  	s0 =	sand.u32 $0x1, s1  }
0x8c: {  	s17 =	sshll.u32 s0, $0xA;
	s2 =	sadd.s32 s3, s2  }
0x8d: {  	s2 =	sadd.s32 s2, s17  }
0x8e: {  	[smem:$0x3FC5] =	sst s2  }
0x8f: {  	_ = 	snop  }
0x90: {  	s2 =	sld [smem:$0x3FD0];
	(tm) =	ssettm $0x1  }
0x91: {  	s18 =	sld [smem:$0x3FFB];
	_ =	sdelay $0x3  }
0x92: {  	_ =	strace s18  }
0x93: {  	s3 =	sld [smem:$0x3FFC];
	_ =	sdelay $0x3  }
0x94: {  	_ =	strace s3  }
0x95: {  	s3 =	sld [smem:$0x3FFD];
	_ =	sdelay $0x3  }
0x96: {  	_ =	strace s3  }
0x97: {  	_ =	strace $0x8FFFFFFF  }
0x98: {  	s19 =	sld [smem:$0x3FDB];
	_ =	sdelay $0x1  }
0x99: {  	s4 =	simm.s32 $_scs_section_size  }
0x9a: {  	s5 =	simm.s32 $_size__tile_overlayer_lowered;
	s6 =	simm.s32 $_tile_overlayer_lowered  }
0x9b: {  	s22 =	simm.s32 $0x1BFF;
	s21 =	sshll.u32 s6, $0x1;
	s3 =	sadd.s32 s4, s19  }
0x9c: {  	s7 =	simm.s32 $0x0;
	s20 =	sshll.u32 s5, $0x1;
	s5 =	sadd.s32 s21, s3  }
0x9d: {  	[timem:s7], [sflag:s22] =	dma.local [hbm:s5], s20  }
0x9e: {  	_ =	swait.ge [sflag:s22], s20  }
0x9f: {  	s4 =	ssub.s32 $0x0, s20;
	[sflag:s22] =	ssyncset.done $0x0  }
0xa0: {  	[sflag:s22] =	ssyncadd.s32 s4;
	_ =	sdelay $0x1  }
0xa1: {  	s23 =	simm.s32 $0x1B8B  }
0xa2: {  	_ =	swait.ge [sflag:s23], $0x1  }
0xa3: {  	[sflag:s23] =	ssyncset.done $0x0  }
0xa4: {  	s25 =	simm.s32 $0x1B8E;
	s24 =	sld [smem:$0x3FFE];
	[sflag:s23] =	ssyncadd.s32 $0xFFFFFFFF  }
0xa5: {  	s26 =	simm.s32 $execute0_lowered;
	[smem:$0x3FD2] =	sst s25  }
0xa6: {  	s5 =	sshll.u32 s26, $0x1;
	_ =	strace $0x80000046;
	[dreg:$0x1] =	wrdreg $0xFFFFFFFF  }
0xa7: {  	s28 =	simm.s32 $_size_execute0_lowered;
	s3 =	sadd.s32 s3, s5;
	[dreg:$0x0] =	wrdreg $0x0  }
0xa8: {  	s5 =	sshll.u32 s28, $0x1;
	[dreg:$0x2] =	wrdreg s3  }
0xa9: {  	[dreg:$0x3] =	wrdreg s5  }
0xaa: {  	[dreg:$0x4] =	wrdreg $0xC0  }
0xab: {  	_ =	task [dreg:s7], $0x5FFFF  }
0xac: {  	[dreg:$0x1] =	wrdreg $0xFFFFFFFF  }
0xad: {  	[dreg:$0x0] =	wrdreg $0x60  }
0xae: {  	[dreg:$0x2] =	wrdreg s24  }
0xaf: {  	[dreg:$0x3] =	wrdreg s2  }
0xb0: {  	[dreg:$0x4] =	wrdreg $0x9  }
0xb1: {  	_ =	task.clear_ibuf [dreg:s7], $0x5FFFF;
	_ =	strace $0x90000046  }
0xb2: {  	s29 =	simm.s32 $0x9;
	_ =	strace $0x80000048  }
0xb3: {  	_ =	swait.ge [sflag:s29], $0x1  }
0xb4: {  	[sflag:s29] =	ssyncadd.s32 $0xFFFFFFFF  }
0xb5: {  	_ =	strace $0x90000048  }
0xb6: {  	_ =	sfence  }
0xb7: {  	s30 =	sld [smem:$0x0];
	_ =	sdelay $0x2  }
0xb8: {  	s31 =	sshll.u32 s1, $0xD;
	s1 =	sshrl.u32 s1, $0x2  }
0xb9: {  	s3 =	sand.u32 $0x4000, s31;
	s1 =	sadd.s32 s1, s30  }
0xba: {  	s0 =	sor.u32 s3, s0;
	s1 =	sshll.u32 s1, $0x11  }
0xbb: {  	s0 =	sor.u32 s1, s0  }
0xbc: {  	s0 =	sadd.s32 $0x8F2B, s0  }
0xbd: {  	[sflag:s0] =	ssyncadd.remote.s32 $0x1  }
0xbe: {  	_ =	sfence.sel $0xFFFF  }
0xbf: {  	[dreg:$0x0] =	wrdreg $0xFFFFFFFF;
	(pc) =	sbr.abs _section_cstart, $3  }
0xc0: {  	[dreg:$0x1] =	wrdreg $0xFFFFFFFF  }
0xc1: {  	_ =	task.clear_ibuf [dreg:s7], $0x2FFFF;
	_ =	strace $0x9FFFFFFF  }
0xc2: {  	(tm) =	ssettm $0x7FFFFFFF  }
0xc3: {  	_ =	shalt  }
tec
execute0_lowered:
.L_overlay_start_1:
0x0: {  	(tag) =	ssettag $0x1  }
0x1: {  	s0 =	srdreg.scid;
	s1 =	rddreg [dreg:$0x0]  }
0x2: {  	s2 =	stileid.u32;
	s4 =	rddreg [dreg:$0x1]  }
0x3: {  	s10 =	simm.s32 $0x80;
	s14 =	simm.s32 $0xD640;
	s16 =	simm.s32 $0xF640  }
0x4: {  	s18 =	simm.s32 $0x11640;
	s20 =	simm.s32 $0x13640;
	s22 =	simm.s32 $0x15640  }
0x5: {  	s28 =	simm.s32 $0x2;
	s29 =	simm.s32 $0x1B640;
	s30 =	simm.s32 $0x3  }
0x6: {  	s31 =	simm.s32 $0x4;
	s8 =	simm.s32 $0x7;
	s13 =	simm.s32 $0x8  }
0x7: {  	s15 =	simm.s32 $0x9;
	s17 =	simm.s32 $0xA;
	s21 =	simm.s32 $0x12  }
0x8: {  	s7 =	simm.s32 $0x0;
	s0 =	sand.u32 $0x1, s0;
	s2 =	sshll.u32 s2, $0x1  }
0x9: {  	s5 =	sor.u32 s0, s2;
	s2 =	simm.s32 $0x0;
	s0 =	ssub.s32 $0x2, s0  }
0xa: {  	s3 =	smul.u32 $0xC80, s5;
	[smem:$0x7FF] =	sst s2;
	s24 =	sshrl.u32 s0, $0x1  }
0xb: {  	s26 =	sshll.u32 s5, $0xA;
	_ =	strace $0x80000047;
	s0 =	ssub.s32 s0, s24  }
.Ltmp0:
0xc: {  	s24 =	simm.s32 $0x17640;
	s6 =	sadd.s32 s3, s1;
	(pc) =	sbr.rel .LBB2_1-.Ltmp0, $4  }
0xd: {  	s3 =	sadd.s32 $0xF43000, s1;
	s1 =	sadd.s32 $0x19C00, s1;
	s0 =	smax.u32 s0, $0x1  }
0xe: {  	[dreg:$0x3] =	wrdreg s1;
	s25 =	sadd.s32 $0xC00, s6;
	s6 =	sadd.s32 s4, s26  }
0xf: {  	[dreg:$0x5] =	wrdreg s0;
	s26 =	simm.s32 $0x19640;
	s1 =	simm.s32 $0x5  }
0x10: {  	s0 =	simm.s32 $0x6;
	[dreg:$0x4] =	wrdreg s25;
	s25 =	simm.s32 $0x1  }
.LBB2_24:
0x11: {  	s4 =	simm.s32 $0xB  }
0x12: {  	_ =	swait.ge [sflag:s4], $0x2000  }
0x13: {  	[sflag:s4] =	ssyncset.done $0x0  }
0x14: {  	s23 =	simm.s32 $0xC;
	[sflag:s4] =	ssyncadd.s32 $0xFFFFE000  }
0x15: {  	_ =	swait.ge [sflag:s23], $0x2000  }
0x16: {  	[sflag:s23] =	ssyncset.done $0x0  }
0x17: {  	s5 =	simm.s32 $0xD;
	[sflag:s23] =	ssyncadd.s32 $0xFFFFE000  }
0x18: {  	_ =	swait.ge [sflag:s5], $0x2000  }
0x19: {  	[sflag:s5] =	ssyncset.done $0x0  }
0x1a: {  	s7 =	simm.s32 $0xE;
	[sflag:s5] =	ssyncadd.s32 $0xFFFFE000  }
0x1b: {  	_ =	swait.ge [sflag:s7], $0x2000  }
0x1c: {  	[sflag:s7] =	ssyncset.done $0x0  }
0x1d: {  	s9 =	simm.s32 $0xF;
	[sflag:s7] =	ssyncadd.s32 $0xFFFFE000  }
0x1e: {  	_ =	swait.ge [sflag:s9], $0x2000  }
0x1f: {  	[sflag:s9] =	ssyncset.done $0x0  }
0x20: {  	s11 =	simm.s32 $0x10;
	[sflag:s9] =	ssyncadd.s32 $0xFFFFE000  }
0x21: {  	_ =	swait.ge [sflag:s11], $0x2000  }
0x22: {  	[sflag:s11] =	ssyncset.done $0x0  }
0x23: {  	s12 =	simm.s32 $0x11;
	[sflag:s11] =	ssyncadd.s32 $0xFFFFE000  }
0x24: {  	_ =	swait.ge [sflag:s12], $0x2000  }
0x25: {  	[sflag:s12] =	ssyncset.done $0x0  }
0x26: {  	[sflag:s12] =	ssyncadd.s32 $0xFFFFE000  }
0x27: {  	_ =	swait.ge [sflag:s21], $0x2000  }
0x28: {  	[sflag:s21] =	ssyncset.done $0x0  }
0x29: {  	s19 =	simm.s32 $0x13;
	[sflag:s21] =	ssyncadd.s32 $0xFFFFE000  }
0x2a: {  	_ =	swait.ge [sflag:s19], $0x2000  }
0x2b: {  	[sflag:s19] =	ssyncset.done $0x0  }
0x2c: {  	s5 =	simm.s32 $0x14;
	[sflag:s19] =	ssyncadd.s32 $0xFFFFE000  }
0x2d: {  	_ =	swait.ge [sflag:s5], $0x2000  }
0x2e: {  	s7 =	rddreg [dreg:$0x6]  }
0x2f: {  	s23 =	rddreg [dreg:$0x5];
	s7 =	sadd.s32 $0x1, s7  }
0x30: {  	p0 =	sne.s32 s7, s23  }
.Ltmp1:
0x31: {  	_ = 	snop;
	(pc) =	sbr.rel @!p0 .LBB2_25-.Ltmp1, $3  }
0x32: {  	_ =	sdelay $0x1  }
0x33: {  	[sflag:s5] =	ssyncset.done $0x0  }
0x34: {  	[sflag:s5] =	ssyncadd.s32 $0xFFFFE000  }
.LBB2_1:
0x35: {  	[dreg:$0x6] =	wrdreg s7  }
0x36: {  	s4 =	rddreg [dreg:$0x3];
	s5 =	simm.s32 $0x6400;
	s12 =	simm.s32 $0x15  }
0x37: {  	[tilespmem:s5], [sflag:$0x15] =	stream.linear.gather [hbm4b:s4+s2], $0x3240, $0x38;
	[tilespmem:$0x1D640] =	vst v63  }
0x38: {  	_ =	swait.ge [sflag:s12], $0x3240  }
0x39: {  	[sflag:s12] =	ssyncset.done $0x0  }
0x3a: {  	s19 =	rddreg [dreg:$0x4];
	[sflag:s12] =	ssyncadd.s32 $0xFFFFCDC0  }
0x3b: {  	[tilespmem:s2], [sflag:$0x15] =	stream.linear.gather [hbm4b:s19+s2], $0x6400, $0x38;
	[tilespmem:$0x1D640] =	vst v63  }
0x3c: {  	_ =	swait.ge [sflag:s12], $0x6400  }
0x3d: {  	[sflag:s12] =	ssyncset.done $0x0  }
0x3e: {  	s23 =	simm.s32 $0x9640;
	[sflag:s12] =	ssyncadd.s32 $0xFFFF9C00  }
0x3f: {  	[tilespmem:s23], [sflag:$0x1] =	stream.indirect.gather [hbm4b:s3+s10], $0x40, s2, s10, $0xb8;
	[tilespmem:$0x1D640] =	vst v63  }
0x40: {  	s5 =	simm.s32 $0xB640  }
0x41: {  	[tilespmem:s5], [sflag:$0x2] =	stream.indirect.gather [hbm4b:s3+s10], $0x40, s10, s10, $0xb8;
	[tilespmem:$0x1D640] =	vst v63  }
0x42: {  	s7 =	simm.s32 $0x100  }
0x43: {  	[tilespmem:s14], [sflag:$0x3] =	stream.indirect.gather [hbm4b:s3+s10], $0x40, s7, s10, $0xb8;
	[tilespmem:$0x1D640] =	vst v63  }
0x44: {  	s9 =	simm.s32 $0x180  }
0x45: {  	[tilespmem:s16], [sflag:$0x4] =	stream.indirect.gather [hbm4b:s3+s10], $0x40, s9, s10, $0xb8;
	[tilespmem:$0x1D640] =	vst v63  }
0x46: {  	s11 =	simm.s32 $0x200  }
0x47: {  	[tilespmem:s18], [sflag:$0x5] =	stream.indirect.gather [hbm4b:s3+s10], $0x40, s11, s10, $0xb8;
	[tilespmem:$0x1D640] =	vst v63  }
0x48: {  	s12 =	simm.s32 $0x280  }
0x49: {  	[tilespmem:s20], [sflag:$0x6] =	stream.indirect.gather [hbm4b:s3+s10], $0x40, s12, s10, $0xb8;
	[tilespmem:$0x1D640] =	vst v63  }
0x4a: {  	s19 =	simm.s32 $0x300  }
0x4b: {  	[tilespmem:s22], [sflag:$0x7] =	stream.indirect.gather [hbm4b:s3+s10], $0x40, s19, s10, $0xb8;
	[tilespmem:$0x1D640] =	vst v63  }
0x4c: {  	s23 =	simm.s32 $0x380;
	s7 =	simm.s32 $0x0  }
0x4d: {  	[tilespmem:s24], [sflag:$0x8] =	stream.indirect.gather [hbm4b:s3+s10], $0x40, s23, s10, $0xb8;
	[tilespmem:$0x1D640] =	vst v63  }
.LBB2_2:
0x4e: {  	_ =	swait.ge [sflag:s25], $0x2000;
	s4 =	smul.u32 $0xA00, s7  }
0x4f: {  	[sflag:s25] =	ssyncset.done $0x0  }
0x50: {  	[sflag:s25] =	ssyncadd.s32 $0xFFFFE000;
	s4 =	sshra.s32 s4, $0x2  }
0x51: {  	v3 =	vld [tilespmem:s4+$0x6430]  }
0x52: {  	v2 =	vld [tilespmem:s4+$0x6400]  }
0x53: {  	v0 =	vld [tilespmem:s4+$0x6410]  }
0x54: {  	v1 =	vld [tilespmem:s4+$0x6420]  }
0x55: {  	s5 =	simm.s32 $0x400;
	s4 =	simm.s32 $0x0  }
.LBB2_3:
0x56: {  	p0 =	sne.s32 s5, $0x7C00;
	[tilespmem:s4+$0x9730] =	vst.add.f32.msk $0xffff, v3  }
0x57: {  	[tilespmem:s4+$0x9640] =	vst.add.f32.msk $0xffff, v2  }
0x58: {  	[tilespmem:s4+$0x9650] =	vst.add.f32.msk $0xffff, v0  }
0x59: {  	[tilespmem:s4+$0x9660] =	vst.add.f32.msk $0xffff, v1  }
0x5a: {  	[tilespmem:s4+$0x9670] =	vst.add.f32.msk $0xffff, v3  }
0x5b: {  	[tilespmem:s4+$0x9680] =	vst.add.f32.msk $0xffff, v2  }
0x5c: {  	[tilespmem:s4+$0x9690] =	vst.add.f32.msk $0xffff, v0  }
0x5d: {  	[tilespmem:s4+$0x96A0] =	vst.add.f32.msk $0xffff, v1  }
0x5e: {  	[tilespmem:s4+$0x96B0] =	vst.add.f32.msk $0xffff, v3  }
0x5f: {  	[tilespmem:s4+$0x96C0] =	vst.add.f32.msk $0xffff, v2  }
0x60: {  	[tilespmem:s4+$0x96D0] =	vst.add.f32.msk $0xffff, v0  }
.Ltmp2:
0x61: {  	[tilespmem:s4+$0x96E0] =	vst.add.f32.msk $0xffff, v1;
	(pc) =	sbr.rel @p0 .LBB2_3-.Ltmp2, $4  }
0x62: {  	[tilespmem:s4+$0x96F0] =	vst.add.f32.msk $0xffff, v3  }
0x63: {  	[tilespmem:s4+$0x9700] =	vst.add.f32.msk $0xffff, v2  }
0x64: {  	[tilespmem:s4+$0x9710] =	vst.add.f32.msk $0xffff, v0  }
0x65: {  	[tilespmem:s4+$0x9720] =	vst.add.f32.msk $0xffff, v1;
	s4 =	sshra.s32 s5, $0x2;
	s5 =	sadd.s32 $0x400, s5  }
0x66: {  	[tilespmem:s4+$0x9730] =	vst.add.f32.msk $0xffff, v3  }
0x67: {  	[tilespmem:s4+$0x9640] =	vst.add.f32.msk $0xffff, v2  }
0x68: {  	[tilespmem:s4+$0x9650] =	vst.add.f32.msk $0xffff, v0  }
0x69: {  	[tilespmem:s4+$0x9660] =	vst.add.f32.msk $0xffff, v1  }
0x6a: {  	[tilespmem:s4+$0x9670] =	vst.add.f32.msk $0xffff, v3  }
0x6b: {  	[tilespmem:s4+$0x9680] =	vst.add.f32.msk $0xffff, v2  }
0x6c: {  	[tilespmem:s4+$0x9690] =	vst.add.f32.msk $0xffff, v0  }
0x6d: {  	[tilespmem:s4+$0x96A0] =	vst.add.f32.msk $0xffff, v1  }
0x6e: {  	[tilespmem:s4+$0x96B0] =	vst.add.f32.msk $0xffff, v3  }
0x6f: {  	[tilespmem:s4+$0x96C0] =	vst.add.f32.msk $0xffff, v2  }
0x70: {  	[tilespmem:s4+$0x96D0] =	vst.add.f32.msk $0xffff, v0  }
0x71: {  	[tilespmem:s4+$0x96E0] =	vst.add.f32.msk $0xffff, v1  }
0x72: {  	[tilespmem:s4+$0x96F0] =	vst.add.f32.msk $0xffff, v3  }
0x73: {  	[tilespmem:s4+$0x9700] =	vst.add.f32.msk $0xffff, v2;
	s5 =	smul.u32 $0x50000, s7  }
0x74: {  	[tilespmem:s4+$0x9710] =	vst.add.f32.msk $0xffff, v0;
	s11 =	simm.s32 $0x9640;
	p0 =	seq.s32 s7, $0x0  }
0x75: {  	[tilespmem:s4+$0x9720] =	vst.add.f32.msk $0xffff, v1;
	s4 =	smul.u32 $0xA, s7;
	s9 =	sadd.s32 s5, s6;
	s5 =	simm.s32 @!p0 $0x13  }
0x76: {  	[hbm4b:s9+s2] =	stream.linear.scatter [tilespmem:s11], [sflag:$0xB], $0x2000, $0x38;
	[tilespmem:$0x1D640] =	vst v63  }
0x77: {  	s19 =	sadd.s32 $0x8, s4;
	_ =	swait.ge @!p0 [sflag:s5], $0x2000  }
0x78: {  	s9 =	sshll.u32 s19, $0x7;
	[sflag:s5] =	ssyncset.done @!p0 $0x0  }
0x79: {  	s12 =	sand.u32 $0x3FFFFF80, s9;
	[sflag:s5] =	ssyncadd.s32 @!p0 $0xFFFFE000  }
0x7a: {  	[tilespmem:s26], [sflag:$0x9] =	stream.indirect.gather [hbm4b:s3+s10], $0x40, s12, s10, $0xb8;
	[tilespmem:$0x1D640] =	vst v63  }
0x7b: {  	s9 =	sor.u32 $0x1, s4;
	_ =	swait.ge [sflag:s28], $0x2000  }
0x7c: {  	s23 =	sshll.u32 s9, $0x6;
	[sflag:s28] =	ssyncset.done $0x0  }
0x7d: {  	s5 =	sand.u32 $0x3FFFFFC0, s23;
	[sflag:s28] =	ssyncadd.s32 $0xFFFFE000  }
0x7e: {  	v3 =	vld [tilespmem:s5+$0x6430]  }
0x7f: {  	v1 =	vld [tilespmem:s5+$0x6400]  }
0x80: {  	v2 =	vld [tilespmem:s5+$0x6410]  }
0x81: {  	v0 =	vld [tilespmem:s5+$0x6420]  }
0x82: {  	s11 =	simm.s32 $0x400;
	s5 =	simm.s32 $0x0  }
.LBB2_5:
0x83: {  	p1 =	sne.s32 s11, $0x7C00;
	[tilespmem:s5+$0xB730] =	vst.add.f32.msk $0xffff, v3  }
0x84: {  	[tilespmem:s5+$0xB640] =	vst.add.f32.msk $0xffff, v1  }
0x85: {  	[tilespmem:s5+$0xB650] =	vst.add.f32.msk $0xffff, v2  }
0x86: {  	[tilespmem:s5+$0xB660] =	vst.add.f32.msk $0xffff, v0  }
0x87: {  	[tilespmem:s5+$0xB670] =	vst.add.f32.msk $0xffff, v3  }
0x88: {  	[tilespmem:s5+$0xB680] =	vst.add.f32.msk $0xffff, v1  }
0x89: {  	[tilespmem:s5+$0xB690] =	vst.add.f32.msk $0xffff, v2  }
0x8a: {  	[tilespmem:s5+$0xB6A0] =	vst.add.f32.msk $0xffff, v0  }
0x8b: {  	[tilespmem:s5+$0xB6B0] =	vst.add.f32.msk $0xffff, v3  }
0x8c: {  	[tilespmem:s5+$0xB6C0] =	vst.add.f32.msk $0xffff, v1  }
0x8d: {  	[tilespmem:s5+$0xB6D0] =	vst.add.f32.msk $0xffff, v2  }
.Ltmp3:
0x8e: {  	[tilespmem:s5+$0xB6E0] =	vst.add.f32.msk $0xffff, v0;
	(pc) =	sbr.rel @p1 .LBB2_5-.Ltmp3, $4  }
0x8f: {  	[tilespmem:s5+$0xB6F0] =	vst.add.f32.msk $0xffff, v3  }
0x90: {  	[tilespmem:s5+$0xB700] =	vst.add.f32.msk $0xffff, v1  }
0x91: {  	[tilespmem:s5+$0xB710] =	vst.add.f32.msk $0xffff, v2  }
0x92: {  	[tilespmem:s5+$0xB720] =	vst.add.f32.msk $0xffff, v0;
	s5 =	sshra.s32 s11, $0x2;
	s11 =	sadd.s32 $0x400, s11  }
0x93: {  	[tilespmem:s5+$0xB730] =	vst.add.f32.msk $0xffff, v3  }
0x94: {  	[tilespmem:s5+$0xB640] =	vst.add.f32.msk $0xffff, v1  }
0x95: {  	[tilespmem:s5+$0xB650] =	vst.add.f32.msk $0xffff, v2  }
0x96: {  	[tilespmem:s5+$0xB660] =	vst.add.f32.msk $0xffff, v0  }
0x97: {  	[tilespmem:s5+$0xB670] =	vst.add.f32.msk $0xffff, v3  }
0x98: {  	[tilespmem:s5+$0xB680] =	vst.add.f32.msk $0xffff, v1  }
0x99: {  	[tilespmem:s5+$0xB690] =	vst.add.f32.msk $0xffff, v2  }
0x9a: {  	[tilespmem:s5+$0xB6A0] =	vst.add.f32.msk $0xffff, v0  }
0x9b: {  	[tilespmem:s5+$0xB6B0] =	vst.add.f32.msk $0xffff, v3  }
0x9c: {  	[tilespmem:s5+$0xB6C0] =	vst.add.f32.msk $0xffff, v1  }
0x9d: {  	[tilespmem:s5+$0xB6D0] =	vst.add.f32.msk $0xffff, v2  }
0x9e: {  	[tilespmem:s5+$0xB6E0] =	vst.add.f32.msk $0xffff, v0  }
0x9f: {  	[tilespmem:s5+$0xB6F0] =	vst.add.f32.msk $0xffff, v3  }
0xa0: {  	[tilespmem:s5+$0xB700] =	vst.add.f32.msk $0xffff, v1  }
0xa1: {  	[tilespmem:s5+$0xB710] =	vst.add.f32.msk $0xffff, v2;
	s9 =	sshll.u32 s9, $0xF  }
0xa2: {  	[tilespmem:s5+$0xB720] =	vst.add.f32.msk $0xffff, v0;
	s11 =	simm.s32 $0xB640;
	s5 =	simm.s32 @!p0 $0x14;
	s9 =	sadd.s32 s9, s6  }
0xa3: {  	[hbm4b:s9+s2] =	stream.linear.scatter [tilespmem:s11], [sflag:$0xC], $0x2000, $0x38;
	[tilespmem:$0x1D640] =	vst v63  }
0xa4: {  	s23 =	sadd.s32 $0x9, s4;
	_ =	swait.ge @!p0 [sflag:s5], $0x2000  }
0xa5: {  	s12 =	sshll.u32 s23, $0x7;
	[sflag:s5] =	ssyncset.done @!p0 $0x0  }
0xa6: {  	s11 =	sand.u32 $0x3FFFFF80, s12;
	[sflag:s5] =	ssyncadd.s32 @!p0 $0xFFFFE000  }
0xa7: {  	[tilespmem:s29], [sflag:$0xA] =	stream.indirect.gather [hbm4b:s3+s10], $0x40, s11, s10, $0xb8;
	[tilespmem:$0x1D640] =	vst v63  }
0xa8: {  	s9 =	sadd.s32 $0x2, s4;
	_ =	swait.ge [sflag:s30], $0x2000  }
0xa9: {  	s12 =	sshll.u32 s9, $0x6;
	[sflag:s30] =	ssyncset.done $0x0  }
0xaa: {  	s5 =	sand.u32 $0x3FFFFFC0, s12;
	[sflag:s30] =	ssyncadd.s32 $0xFFFFE000  }
0xab: {  	v3 =	vld [tilespmem:s5+$0x6430]  }
0xac: {  	v1 =	vld [tilespmem:s5+$0x6400]  }
0xad: {  	v2 =	vld [tilespmem:s5+$0x6410]  }
0xae: {  	v0 =	vld [tilespmem:s5+$0x6420]  }
0xaf: {  	s11 =	simm.s32 $0x400;
	s5 =	simm.s32 $0x0  }
.LBB2_7:
0xb0: {  	p0 =	sne.s32 s11, $0x7C00;
	[tilespmem:s5+$0xD730] =	vst.add.f32.msk $0xffff, v3  }
0xb1: {  	[tilespmem:s5+$0xD640] =	vst.add.f32.msk $0xffff, v1  }
0xb2: {  	[tilespmem:s5+$0xD650] =	vst.add.f32.msk $0xffff, v2  }
0xb3: {  	[tilespmem:s5+$0xD660] =	vst.add.f32.msk $0xffff, v0  }
0xb4: {  	[tilespmem:s5+$0xD670] =	vst.add.f32.msk $0xffff, v3  }
0xb5: {  	[tilespmem:s5+$0xD680] =	vst.add.f32.msk $0xffff, v1  }
0xb6: {  	[tilespmem:s5+$0xD690] =	vst.add.f32.msk $0xffff, v2  }
0xb7: {  	[tilespmem:s5+$0xD6A0] =	vst.add.f32.msk $0xffff, v0  }
0xb8: {  	[tilespmem:s5+$0xD6B0] =	vst.add.f32.msk $0xffff, v3  }
0xb9: {  	[tilespmem:s5+$0xD6C0] =	vst.add.f32.msk $0xffff, v1  }
0xba: {  	[tilespmem:s5+$0xD6D0] =	vst.add.f32.msk $0xffff, v2  }
.Ltmp4:
0xbb: {  	[tilespmem:s5+$0xD6E0] =	vst.add.f32.msk $0xffff, v0;
	(pc) =	sbr.rel @p0 .LBB2_7-.Ltmp4, $4  }
0xbc: {  	[tilespmem:s5+$0xD6F0] =	vst.add.f32.msk $0xffff, v3  }
0xbd: {  	[tilespmem:s5+$0xD700] =	vst.add.f32.msk $0xffff, v1  }
0xbe: {  	[tilespmem:s5+$0xD710] =	vst.add.f32.msk $0xffff, v2  }
0xbf: {  	[tilespmem:s5+$0xD720] =	vst.add.f32.msk $0xffff, v0;
	s5 =	sshra.s32 s11, $0x2;
	s11 =	sadd.s32 $0x400, s11  }
0xc0: {  	[tilespmem:s5+$0xD730] =	vst.add.f32.msk $0xffff, v3  }
0xc1: {  	[tilespmem:s5+$0xD640] =	vst.add.f32.msk $0xffff, v1  }
0xc2: {  	[tilespmem:s5+$0xD650] =	vst.add.f32.msk $0xffff, v2  }
0xc3: {  	[tilespmem:s5+$0xD660] =	vst.add.f32.msk $0xffff, v0  }
0xc4: {  	[tilespmem:s5+$0xD670] =	vst.add.f32.msk $0xffff, v3  }
0xc5: {  	[tilespmem:s5+$0xD680] =	vst.add.f32.msk $0xffff, v1  }
0xc6: {  	[tilespmem:s5+$0xD690] =	vst.add.f32.msk $0xffff, v2  }
0xc7: {  	[tilespmem:s5+$0xD6A0] =	vst.add.f32.msk $0xffff, v0  }
0xc8: {  	[tilespmem:s5+$0xD6B0] =	vst.add.f32.msk $0xffff, v3  }
0xc9: {  	[tilespmem:s5+$0xD6C0] =	vst.add.f32.msk $0xffff, v1  }
0xca: {  	[tilespmem:s5+$0xD6D0] =	vst.add.f32.msk $0xffff, v2  }
0xcb: {  	[tilespmem:s5+$0xD6E0] =	vst.add.f32.msk $0xffff, v0  }
0xcc: {  	[tilespmem:s5+$0xD6F0] =	vst.add.f32.msk $0xffff, v3  }
0xcd: {  	[tilespmem:s5+$0xD700] =	vst.add.f32.msk $0xffff, v1  }
0xce: {  	[tilespmem:s5+$0xD710] =	vst.add.f32.msk $0xffff, v2;
	s9 =	sshll.u32 s9, $0xF;
	p0 =	seq.s32 s7, $0x13  }
0xcf: {  	[tilespmem:s5+$0xD720] =	vst.add.f32.msk $0xffff, v0;
	s11 =	sadd.s32 s9, s6;
	s5 =	simm.s32 @!p0 $0xB;
	s9 =	smul.u32 @!p0 $0x1400, s7  }
0xd0: {  	[hbm4b:s11+s2] =	stream.linear.scatter [tilespmem:s14], [sflag:$0xD], $0x2000, $0x38;
	[tilespmem:$0x1D640] =	vst v63  }
0xd1: {  	_ =	swait.ge @!p0 [sflag:s5], $0x2000  }
0xd2: {  	s12 =	simm.s32 @!p0 $0x9640;
	s9 =	sshra.s32 @!p0 s9, $0x2;
	[sflag:s5] =	ssyncset.done @!p0 $0x0  }
0xd3: {  	s11 =	simm.s32 @!p0 $0x80;
	[sflag:s5] =	ssyncadd.s32 @!p0 $0xFFFFE000;
	s5 =	sadd.s32 @!p0 $0x500, s9  }
0xd4: {  	[tilespmem:s12], [sflag:$0x1] =	stream.indirect.gather @!p0 [hbm4b:s3+s11], $0x40, s5, s11, $0xb8;
	[tilespmem:$0x1D640] =	vst v63  }
0xd5: {  	s5 =	sadd.s32 $0x3, s4;
	_ =	swait.ge [sflag:s31], $0x2000  }
0xd6: {  	s12 =	sshll.u32 s5, $0x6;
	[sflag:s31] =	ssyncset.done $0x0  }
0xd7: {  	s11 =	sand.u32 $0x3FFFFFC0, s12;
	[sflag:s31] =	ssyncadd.s32 $0xFFFFE000  }
0xd8: {  	v3 =	vld [tilespmem:s11+$0x6430]  }
0xd9: {  	v1 =	vld [tilespmem:s11+$0x6400]  }
0xda: {  	v2 =	vld [tilespmem:s11+$0x6410]  }
0xdb: {  	v0 =	vld [tilespmem:s11+$0x6420]  }
0xdc: {  	s12 =	simm.s32 $0x400;
	s11 =	simm.s32 $0x0  }
.LBB2_9:
0xdd: {  	p1 =	sne.s32 s12, $0x7C00;
	[tilespmem:s11+$0xF730] =	vst.add.f32.msk $0xffff, v3  }
0xde: {  	[tilespmem:s11+$0xF640] =	vst.add.f32.msk $0xffff, v1  }
0xdf: {  	[tilespmem:s11+$0xF650] =	vst.add.f32.msk $0xffff, v2  }
0xe0: {  	[tilespmem:s11+$0xF660] =	vst.add.f32.msk $0xffff, v0  }
0xe1: {  	[tilespmem:s11+$0xF670] =	vst.add.f32.msk $0xffff, v3  }
0xe2: {  	[tilespmem:s11+$0xF680] =	vst.add.f32.msk $0xffff, v1  }
0xe3: {  	[tilespmem:s11+$0xF690] =	vst.add.f32.msk $0xffff, v2  }
0xe4: {  	[tilespmem:s11+$0xF6A0] =	vst.add.f32.msk $0xffff, v0  }
0xe5: {  	[tilespmem:s11+$0xF6B0] =	vst.add.f32.msk $0xffff, v3  }
0xe6: {  	[tilespmem:s11+$0xF6C0] =	vst.add.f32.msk $0xffff, v1  }
0xe7: {  	[tilespmem:s11+$0xF6D0] =	vst.add.f32.msk $0xffff, v2  }
.Ltmp5:
0xe8: {  	[tilespmem:s11+$0xF6E0] =	vst.add.f32.msk $0xffff, v0;
	(pc) =	sbr.rel @p1 .LBB2_9-.Ltmp5, $4  }
0xe9: {  	[tilespmem:s11+$0xF6F0] =	vst.add.f32.msk $0xffff, v3  }
0xea: {  	[tilespmem:s11+$0xF700] =	vst.add.f32.msk $0xffff, v1  }
0xeb: {  	[tilespmem:s11+$0xF710] =	vst.add.f32.msk $0xffff, v2  }
0xec: {  	[tilespmem:s11+$0xF720] =	vst.add.f32.msk $0xffff, v0;
	s11 =	sshra.s32 s12, $0x2;
	s12 =	sadd.s32 $0x400, s12  }
0xed: {  	[tilespmem:s11+$0xF730] =	vst.add.f32.msk $0xffff, v3  }
0xee: {  	[tilespmem:s11+$0xF640] =	vst.add.f32.msk $0xffff, v1  }
0xef: {  	[tilespmem:s11+$0xF650] =	vst.add.f32.msk $0xffff, v2  }
0xf0: {  	[tilespmem:s11+$0xF660] =	vst.add.f32.msk $0xffff, v0  }
0xf1: {  	[tilespmem:s11+$0xF670] =	vst.add.f32.msk $0xffff, v3  }
0xf2: {  	[tilespmem:s11+$0xF680] =	vst.add.f32.msk $0xffff, v1  }
0xf3: {  	[tilespmem:s11+$0xF690] =	vst.add.f32.msk $0xffff, v2  }
0xf4: {  	[tilespmem:s11+$0xF6A0] =	vst.add.f32.msk $0xffff, v0  }
0xf5: {  	[tilespmem:s11+$0xF6B0] =	vst.add.f32.msk $0xffff, v3  }
0xf6: {  	[tilespmem:s11+$0xF6C0] =	vst.add.f32.msk $0xffff, v1  }
0xf7: {  	[tilespmem:s11+$0xF6D0] =	vst.add.f32.msk $0xffff, v2  }
0xf8: {  	[tilespmem:s11+$0xF6E0] =	vst.add.f32.msk $0xffff, v0  }
0xf9: {  	[tilespmem:s11+$0xF6F0] =	vst.add.f32.msk $0xffff, v3  }
0xfa: {  	[tilespmem:s11+$0xF700] =	vst.add.f32.msk $0xffff, v1  }
0xfb: {  	[tilespmem:s11+$0xF710] =	vst.add.f32.msk $0xffff, v2;
	s5 =	sshll.u32 s5, $0xF  }
0xfc: {  	[tilespmem:s11+$0xF720] =	vst.add.f32.msk $0xffff, v0;
	s5 =	sadd.s32 s5, s6  }
0xfd: {  	[hbm4b:s5+s2] =	stream.linear.scatter [tilespmem:s16], [sflag:$0xE], $0x2000, $0x38;
	[tilespmem:$0x1D640] =	vst v63  }
0xfe: {  	s5 =	simm.s32 @!p0 $0xC  }
0xff: {  	_ =	swait.ge @!p0 [sflag:s5], $0x2000  }
0x100: {  	s11 =	simm.s32 @!p0 $0x80;
	[sflag:s5] =	ssyncset.done @!p0 $0x0  }
0x101: {  	s12 =	simm.s32 @!p0 $0xB640;
	[sflag:s5] =	ssyncadd.s32 @!p0 $0xFFFFE000;
	s5 =	sadd.s32 @!p0 $0x580, s9  }
0x102: {  	[tilespmem:s12], [sflag:$0x2] =	stream.indirect.gather @!p0 [hbm4b:s3+s11], $0x40, s5, s11, $0xb8;
	[tilespmem:$0x1D640] =	vst v63  }
0x103: {  	s5 =	sadd.s32 $0x4, s4;
	_ =	swait.ge [sflag:s1], $0x2000  }
0x104: {  	s12 =	sshll.u32 s5, $0x6;
	[sflag:s1] =	ssyncset.done $0x0  }
0x105: {  	s11 =	sand.u32 $0x3FFFFFC0, s12;
	[sflag:s1] =	ssyncadd.s32 $0xFFFFE000  }
0x106: {  	v3 =	vld [tilespmem:s11+$0x6430]  }
0x107: {  	v1 =	vld [tilespmem:s11+$0x6400]  }
0x108: {  	v2 =	vld [tilespmem:s11+$0x6410]  }
0x109: {  	v0 =	vld [tilespmem:s11+$0x6420]  }
0x10a: {  	s12 =	simm.s32 $0x400;
	s11 =	simm.s32 $0x0  }
.LBB2_11:
0x10b: {  	p1 =	sne.s32 s12, $0x7C00;
	[tilespmem:s11+$0x11730] =	vst.add.f32.msk $0xffff, v3  }
0x10c: {  	[tilespmem:s11+$0x11640] =	vst.add.f32.msk $0xffff, v1  }
0x10d: {  	[tilespmem:s11+$0x11650] =	vst.add.f32.msk $0xffff, v2  }
0x10e: {  	[tilespmem:s11+$0x11660] =	vst.add.f32.msk $0xffff, v0  }
0x10f: {  	[tilespmem:s11+$0x11670] =	vst.add.f32.msk $0xffff, v3  }
0x110: {  	[tilespmem:s11+$0x11680] =	vst.add.f32.msk $0xffff, v1  }
0x111: {  	[tilespmem:s11+$0x11690] =	vst.add.f32.msk $0xffff, v2  }
0x112: {  	[tilespmem:s11+$0x116A0] =	vst.add.f32.msk $0xffff, v0  }
0x113: {  	[tilespmem:s11+$0x116B0] =	vst.add.f32.msk $0xffff, v3  }
0x114: {  	[tilespmem:s11+$0x116C0] =	vst.add.f32.msk $0xffff, v1  }
0x115: {  	[tilespmem:s11+$0x116D0] =	vst.add.f32.msk $0xffff, v2  }
.Ltmp6:
0x116: {  	[tilespmem:s11+$0x116E0] =	vst.add.f32.msk $0xffff, v0;
	(pc) =	sbr.rel @p1 .LBB2_11-.Ltmp6, $4  }
0x117: {  	[tilespmem:s11+$0x116F0] =	vst.add.f32.msk $0xffff, v3  }
0x118: {  	[tilespmem:s11+$0x11700] =	vst.add.f32.msk $0xffff, v1  }
0x119: {  	[tilespmem:s11+$0x11710] =	vst.add.f32.msk $0xffff, v2  }
0x11a: {  	[tilespmem:s11+$0x11720] =	vst.add.f32.msk $0xffff, v0;
	s11 =	sshra.s32 s12, $0x2;
	s12 =	sadd.s32 $0x400, s12  }
0x11b: {  	[tilespmem:s11+$0x11730] =	vst.add.f32.msk $0xffff, v3  }
0x11c: {  	[tilespmem:s11+$0x11640] =	vst.add.f32.msk $0xffff, v1  }
0x11d: {  	[tilespmem:s11+$0x11650] =	vst.add.f32.msk $0xffff, v2  }
0x11e: {  	[tilespmem:s11+$0x11660] =	vst.add.f32.msk $0xffff, v0  }
0x11f: {  	[tilespmem:s11+$0x11670] =	vst.add.f32.msk $0xffff, v3  }
0x120: {  	[tilespmem:s11+$0x11680] =	vst.add.f32.msk $0xffff, v1  }
0x121: {  	[tilespmem:s11+$0x11690] =	vst.add.f32.msk $0xffff, v2  }
0x122: {  	[tilespmem:s11+$0x116A0] =	vst.add.f32.msk $0xffff, v0  }
0x123: {  	[tilespmem:s11+$0x116B0] =	vst.add.f32.msk $0xffff, v3  }
0x124: {  	[tilespmem:s11+$0x116C0] =	vst.add.f32.msk $0xffff, v1  }
0x125: {  	[tilespmem:s11+$0x116D0] =	vst.add.f32.msk $0xffff, v2  }
0x126: {  	[tilespmem:s11+$0x116E0] =	vst.add.f32.msk $0xffff, v0  }
0x127: {  	[tilespmem:s11+$0x116F0] =	vst.add.f32.msk $0xffff, v3  }
0x128: {  	[tilespmem:s11+$0x11700] =	vst.add.f32.msk $0xffff, v1  }
0x129: {  	[tilespmem:s11+$0x11710] =	vst.add.f32.msk $0xffff, v2;
	s5 =	sshll.u32 s5, $0xF  }
0x12a: {  	[tilespmem:s11+$0x11720] =	vst.add.f32.msk $0xffff, v0;
	s5 =	sadd.s32 s5, s6  }
0x12b: {  	[hbm4b:s5+s2] =	stream.linear.scatter [tilespmem:s18], [sflag:$0xF], $0x2000, $0x38;
	[tilespmem:$0x1D640] =	vst v63  }
0x12c: {  	s5 =	simm.s32 @!p0 $0xD  }
0x12d: {  	_ =	swait.ge @!p0 [sflag:s5], $0x2000  }
0x12e: {  	s11 =	simm.s32 @!p0 $0x80;
	[sflag:s5] =	ssyncset.done @!p0 $0x0  }
0x12f: {  	s12 =	simm.s32 @!p0 $0xD640;
	[sflag:s5] =	ssyncadd.s32 @!p0 $0xFFFFE000;
	s5 =	sadd.s32 @!p0 $0x600, s9  }
0x130: {  	[tilespmem:s12], [sflag:$0x3] =	stream.indirect.gather @!p0 [hbm4b:s3+s11], $0x40, s5, s11, $0xb8;
	[tilespmem:$0x1D640] =	vst v63  }
0x131: {  	s5 =	sadd.s32 $0x5, s4;
	_ =	swait.ge [sflag:s0], $0x2000  }
0x132: {  	s12 =	sshll.u32 s5, $0x6;
	[sflag:s0] =	ssyncset.done $0x0  }
0x133: {  	s11 =	sand.u32 $0x3FFFFFC0, s12;
	[sflag:s0] =	ssyncadd.s32 $0xFFFFE000  }
0x134: {  	v3 =	vld [tilespmem:s11+$0x6430]  }
0x135: {  	v1 =	vld [tilespmem:s11+$0x6400]  }
0x136: {  	v2 =	vld [tilespmem:s11+$0x6410]  }
0x137: {  	v0 =	vld [tilespmem:s11+$0x6420]  }
0x138: {  	s12 =	simm.s32 $0x400;
	s11 =	simm.s32 $0x0  }
.LBB2_13:
0x139: {  	p1 =	sne.s32 s12, $0x7C00;
	[tilespmem:s11+$0x13730] =	vst.add.f32.msk $0xffff, v3  }
0x13a: {  	[tilespmem:s11+$0x13640] =	vst.add.f32.msk $0xffff, v1  }
0x13b: {  	[tilespmem:s11+$0x13650] =	vst.add.f32.msk $0xffff, v2  }
0x13c: {  	[tilespmem:s11+$0x13660] =	vst.add.f32.msk $0xffff, v0  }
0x13d: {  	[tilespmem:s11+$0x13670] =	vst.add.f32.msk $0xffff, v3  }
0x13e: {  	[tilespmem:s11+$0x13680] =	vst.add.f32.msk $0xffff, v1  }
0x13f: {  	[tilespmem:s11+$0x13690] =	vst.add.f32.msk $0xffff, v2  }
0x140: {  	[tilespmem:s11+$0x136A0] =	vst.add.f32.msk $0xffff, v0  }
0x141: {  	[tilespmem:s11+$0x136B0] =	vst.add.f32.msk $0xffff, v3  }
0x142: {  	[tilespmem:s11+$0x136C0] =	vst.add.f32.msk $0xffff, v1  }
0x143: {  	[tilespmem:s11+$0x136D0] =	vst.add.f32.msk $0xffff, v2  }
.Ltmp7:
0x144: {  	[tilespmem:s11+$0x136E0] =	vst.add.f32.msk $0xffff, v0;
	(pc) =	sbr.rel @p1 .LBB2_13-.Ltmp7, $4  }
0x145: {  	[tilespmem:s11+$0x136F0] =	vst.add.f32.msk $0xffff, v3  }
0x146: {  	[tilespmem:s11+$0x13700] =	vst.add.f32.msk $0xffff, v1  }
0x147: {  	[tilespmem:s11+$0x13710] =	vst.add.f32.msk $0xffff, v2  }
0x148: {  	[tilespmem:s11+$0x13720] =	vst.add.f32.msk $0xffff, v0;
	s11 =	sshra.s32 s12, $0x2;
	s12 =	sadd.s32 $0x400, s12  }
0x149: {  	[tilespmem:s11+$0x13730] =	vst.add.f32.msk $0xffff, v3  }
0x14a: {  	[tilespmem:s11+$0x13640] =	vst.add.f32.msk $0xffff, v1  }
0x14b: {  	[tilespmem:s11+$0x13650] =	vst.add.f32.msk $0xffff, v2  }
0x14c: {  	[tilespmem:s11+$0x13660] =	vst.add.f32.msk $0xffff, v0  }
0x14d: {  	[tilespmem:s11+$0x13670] =	vst.add.f32.msk $0xffff, v3  }
0x14e: {  	[tilespmem:s11+$0x13680] =	vst.add.f32.msk $0xffff, v1  }
0x14f: {  	[tilespmem:s11+$0x13690] =	vst.add.f32.msk $0xffff, v2  }
0x150: {  	[tilespmem:s11+$0x136A0] =	vst.add.f32.msk $0xffff, v0  }
0x151: {  	[tilespmem:s11+$0x136B0] =	vst.add.f32.msk $0xffff, v3  }
0x152: {  	[tilespmem:s11+$0x136C0] =	vst.add.f32.msk $0xffff, v1  }
0x153: {  	[tilespmem:s11+$0x136D0] =	vst.add.f32.msk $0xffff, v2  }
0x154: {  	[tilespmem:s11+$0x136E0] =	vst.add.f32.msk $0xffff, v0  }
0x155: {  	[tilespmem:s11+$0x136F0] =	vst.add.f32.msk $0xffff, v3  }
0x156: {  	[tilespmem:s11+$0x13700] =	vst.add.f32.msk $0xffff, v1  }
0x157: {  	[tilespmem:s11+$0x13710] =	vst.add.f32.msk $0xffff, v2;
	s5 =	sshll.u32 s5, $0xF  }
0x158: {  	[tilespmem:s11+$0x13720] =	vst.add.f32.msk $0xffff, v0;
	s5 =	sadd.s32 s5, s6  }
0x159: {  	[hbm4b:s5+s2] =	stream.linear.scatter [tilespmem:s20], [sflag:$0x10], $0x2000, $0x38;
	[tilespmem:$0x1D640] =	vst v63  }
0x15a: {  	s5 =	simm.s32 @!p0 $0xE  }
0x15b: {  	_ =	swait.ge @!p0 [sflag:s5], $0x2000  }
0x15c: {  	s11 =	simm.s32 @!p0 $0x80;
	[sflag:s5] =	ssyncset.done @!p0 $0x0  }
0x15d: {  	s12 =	simm.s32 @!p0 $0xF640;
	[sflag:s5] =	ssyncadd.s32 @!p0 $0xFFFFE000;
	s5 =	sadd.s32 @!p0 $0x680, s9  }
0x15e: {  	[tilespmem:s12], [sflag:$0x4] =	stream.indirect.gather @!p0 [hbm4b:s3+s11], $0x40, s5, s11, $0xb8;
	[tilespmem:$0x1D640] =	vst v63  }
0x15f: {  	s5 =	sadd.s32 $0x6, s4;
	_ =	swait.ge [sflag:s8], $0x2000  }
0x160: {  	s12 =	sshll.u32 s5, $0x6;
	[sflag:s8] =	ssyncset.done $0x0  }
0x161: {  	s11 =	sand.u32 $0x3FFFFFC0, s12;
	[sflag:s8] =	ssyncadd.s32 $0xFFFFE000  }
0x162: {  	v3 =	vld [tilespmem:s11+$0x6430]  }
0x163: {  	v1 =	vld [tilespmem:s11+$0x6400]  }
0x164: {  	v2 =	vld [tilespmem:s11+$0x6410]  }
0x165: {  	v0 =	vld [tilespmem:s11+$0x6420]  }
0x166: {  	s12 =	simm.s32 $0x400;
	s11 =	simm.s32 $0x0  }
.LBB2_15:
0x167: {  	p1 =	sne.s32 s12, $0x7C00;
	[tilespmem:s11+$0x15730] =	vst.add.f32.msk $0xffff, v3  }
0x168: {  	[tilespmem:s11+$0x15640] =	vst.add.f32.msk $0xffff, v1  }
0x169: {  	[tilespmem:s11+$0x15650] =	vst.add.f32.msk $0xffff, v2  }
0x16a: {  	[tilespmem:s11+$0x15660] =	vst.add.f32.msk $0xffff, v0  }
0x16b: {  	[tilespmem:s11+$0x15670] =	vst.add.f32.msk $0xffff, v3  }
0x16c: {  	[tilespmem:s11+$0x15680] =	vst.add.f32.msk $0xffff, v1  }
0x16d: {  	[tilespmem:s11+$0x15690] =	vst.add.f32.msk $0xffff, v2  }
0x16e: {  	[tilespmem:s11+$0x156A0] =	vst.add.f32.msk $0xffff, v0  }
0x16f: {  	[tilespmem:s11+$0x156B0] =	vst.add.f32.msk $0xffff, v3  }
0x170: {  	[tilespmem:s11+$0x156C0] =	vst.add.f32.msk $0xffff, v1  }
0x171: {  	[tilespmem:s11+$0x156D0] =	vst.add.f32.msk $0xffff, v2  }
.Ltmp8:
0x172: {  	[tilespmem:s11+$0x156E0] =	vst.add.f32.msk $0xffff, v0;
	(pc) =	sbr.rel @p1 .LBB2_15-.Ltmp8, $4  }
0x173: {  	[tilespmem:s11+$0x156F0] =	vst.add.f32.msk $0xffff, v3  }
0x174: {  	[tilespmem:s11+$0x15700] =	vst.add.f32.msk $0xffff, v1  }
0x175: {  	[tilespmem:s11+$0x15710] =	vst.add.f32.msk $0xffff, v2  }
0x176: {  	[tilespmem:s11+$0x15720] =	vst.add.f32.msk $0xffff, v0;
	s11 =	sshra.s32 s12, $0x2;
	s12 =	sadd.s32 $0x400, s12  }
0x177: {  	[tilespmem:s11+$0x15730] =	vst.add.f32.msk $0xffff, v3  }
0x178: {  	[tilespmem:s11+$0x15640] =	vst.add.f32.msk $0xffff, v1  }
0x179: {  	[tilespmem:s11+$0x15650] =	vst.add.f32.msk $0xffff, v2  }
0x17a: {  	[tilespmem:s11+$0x15660] =	vst.add.f32.msk $0xffff, v0  }
0x17b: {  	[tilespmem:s11+$0x15670] =	vst.add.f32.msk $0xffff, v3  }
0x17c: {  	[tilespmem:s11+$0x15680] =	vst.add.f32.msk $0xffff, v1  }
0x17d: {  	[tilespmem:s11+$0x15690] =	vst.add.f32.msk $0xffff, v2  }
0x17e: {  	[tilespmem:s11+$0x156A0] =	vst.add.f32.msk $0xffff, v0  }
0x17f: {  	[tilespmem:s11+$0x156B0] =	vst.add.f32.msk $0xffff, v3  }
0x180: {  	[tilespmem:s11+$0x156C0] =	vst.add.f32.msk $0xffff, v1  }
0x181: {  	[tilespmem:s11+$0x156D0] =	vst.add.f32.msk $0xffff, v2  }
0x182: {  	[tilespmem:s11+$0x156E0] =	vst.add.f32.msk $0xffff, v0  }
0x183: {  	[tilespmem:s11+$0x156F0] =	vst.add.f32.msk $0xffff, v3  }
0x184: {  	[tilespmem:s11+$0x15700] =	vst.add.f32.msk $0xffff, v1  }
0x185: {  	[tilespmem:s11+$0x15710] =	vst.add.f32.msk $0xffff, v2;
	s5 =	sshll.u32 s5, $0xF  }
0x186: {  	[tilespmem:s11+$0x15720] =	vst.add.f32.msk $0xffff, v0;
	s5 =	sadd.s32 s5, s6  }
0x187: {  	[hbm4b:s5+s2] =	stream.linear.scatter [tilespmem:s22], [sflag:$0x11], $0x2000, $0x38;
	[tilespmem:$0x1D640] =	vst v63  }
0x188: {  	s5 =	simm.s32 @!p0 $0xF  }
0x189: {  	_ =	swait.ge @!p0 [sflag:s5], $0x2000  }
0x18a: {  	s11 =	simm.s32 @!p0 $0x80;
	[sflag:s5] =	ssyncset.done @!p0 $0x0  }
0x18b: {  	s12 =	simm.s32 @!p0 $0x11640;
	[sflag:s5] =	ssyncadd.s32 @!p0 $0xFFFFE000;
	s5 =	sadd.s32 @!p0 $0x700, s9  }
0x18c: {  	[tilespmem:s12], [sflag:$0x5] =	stream.indirect.gather @!p0 [hbm4b:s3+s11], $0x40, s5, s11, $0xb8;
	[tilespmem:$0x1D640] =	vst v63  }
0x18d: {  	s4 =	sadd.s32 $0x7, s4;
	_ =	swait.ge [sflag:s13], $0x2000  }
0x18e: {  	s12 =	sshll.u32 s4, $0x6;
	[sflag:s13] =	ssyncset.done $0x0  }
0x18f: {  	s5 =	sand.u32 $0x3FFFFFC0, s12;
	[sflag:s13] =	ssyncadd.s32 $0xFFFFE000  }
0x190: {  	v3 =	vld [tilespmem:s5+$0x6430]  }
0x191: {  	v1 =	vld [tilespmem:s5+$0x6400]  }
0x192: {  	v2 =	vld [tilespmem:s5+$0x6410]  }
0x193: {  	v0 =	vld [tilespmem:s5+$0x6420]  }
0x194: {  	s11 =	simm.s32 $0x400;
	s5 =	simm.s32 $0x0  }
.LBB2_17:
0x195: {  	p1 =	sne.s32 s11, $0x7C00;
	[tilespmem:s5+$0x17730] =	vst.add.f32.msk $0xffff, v3  }
0x196: {  	[tilespmem:s5+$0x17640] =	vst.add.f32.msk $0xffff, v1  }
0x197: {  	[tilespmem:s5+$0x17650] =	vst.add.f32.msk $0xffff, v2  }
0x198: {  	[tilespmem:s5+$0x17660] =	vst.add.f32.msk $0xffff, v0  }
0x199: {  	[tilespmem:s5+$0x17670] =	vst.add.f32.msk $0xffff, v3  }
0x19a: {  	[tilespmem:s5+$0x17680] =	vst.add.f32.msk $0xffff, v1  }
0x19b: {  	[tilespmem:s5+$0x17690] =	vst.add.f32.msk $0xffff, v2  }
0x19c: {  	[tilespmem:s5+$0x176A0] =	vst.add.f32.msk $0xffff, v0  }
0x19d: {  	[tilespmem:s5+$0x176B0] =	vst.add.f32.msk $0xffff, v3  }
0x19e: {  	[tilespmem:s5+$0x176C0] =	vst.add.f32.msk $0xffff, v1  }
0x19f: {  	[tilespmem:s5+$0x176D0] =	vst.add.f32.msk $0xffff, v2  }
.Ltmp9:
0x1a0: {  	[tilespmem:s5+$0x176E0] =	vst.add.f32.msk $0xffff, v0;
	(pc) =	sbr.rel @p1 .LBB2_17-.Ltmp9, $4  }
0x1a1: {  	[tilespmem:s5+$0x176F0] =	vst.add.f32.msk $0xffff, v3  }
0x1a2: {  	[tilespmem:s5+$0x17700] =	vst.add.f32.msk $0xffff, v1  }
0x1a3: {  	[tilespmem:s5+$0x17710] =	vst.add.f32.msk $0xffff, v2  }
0x1a4: {  	[tilespmem:s5+$0x17720] =	vst.add.f32.msk $0xffff, v0;
	s5 =	sshra.s32 s11, $0x2;
	s11 =	sadd.s32 $0x400, s11  }
0x1a5: {  	[tilespmem:s5+$0x17730] =	vst.add.f32.msk $0xffff, v3  }
0x1a6: {  	[tilespmem:s5+$0x17640] =	vst.add.f32.msk $0xffff, v1  }
0x1a7: {  	[tilespmem:s5+$0x17650] =	vst.add.f32.msk $0xffff, v2  }
0x1a8: {  	[tilespmem:s5+$0x17660] =	vst.add.f32.msk $0xffff, v0  }
0x1a9: {  	[tilespmem:s5+$0x17670] =	vst.add.f32.msk $0xffff, v3  }
0x1aa: {  	[tilespmem:s5+$0x17680] =	vst.add.f32.msk $0xffff, v1  }
0x1ab: {  	[tilespmem:s5+$0x17690] =	vst.add.f32.msk $0xffff, v2  }
0x1ac: {  	[tilespmem:s5+$0x176A0] =	vst.add.f32.msk $0xffff, v0  }
0x1ad: {  	[tilespmem:s5+$0x176B0] =	vst.add.f32.msk $0xffff, v3  }
0x1ae: {  	[tilespmem:s5+$0x176C0] =	vst.add.f32.msk $0xffff, v1  }
0x1af: {  	[tilespmem:s5+$0x176D0] =	vst.add.f32.msk $0xffff, v2  }
0x1b0: {  	[tilespmem:s5+$0x176E0] =	vst.add.f32.msk $0xffff, v0  }
0x1b1: {  	[tilespmem:s5+$0x176F0] =	vst.add.f32.msk $0xffff, v3  }
0x1b2: {  	[tilespmem:s5+$0x17700] =	vst.add.f32.msk $0xffff, v1  }
0x1b3: {  	[tilespmem:s5+$0x17710] =	vst.add.f32.msk $0xffff, v2;
	s4 =	sshll.u32 s4, $0xF  }
0x1b4: {  	[tilespmem:s5+$0x17720] =	vst.add.f32.msk $0xffff, v0;
	s4 =	sadd.s32 s4, s6  }
0x1b5: {  	[hbm4b:s4+s2] =	stream.linear.scatter [tilespmem:s24], [sflag:$0x12], $0x2000, $0x38;
	[tilespmem:$0x1D640] =	vst v63  }
0x1b6: {  	s4 =	simm.s32 @!p0 $0x10  }
0x1b7: {  	_ =	swait.ge @!p0 [sflag:s4], $0x2000  }
0x1b8: {  	s5 =	simm.s32 @!p0 $0x80;
	[sflag:s4] =	ssyncset.done @!p0 $0x0  }
0x1b9: {  	s11 =	simm.s32 @!p0 $0x13640;
	[sflag:s4] =	ssyncadd.s32 @!p0 $0xFFFFE000;
	s4 =	sadd.s32 @!p0 $0x780, s9  }
0x1ba: {  	[tilespmem:s11], [sflag:$0x6] =	stream.indirect.gather @!p0 [hbm4b:s3+s5], $0x40, s4, s5, $0xb8;
	[tilespmem:$0x1D640] =	vst v63  }
0x1bb: {  	_ =	swait.ge [sflag:s15], $0x2000  }
0x1bc: {  	s12 =	sshll.u32 s19, $0x6;
	[sflag:s15] =	ssyncset.done $0x0  }
0x1bd: {  	s4 =	sand.u32 $0x3FFFFFC0, s12;
	[sflag:s15] =	ssyncadd.s32 $0xFFFFE000  }
0x1be: {  	v3 =	vld [tilespmem:s4+$0x6430]  }
0x1bf: {  	v1 =	vld [tilespmem:s4+$0x6400]  }
0x1c0: {  	v2 =	vld [tilespmem:s4+$0x6410]  }
0x1c1: {  	v0 =	vld [tilespmem:s4+$0x6420]  }
0x1c2: {  	s5 =	simm.s32 $0x400;
	s4 =	simm.s32 $0x0  }
.LBB2_19:
0x1c3: {  	p1 =	sne.s32 s5, $0x7C00;
	[tilespmem:s4+$0x19730] =	vst.add.f32.msk $0xffff, v3  }
0x1c4: {  	[tilespmem:s4+$0x19640] =	vst.add.f32.msk $0xffff, v1  }
0x1c5: {  	[tilespmem:s4+$0x19650] =	vst.add.f32.msk $0xffff, v2  }
0x1c6: {  	[tilespmem:s4+$0x19660] =	vst.add.f32.msk $0xffff, v0  }
0x1c7: {  	[tilespmem:s4+$0x19670] =	vst.add.f32.msk $0xffff, v3  }
0x1c8: {  	[tilespmem:s4+$0x19680] =	vst.add.f32.msk $0xffff, v1  }
0x1c9: {  	[tilespmem:s4+$0x19690] =	vst.add.f32.msk $0xffff, v2  }
0x1ca: {  	[tilespmem:s4+$0x196A0] =	vst.add.f32.msk $0xffff, v0  }
0x1cb: {  	[tilespmem:s4+$0x196B0] =	vst.add.f32.msk $0xffff, v3  }
0x1cc: {  	[tilespmem:s4+$0x196C0] =	vst.add.f32.msk $0xffff, v1  }
0x1cd: {  	[tilespmem:s4+$0x196D0] =	vst.add.f32.msk $0xffff, v2  }
.Ltmp10:
0x1ce: {  	[tilespmem:s4+$0x196E0] =	vst.add.f32.msk $0xffff, v0;
	(pc) =	sbr.rel @p1 .LBB2_19-.Ltmp10, $4  }
0x1cf: {  	[tilespmem:s4+$0x196F0] =	vst.add.f32.msk $0xffff, v3  }
0x1d0: {  	[tilespmem:s4+$0x19700] =	vst.add.f32.msk $0xffff, v1  }
0x1d1: {  	[tilespmem:s4+$0x19710] =	vst.add.f32.msk $0xffff, v2  }
0x1d2: {  	[tilespmem:s4+$0x19720] =	vst.add.f32.msk $0xffff, v0;
	s4 =	sshra.s32 s5, $0x2;
	s5 =	sadd.s32 $0x400, s5  }
0x1d3: {  	[tilespmem:s4+$0x19730] =	vst.add.f32.msk $0xffff, v3  }
0x1d4: {  	[tilespmem:s4+$0x19640] =	vst.add.f32.msk $0xffff, v1  }
0x1d5: {  	[tilespmem:s4+$0x19650] =	vst.add.f32.msk $0xffff, v2  }
0x1d6: {  	[tilespmem:s4+$0x19660] =	vst.add.f32.msk $0xffff, v0  }
0x1d7: {  	[tilespmem:s4+$0x19670] =	vst.add.f32.msk $0xffff, v3  }
0x1d8: {  	[tilespmem:s4+$0x19680] =	vst.add.f32.msk $0xffff, v1  }
0x1d9: {  	[tilespmem:s4+$0x19690] =	vst.add.f32.msk $0xffff, v2  }
0x1da: {  	[tilespmem:s4+$0x196A0] =	vst.add.f32.msk $0xffff, v0  }
0x1db: {  	[tilespmem:s4+$0x196B0] =	vst.add.f32.msk $0xffff, v3  }
0x1dc: {  	[tilespmem:s4+$0x196C0] =	vst.add.f32.msk $0xffff, v1  }
0x1dd: {  	[tilespmem:s4+$0x196D0] =	vst.add.f32.msk $0xffff, v2  }
0x1de: {  	[tilespmem:s4+$0x196E0] =	vst.add.f32.msk $0xffff, v0  }
0x1df: {  	[tilespmem:s4+$0x196F0] =	vst.add.f32.msk $0xffff, v3  }
0x1e0: {  	[tilespmem:s4+$0x19700] =	vst.add.f32.msk $0xffff, v1  }
0x1e1: {  	[tilespmem:s4+$0x19710] =	vst.add.f32.msk $0xffff, v2;
	s5 =	sshll.u32 s19, $0xF  }
0x1e2: {  	[tilespmem:s4+$0x19720] =	vst.add.f32.msk $0xffff, v0;
	s4 =	simm.s32 @!p0 $0x11;
	s12 =	sadd.s32 s5, s6  }
0x1e3: {  	[hbm4b:s12+s2] =	stream.linear.scatter [tilespmem:s26], [sflag:$0x13], $0x2000, $0x38;
	[tilespmem:$0x1D640] =	vst v63  }
0x1e4: {  	_ =	swait.ge @!p0 [sflag:s4], $0x2000  }
0x1e5: {  	s5 =	simm.s32 @!p0 $0x80;
	[sflag:s4] =	ssyncset.done @!p0 $0x0  }
0x1e6: {  	[sflag:s4] =	ssyncadd.s32 @!p0 $0xFFFFE000;
	s4 =	sadd.s32 @!p0 $0x800, s9;
	s9 =	simm.s32 @!p0 $0x15640  }
0x1e7: {  	[tilespmem:s9], [sflag:$0x7] =	stream.indirect.gather @!p0 [hbm4b:s3+s5], $0x40, s4, s5, $0xb8;
	[tilespmem:$0x1D640] =	vst v63  }
0x1e8: {  	_ =	swait.ge [sflag:s17], $0x2000  }
0x1e9: {  	s19 =	sshll.u32 s23, $0x6;
	[sflag:s17] =	ssyncset.done $0x0  }
0x1ea: {  	s4 =	sand.u32 $0x3FFFFFC0, s19;
	[sflag:s17] =	ssyncadd.s32 $0xFFFFE000  }
0x1eb: {  	v3 =	vld [tilespmem:s4+$0x6430]  }
0x1ec: {  	v1 =	vld [tilespmem:s4+$0x6400]  }
0x1ed: {  	v2 =	vld [tilespmem:s4+$0x6410]  }
0x1ee: {  	v0 =	vld [tilespmem:s4+$0x6420]  }
0x1ef: {  	s5 =	simm.s32 $0x400;
	s4 =	simm.s32 $0x0  }
.LBB2_21:
0x1f0: {  	p1 =	sne.s32 s5, $0x7C00;
	[tilespmem:s4+$0x1B730] =	vst.add.f32.msk $0xffff, v3  }
0x1f1: {  	[tilespmem:s4+$0x1B640] =	vst.add.f32.msk $0xffff, v1  }
0x1f2: {  	[tilespmem:s4+$0x1B650] =	vst.add.f32.msk $0xffff, v2  }
0x1f3: {  	[tilespmem:s4+$0x1B660] =	vst.add.f32.msk $0xffff, v0  }
0x1f4: {  	[tilespmem:s4+$0x1B670] =	vst.add.f32.msk $0xffff, v3  }
0x1f5: {  	[tilespmem:s4+$0x1B680] =	vst.add.f32.msk $0xffff, v1  }
0x1f6: {  	[tilespmem:s4+$0x1B690] =	vst.add.f32.msk $0xffff, v2  }
0x1f7: {  	[tilespmem:s4+$0x1B6A0] =	vst.add.f32.msk $0xffff, v0  }
0x1f8: {  	[tilespmem:s4+$0x1B6B0] =	vst.add.f32.msk $0xffff, v3  }
0x1f9: {  	[tilespmem:s4+$0x1B6C0] =	vst.add.f32.msk $0xffff, v1  }
0x1fa: {  	[tilespmem:s4+$0x1B6D0] =	vst.add.f32.msk $0xffff, v2  }
.Ltmp11:
0x1fb: {  	[tilespmem:s4+$0x1B6E0] =	vst.add.f32.msk $0xffff, v0;
	(pc) =	sbr.rel @p1 .LBB2_21-.Ltmp11, $4  }
0x1fc: {  	[tilespmem:s4+$0x1B6F0] =	vst.add.f32.msk $0xffff, v3  }
0x1fd: {  	[tilespmem:s4+$0x1B700] =	vst.add.f32.msk $0xffff, v1  }
0x1fe: {  	[tilespmem:s4+$0x1B710] =	vst.add.f32.msk $0xffff, v2  }
0x1ff: {  	[tilespmem:s4+$0x1B720] =	vst.add.f32.msk $0xffff, v0;
	s4 =	sshra.s32 s5, $0x2;
	s5 =	sadd.s32 $0x400, s5  }
0x200: {  	[tilespmem:s4+$0x1B730] =	vst.add.f32.msk $0xffff, v3  }
0x201: {  	[tilespmem:s4+$0x1B640] =	vst.add.f32.msk $0xffff, v1  }
0x202: {  	[tilespmem:s4+$0x1B650] =	vst.add.f32.msk $0xffff, v2  }
0x203: {  	[tilespmem:s4+$0x1B660] =	vst.add.f32.msk $0xffff, v0  }
0x204: {  	[tilespmem:s4+$0x1B670] =	vst.add.f32.msk $0xffff, v3  }
0x205: {  	[tilespmem:s4+$0x1B680] =	vst.add.f32.msk $0xffff, v1  }
0x206: {  	[tilespmem:s4+$0x1B690] =	vst.add.f32.msk $0xffff, v2  }
0x207: {  	[tilespmem:s4+$0x1B6A0] =	vst.add.f32.msk $0xffff, v0  }
0x208: {  	[tilespmem:s4+$0x1B6B0] =	vst.add.f32.msk $0xffff, v3  }
0x209: {  	[tilespmem:s4+$0x1B6C0] =	vst.add.f32.msk $0xffff, v1  }
0x20a: {  	[tilespmem:s4+$0x1B6D0] =	vst.add.f32.msk $0xffff, v2  }
0x20b: {  	[tilespmem:s4+$0x1B6E0] =	vst.add.f32.msk $0xffff, v0  }
.Ltmp12:
0x20c: {  	[tilespmem:s4+$0x1B6F0] =	vst.add.f32.msk $0xffff, v3;
	(pc) =	sbr.rel @p0 .LBB2_24-.Ltmp12, $4  }
0x20d: {  	[tilespmem:s4+$0x1B700] =	vst.add.f32.msk $0xffff, v1  }
0x20e: {  	[tilespmem:s4+$0x1B710] =	vst.add.f32.msk $0xffff, v2;
	s5 =	sshll.u32 s23, $0xF  }
0x20f: {  	[tilespmem:s4+$0x1B720] =	vst.add.f32.msk $0xffff, v0;
	s23 =	sadd.s32 s5, s6  }
0x210: {  	[hbm4b:s23+s2] =	stream.linear.scatter [tilespmem:s29], [sflag:$0x14], $0x2000, $0x38;
	[tilespmem:$0x1D640] =	vst v63  }
0x211: {  	s4 =	smul.u32 $0x1400, s7  }
.Ltmp13:
0x212: {  	_ = 	snop;
	(pc) =	sbr.rel .LBB2_2-.Ltmp13, $4  }
0x213: {  	_ =	swait.ge [sflag:s21], $0x2000  }
0x214: {  	[sflag:s21] =	ssyncset.done $0x0;
	s4 =	sshra.s32 s4, $0x2  }
0x215: {  	s7 =	sadd.s32 $0x1, s7;
	[sflag:s21] =	ssyncadd.s32 $0xFFFFE000;
	s4 =	sadd.s32 $0x880, s4  }
0x216: {  	[tilespmem:s24], [sflag:$0x8] =	stream.indirect.gather [hbm4b:s3+s10], $0x40, s4, s10, $0xb8;
	[tilespmem:$0x1D640] =	vst v63  }
.LBB2_25:
0x217: {  	_ =	sfence.sel $0x180000  }
0x218: {  	[bflag:$0x0] =	sbarrier.arrive $0xFFFF  }
0x219: {  	_ =	strace $0x90000047  }
0x21a: {  	s0 =	stileid.u32;
	[bflag:$0x2] =	sbarrier.arrive $0xFFFF  }
0x21b: {  	p0 =	sne.s32 s0, $0x0;
	s0 =	rddreg [dreg:$0x2]  }
0x21c: {  	s0 =	sadd.s32 @!p0 $0x100000, s0  }
0x21d: {  	[sflag:s0] =	ssyncadd.tile.s32 @!p0 $0x1;
	_ =	shalt  }
.Lfunc_end2:
_tile_overlayer_lowered:
.L_overlay_start_2:
0x21e: {  	(tag) =	ssettag $0x2  }
0x21f: {  	s0 =	rddreg [dreg:$0x0];
	s2 =	stileid.u32  }
0x220: {  	s1 =	rddreg [dreg:$0x1];
	p0 =	sne.s32 s2, $0x0  }
0x221: {  	s3 =	rddreg [dreg:$0x2];
	[bflag:$0x3] =	sbarrier.arrive $0xFFFF;
	s2 =	simm.s32 @!p0 $0x1C15  }
0x222: {  	[timem:s3], [sflag:s2] =	dma.local @!p0 [hbm:s0], s1  }
0x223: {  	s0 =	simm.s32 @!p0 $0x15  }
0x224: {  	_ =	swait.ge @!p0 [sflag:s0], s1  }
0x225: {  	s1 =	ssub.s32 @!p0 $0x0, s1;
	[sflag:s0] =	ssyncset.done @!p0 $0x0  }
0x226: {  	[sflag:s0] =	ssyncadd.s32 @!p0 s1  }
0x227: {  	[bflag:$0x3] =	sbarrier.arrive $0xFFFF  }
0x228: {  	_ =	shalt  }

// kernel: sparse-core-data-format-call.cloned.1.call-start
scs
called_computation_lowered:
.L_overlay_start_0:
0x0: {  	s2 =	sld [smem:$0x3FD9]  }
0x1: {  	s3 =	sld [smem:$0x3FFE];
	_ =	sdelay $0x1  }
0x2: {  	s1 =	srdreg.scid  }
0x3: {  	s0 =	sand.u32 $0x1, s1  }
0x4: {  	s18 =	sshll.u32 s0, $0xA;
	s2 =	sadd.s32 s3, s2  }
0x5: {  	s2 =	sadd.s32 s2, s18  }
0x6: {  	[smem:$0x3FC5] =	sst s2  }
0x7: {  	_ = 	snop  }
0x8: {  	s2 =	sld [smem:$0x3FD0];
	(tm) =	ssettm $0x1  }
0x9: {  	s19 =	sld [smem:$0x3FFB];
	_ =	sdelay $0x3  }
0xa: {  	_ =	strace s19  }
0xb: {  	s3 =	sld [smem:$0x3FFC];
	_ =	sdelay $0x3  }
0xc: {  	_ =	strace s3  }
0xd: {  	s3 =	sld [smem:$0x3FFD];
	_ =	sdelay $0x3  }
0xe: {  	_ =	strace s3  }
0xf: {  	_ =	strace $0x8FFFFFFF  }
0x10: {  	s20 =	sld [smem:$0x3FDB];
	_ =	sdelay $0x1  }
0x11: {  	s4 =	simm.s32 $_scs_section_size  }
0x12: {  	s5 =	simm.s32 $_size__tile_overlayer_lowered;
	s6 =	simm.s32 $_tile_overlayer_lowered  }
0x13: {  	s23 =	simm.s32 $0x1BFF;
	s22 =	sshll.u32 s6, $0x1;
	s3 =	sadd.s32 s4, s20  }
0x14: {  	s7 =	simm.s32 $0x0;
	s21 =	sshll.u32 s5, $0x1;
	s5 =	sadd.s32 s22, s3  }
0x15: {  	[timem:s7], [sflag:s23] =	dma.local [hbm:s5], s21  }
0x16: {  	_ =	swait.ge [sflag:s23], s21  }
0x17: {  	s4 =	ssub.s32 $0x0, s21;
	[sflag:s23] =	ssyncset.done $0x0  }
0x18: {  	[sflag:s23] =	ssyncadd.s32 s4;
	_ =	sdelay $0x1  }
0x19: {  	s24 =	simm.s32 $0x1B8B  }
0x1a: {  	_ =	swait.ge [sflag:s24], $0x1  }
0x1b: {  	[sflag:s24] =	ssyncset.done $0x0  }
0x1c: {  	s26 =	simm.s32 $0x1B8E;
	s25 =	sld [smem:$0x3FFE];
	[sflag:s24] =	ssyncadd.s32 $0xFFFFFFFF  }
0x1d: {  	s27 =	simm.s32 $execute0_lowered;
	[smem:$0x3FD2] =	sst s26  }
0x1e: {  	s5 =	sshll.u32 s27, $0x1;
	_ =	strace $0x80000049;
	[dreg:$0x1] =	wrdreg $0xFFFFFFFF  }
0x1f: {  	s28 =	simm.s32 $_size_execute0_lowered;
	s3 =	sadd.s32 s3, s5;
	[dreg:$0x0] =	wrdreg $0x0  }
0x20: {  	s5 =	sshll.u32 s28, $0x1;
	[dreg:$0x2] =	wrdreg s3  }
0x21: {  	[dreg:$0x3] =	wrdreg s5  }
0x22: {  	[dreg:$0x4] =	wrdreg $0xC0  }
0x23: {  	_ =	task [dreg:s7], $0x5FFFF  }
0x24: {  	[dreg:$0x1] =	wrdreg $0xFFFFFFFF  }
0x25: {  	[dreg:$0x0] =	wrdreg $0x60  }
0x26: {  	[dreg:$0x2] =	wrdreg s25  }
0x27: {  	[dreg:$0x3] =	wrdreg s2  }
0x28: {  	[dreg:$0x4] =	wrdreg $0x9  }
0x29: {  	_ =	task.clear_ibuf [dreg:s7], $0x5FFFF;
	_ =	strace $0x90000049  }
0x2a: {  	s29 =	simm.s32 $0x9;
	_ =	strace $0x8000004B  }
0x2b: {  	_ =	swait.ge [sflag:s29], $0x1  }
0x2c: {  	[sflag:s29] =	ssyncadd.s32 $0xFFFFFFFF  }
0x2d: {  	_ =	strace $0x9000004B  }
0x2e: {  	_ =	sfence  }
0x2f: {  	s30 =	sld [smem:$0x0];
	_ =	sdelay $0x2  }
0x30: {  	s31 =	sshll.u32 s1, $0xD;
	s1 =	sshrl.u32 s1, $0x2  }
0x31: {  	s3 =	sand.u32 $0x4000, s31;
	s1 =	sadd.s32 s1, s30  }
0x32: {  	s0 =	sor.u32 s3, s0;
	s1 =	sshll.u32 s1, $0x11  }
0x33: {  	s0 =	sor.u32 s1, s0  }
0x34: {  	s0 =	sadd.s32 $0x8F2B, s0  }
0x35: {  	[sflag:s0] =	ssyncadd.remote.s32 $0x1  }
0x36: {  	_ =	sfence.sel $0xFFFF  }
0x37: {  	[dreg:$0x0] =	wrdreg $0xFFFFFFFF;
	(pc) =	sbr.abs _section_cstart, $3  }
0x38: {  	[dreg:$0x1] =	wrdreg $0xFFFFFFFF  }
0x39: {  	_ =	task.clear_ibuf [dreg:s7], $0x2FFFF;
	_ =	strace $0x9FFFFFFF  }
0x3a: {  	(tm) =	ssettm $0x7FFFFFFF  }
0x3b: {  	_ =	shalt  }
tec
execute0_lowered:
.L_overlay_start_1:
0x0: {  	(tag) =	ssettag $0x1  }
0x1: {  	s0 =	srdreg.scid  }
0x2: {  	s1 =	sshll.u32 s0, $0x4  }
0x3: {  	s5 =	rddreg [dreg:$0x0];
	s0 =	stileid.u32;
	s1 =	sand.u32 $0x10, s1  }
0x4: {  	s3 =	rddreg [dreg:$0x1];
	s31 =	simm.s32 $0x2;
	s4 =	sor.u32 s0, s1  }
0x5: {  	s13 =	simm.s32 $0x0;
	s9 =	simm.s32 $0x400;
	s2 =	sshll.u32 s4, $0x7  }
0x6: {  	s10 =	simm.s32 $0x8000;
	s14 =	simm.s32 $0x0;
	s6 =	ssub.s32 $0x1000, s2  }
0x7: {  	s1 =	rddreg [dreg:$0x2];
	_ =	strace $0x8000004A;
	s7 =	sand.u32 $0xF80, s6  }
0x8: {  	s4 =	sshll.u32 s4, $0xB;
	p0 =	sne.s32 s7, $0x0;
	s7 =	simm.s32 $0x1  }
.Ltmp0:
0x9: {  	s6 =	sshrl.u32 s6, $0xC;
	s7 =	simm.s32 @!p0 $0x0;
	(pc) =	sbr.rel .LBB1_1-.Ltmp0, $4  }
0xa: {  	s8 =	sadd.s32 s4, s5;
	s4 =	simm.s32 $0x1;
	s30 =	sadd.s32 s7, s6  }
0xb: {  	s11 =	simm.s32 $0x0;
	[sflag:s4] =	ssyncpa.u1 $0x0;
	s5 =	smul.u32 $0x64, s30  }
0xc: {  	s12 =	simm.s32 $0x0;
	[sflag:s31] =	ssyncpa.u1 $0x0;
	p0 =	por $0x0, $0x0  }
0xd: {  	s6 =	sadd.s32 $0xC00, s8;
	s7 =	sadd.s32 $0x10C00, s8;
	s8 =	sor.u32 $0x1, s5  }
.LBB1_7:
0xe: {  	s15 =	sadd.s32 $0x2, s11  }
0xf: {  	p2 =	sgt.s32 s15, $0xC7  }
0x10: {  	s15 =	simm.s32 @p2 $0x0;
	p2 =	sne.s32 s12, s8  }
.Ltmp1:
0x11: {  	p1 =	slt.u32 s12, $0x2;
	(pc) =	sbr.rel @!p2 .LBB1_8-.Ltmp1, $4  }
0x12: {  	s13 =	simm.s32 @!p1 $0x2  }
0x13: {  	s16 =	sadd.s32 $0x1, s12;
	s14 =	smov.u32 s11;
	_ =	swait.ge @!p1 [sflag:s13], $0x4000  }
0x14: {  	p0 =	por !p0, !p0;
	s12 =	smov.u32 s16;
	[sflag:s13] =	ssyncset.done @!p1 $0x0  }
0x15: {  	s11 =	smov.u32 s15;
	[sflag:s13] =	ssyncadd.s32 @!p1 $0xFFFFC000;
	s13 =	smov.u32 s2  }
.LBB1_1:
0x16: {  	p1 =	sge.u32 s12, s5  }
0x17: {  	s15 =	sxor.u32 @!p1 $0xFFFFFFFF, s12  }
0x18: {  	s16 =	sshll.u32 @!p1 s11, $0x10;
	s18 =	simm.s32 @!p1 $0x40;
	s15 =	sshll.u32 @!p1 s15, $0xE  }
0x19: {  	s19 =	simm.s32 @!p1 $0x80;
	s17 =	sadd.s32 @!p1 s16, s6;
	s15 =	sand.u32 @!p1 $0x4000, s15  }
0x1a: {  	[tilespmem:s15], [sflag:$0x1] =	stream.strided.gather @!p1 [hbm4b:s17+s18], $0x2000, s19, s18, $0x38;
	[tilespmem:$0x10100] =	vst v63  }
0x1b: {  	s31 =	sadd.s32 $0xFFFFFFFF, s12;
	s16 =	sadd.s32 @!p1 s16, s7;
	s15 =	sor.u32 @!p1 $0x2000, s15  }
0x1c: {  	[tilespmem:s15], [sflag:$0x1] =	stream.strided.gather @!p1 [hbm4b:s16+s18], $0x2000, s19, s18, $0x38;
	[tilespmem:$0x10100] =	vst v63  }
0x1d: {  	p1 =	sge.u32 s31, s5  }
.Ltmp2:
0x1e: {  	_ = 	snop;
	(pc) =	sbr.rel @p1 .LBB1_7-.Ltmp2, $1  }
0x1f: {  	_ =	sdelay $0x3  }
0x20: {  	s15 =	simm.s32 $0x1;
	s17 =	sand.u32 $0x1, s12  }
0x21: {  	_ =	swait.ge [sflag:s4], $0x4000;
	s15 =	simm.s32 @!p0 $0x0;
	s17 =	smul.u32 $0x10200, s17  }
0x22: {  	p2 =	por $0x1, $0x1;
	[sflag:s4] =	ssyncset.done $0x0;
	s16 =	smul.u32 $0x10200, s15  }
0x23: {  	s18 =	sshll.u32 s15, $0x10;
	[sflag:s4] =	ssyncadd.s32 $0xFFFFC000;
	s30 =	sshrl.u32 s17, $0x2  }
0x24: {  	s31 =	sshrl.u32 s18, $0x2;
	s18 =	simm.s32 $0x0;
	s16 =	sshrl.u32 s16, $0x2  }
0x25: {  	s15 =	sor.u32 $0x8000, s30;
	s17 =	sadd.s32 $0x20, s31;
	s16 =	sor.u32 $0x8000, s16  }
.LBB1_3:
0x26: {  	s19 =	sshll.u32 s18, $0xD  }
0x27: {  	s19 =	sand.u32 $0x3FFFE000, s19  }
0x28: {  	s21 =	sadd.s32 s19, s17  }
0x29: {  	s31 =	smul.u32 $0x8100, s18;
	v3 =	vld [tilespmem:s21+$0x10]  }
0x2a: {  	v1 =	vld [tilespmem:s21+$0xFFFFFFF0]  }
0x2b: {  	s18 =	sshra.s32 s31, $0x2;
	v0 =	vld [tilespmem:s21+$0x0]  }
0x2c: {  	s18 =	sadd.s32 s18, s16;
	v2 =	vld [tilespmem:s21+$0xFFFFFFE0]  }
0x2d: {  	s19 =	sadd.s32 $0x0, s18  }
0x2e: {  	p1 =	por p2, p2;
	s20 =	simm.s32 $0x4;
	s21 =	sadd.s32 $0x40, s21;
	[tilespmem:s19+$0x1830 ss:$0x81] =	vst.msk $0xffff, v3  }
.LBB1_4:
0x2f: {  	v3 =	vld [tilespmem:s21+$0x10];
	p2 =	sne.s32 s20, $0x1FC;
	[tilespmem:s19+$0x810 ss:$0x81] =	vst.msk $0xffff, v1;
	s22 =	smov.u32 s20;
	s20 =	sadd.s32 $0x4, s20  }
.Ltmp3:
0x30: {  	v1 =	vld [tilespmem:s21+$0xFFFFFFF0];
	[tilespmem:s19+$0x1020 ss:$0x81] =	vst.msk $0xffff, v0;
	(pc) =	sbr.rel @p2 .LBB1_4-.Ltmp3, $4  }
0x31: {  	v0 =	vld [tilespmem:s21+$0x0];
	[tilespmem:s19+$0x0 ss:$0x81] =	vst.msk $0xffff, v2  }
0x32: {  	s19 =	sshra.s32 s22, $0x2;
	v2 =	vld [tilespmem:s21+$0xFFFFFFE0]  }
0x33: {  	s19 =	sadd.s32 s19, s18  }
0x34: {  	s21 =	sadd.s32 $0x40, s21;
	[tilespmem:s19+$0x1830 ss:$0x81] =	vst.msk $0xffff, v3  }
.Ltmp4:
0x35: {  	(pc) =	sbr.rel @p1 .LBB1_3-.Ltmp4, $4  }
0x36: {  	_ = 	snop  }
0x37: {  	[tilespmem:s19+$0x810 ss:$0x81] =	vst.msk $0xffff, v1  }
0x38: {  	[tilespmem:s19+$0x1020 ss:$0x81] =	vst.msk $0xffff, v0  }
0x39: {  	s18 =	simm.s32 $0x1;
	p2 =	por $0x0, $0x0;
	[tilespmem:s19+$0x0 ss:$0x81] =	vst.msk $0xffff, v2  }
.Ltmp5:
0x3a: {  	(pc) =	sbr.rel .LBB1_7-.Ltmp5, $4  }
0x3b: {  	s14 =	sshll.u32 s14, $0xF  }
0x3c: {  	s14 =	sadd.s32 s3, s14  }
0x3d: {  	s13 =	sadd.s32 s13, s14  }
0x3e: {  	[hbm4b:s13+s9] =	stream.strided.scatter [tilespmem:s15], [sflag:$0x2], $0x4000, s10, s9, $0x20;
	[tilespmem:$0x10100] =	vst v63  }
.LBB1_8:
0x3f: {  	_ =	sfence.sel $0x180000  }
0x40: {  	s2 =	simm.s32 $0x1;
	[bflag:$0x0] =	sbarrier.arrive $0xFFFF  }
0x41: {  	s31 =	simm.s32 $0x2;
	[sflag:s2] =	ssyncpa.u1 $0x1  }
0x42: {  	[sflag:s31] =	ssyncpa.u1 $0x1  }
0x43: {  	p0 =	sne.s32 s0, $0x0;
	_ =	strace $0x9000004A  }
0x44: {  	s0 =	sadd.s32 @!p0 $0x100000, s1;
	[bflag:$0x2] =	sbarrier.arrive $0xFFFF  }
0x45: {  	[sflag:s0] =	ssyncadd.tile.s32 @!p0 $0x1;
	_ =	shalt  }
.Lfunc_end1:
_tile_overlayer_lowered:
.L_overlay_start_2:
0x46: {  	(tag) =	ssettag $0x2  }
0x47: {  	s0 =	rddreg [dreg:$0x0];
	s2 =	stileid.u32  }
0x48: {  	s1 =	rddreg [dreg:$0x1];
	p0 =	sne.s32 s2, $0x0  }
0x49: {  	s3 =	rddreg [dreg:$0x2];
	[bflag:$0x3] =	sbarrier.arrive $0xFFFF;
	s2 =	simm.s32 @!p0 $0x1C01  }
0x4a: {  	[timem:s3], [sflag:s2] =	dma.local @!p0 [hbm:s0], s1  }
0x4b: {  	s0 =	simm.s32 @!p0 $0x1  }
0x4c: {  	_ =	swait.ge @!p0 [sflag:s0], s1  }
0x4d: {  	s1 =	ssub.s32 @!p0 $0x0, s1;
	[sflag:s0] =	ssyncset.done @!p0 $0x0  }
0x4e: {  	[sflag:s0] =	ssyncadd.s32 @!p0 s1  }
0x4f: {  	[bflag:$0x3] =	sbarrier.arrive $0xFFFF  }
0x50: {  	_ =	shalt  }

</sc_bundles>
